<compile_context>
chip_gen: v7x
topology: tpu7x:2x2x1
jax: 0.10.2.dev20260603
libtpu: 0.0.44.dev20260713+nightly
codegen_flags: <defaults>
</compile_context>

<pallas_src>
import functools

import jax
import jax.numpy as jnp
from jax import lax
from jax.experimental import pallas as pl
from jax.experimental.pallas import tpu as pltpu
from jax.experimental.pallas import tpu_sc as plsc

_L_COORD = 5.0
_L_NOOBJ = 0.5
_NW = 32
_LANES = 16


def _sqrt16(x):
    i = plsc.bitcast(x, jnp.int32)
    i = jnp.int32(0x5F3759DF) - lax.shift_right_logical(i, 1)
    y = plsc.bitcast(i, jnp.float32)
    xh = 0.5 * x
    y = y * (1.5 - xh * y * y)
    y = y * (1.5 - xh * y * y)
    y = y * (1.5 - xh * y * y)
    return x * y


def kernel(predict, target):
    N = predict.shape[0]
    G = predict.shape[1] * predict.shape[2]
    CH = predict.shape[3]
    p = jnp.transpose(predict, (1, 2, 3, 0)).reshape(G, CH, N)
    t = jnp.transpose(target, (1, 2, 3, 0)).reshape(G, CH, N)

    NB = N // _NW
    GR = NB // _LANES

    mesh = plsc.VectorSubcoreMesh(core_axis_name="c", subcore_axis_name="s")

    @functools.partial(
        pl.kernel,
        out_type=jax.ShapeDtypeStruct((_NW, _LANES), jnp.float32),
        mesh=mesh,
        scratch_types=[
            pltpu.VMEM((CH, NB), jnp.float32),
            pltpu.VMEM((CH, NB), jnp.float32),
            pltpu.VMEM((CH, NB), jnp.float32),
            pltpu.VMEM((CH, NB), jnp.float32),
            pltpu.VMEM((_LANES,), jnp.float32),
            pltpu.SemaphoreType.DMA,
            pltpu.SemaphoreType.DMA,
        ],
        compiler_params=pltpu.CompilerParams(needs_layout_passes=False),
    )
    def yolo_sc(p_hbm, t_hbm, out_hbm, pb0, tb0, pb1, tb1, ob, sem0, sem1):
        wid = lax.axis_index("s") * 2 + lax.axis_index("c")
        n0 = wid * NB

        def start_fetch(cell, pbuf, tbuf, sem):
            pltpu.async_copy(p_hbm.at[cell, :, pl.ds(n0, NB)], pbuf, sem)
            pltpu.async_copy(t_hbm.at[cell, :, pl.ds(n0, NB)], tbuf, sem)

        def wait_fetch(pbuf, tbuf, sem):
            pltpu.make_async_copy(p_hbm.at[0, :, pl.ds(0, NB)], pbuf, sem).wait()
            pltpu.make_async_copy(t_hbm.at[0, :, pl.ds(0, NB)], tbuf, sem).wait()

        def group_body(g, acc, pb, tb):
            def gp(c):
                return pb[c, pl.ds(g, _LANES)]

            def gt(c):
                return tb[c, pl.ds(g, _LANES)]

            t4 = gt(4)
            obj = jnp.where(t4 > 0.0, 1.0, 0.0)
            noobj = 1.0 - obj
            p4 = gp(4)
            p9 = gp(9)
            t9 = gt(9)
            d4 = p4 - t4
            d9 = p9 - t9
            noobj_l = noobj * (d4 * d4 + d9 * d9)

            tx = gt(0)
            ty = gt(1)
            tw = gt(2)
            th = gt(3)
            t1x = tx - 0.5 * tw
            t1y = ty - 0.5 * th
            t2x = tx + 0.5 * tw
            t2y = ty + 0.5 * th
            area_t = tw * th

            def iou_box(px, py, pw, ph):
                p1x = px - 0.5 * pw
                p1y = py - 0.5 * ph
                p2x = px + 0.5 * pw
                p2y = py + 0.5 * ph
                ltx = jnp.maximum(p1x, t1x)
                lty = jnp.maximum(p1y, t1y)
                rbx = jnp.minimum(p2x, t2x)
                rby = jnp.minimum(p2y, t2y)
                wx = jnp.maximum(rbx - ltx, 0.0)
                wy = jnp.maximum(rby - lty, 0.0)
                inter = wx * wy
                return inter / (pw * ph + area_t - inter)

            p0x = gp(0)
            p0y = gp(1)
            p0w = gp(2)
            p0h = gp(3)
            p1x = gp(5)
            p1y = gp(6)
            p1w = gp(7)
            p1h = gp(8)
            iou0 = iou_box(p0x, p0y, p0w, p0h)
            iou1 = iou_box(p1x, p1y, p1w, p1h)
            sel = iou1 > iou0
            max_iou = jnp.maximum(iou0, iou1)

            rpx = jnp.where(sel, p1x, p0x)
            rpy = jnp.where(sel, p1y, p0y)
            rpw = jnp.where(sel, p1w, p0w)
            rph = jnp.where(sel, p1h, p0h)
            rpc = jnp.where(sel, p9, p4)
            ncc = jnp.where(sel, p4, p9)
            t5 = gt(5)
            t6 = gt(6)
            t7 = gt(7)
            t8 = gt(8)
            rtx = jnp.where(sel, t5, tx)
            rty = jnp.where(sel, t6, ty)
            rtw = jnp.where(sel, t7, tw)
            rth = jnp.where(sel, t8, th)

            dcx = rpx - rtx
            dcy = rpy - rty
            loc = dcx * dcx + dcy * dcy
            loc = loc + rpw + rtw - 2.0 * _sqrt16(rpw * rtw)
            loc = loc + rph + rth - 2.0 * _sqrt16(rph * rth)
            dcc = rpc - max_iou
            contain = dcc * dcc
            notcontain = ncc * ncc

            cls = None
            for c in range(10, CH):
                dp = gp(c) - gt(c)
                sq = dp * dp
                cls = sq if cls is None else cls + sq

            cell = obj * (_L_COORD * loc + 2.0 * contain + notcontain + cls) \
                + _L_NOOBJ * noobj_l
            return acc + cell

        def run_cell(acc, pb, tb):
            @plsc.parallel_loop(0, NB, step=_LANES, carry=acc)
            def _loop(g, a):
                return group_body(g, a, pb, tb)
            return _loop

        start_fetch(0, pb0, tb0, sem0)

        def cell_pair(j, acc):
            k = j * 2
            start_fetch(k + 1, pb1, tb1, sem1)
            wait_fetch(pb0, tb0, sem0)
            acc = run_cell(acc, pb0, tb0)
            start_fetch(jnp.minimum(k + 2, G - 1), pb0, tb0, sem0)
            wait_fetch(pb1, tb1, sem1)
            acc = run_cell(acc, pb1, tb1)
            return acc

        acc = lax.fori_loop(0, G // 2, cell_pair,
                            jnp.zeros((_LANES,), jnp.float32))
        wait_fetch(pb0, tb0, sem0)
        acc = run_cell(acc, pb0, tb0)
        ob[...] = acc
        pltpu.sync_copy(ob, out_hbm.at[wid])

    out = yolo_sc(p, t)
    return jnp.sum(out) / N

# --- scband reference (transcript-rebuilt; emitter-appended) ---
"""Pipeline reference for scband-yolo-v1-loss-6605659701993 (READ-ONLY COPY).

The authoritative reference and input builder live on the scoring server;
editing this copy changes nothing except your own understanding.
"""

import jax, jax.numpy as jnp
import numpy as np

S = 7
B = 2
L_COORD = 5.0
L_NOOBJ = 0.5


def setup_inputs(seed: int = 0) -> dict:
    key = jax.random.key(seed)
    k1, k2, k3 = jax.random.split(key, 3)
    batch = 8192
    # uniform in (0,1): predict w/h pass through sqrt in the loss, must be positive
    predict = jax.random.uniform(k1, (batch, S, S, 30), dtype=jnp.float32, minval=1e-3, maxval=1.0)
    target = jax.random.uniform(k2, (batch, S, S, 30), dtype=jnp.float32, minval=1e-3, maxval=1.0)
    # YOLO targets have binary objectness: ~30% of cells contain an object
    conf = (jax.random.uniform(k3, (batch, S, S)) > 0.7).astype(jnp.float32)
    target = target.at[..., 4].set(conf)
    target = target.at[..., 9].set(conf)
    return {"predict": predict, "target": target}


def reference(predict, target):
    # Faithful vectorized (shape-static) rewrite of YoloV1Loss.forward.
    # Boolean-mask row-selection in the torch code is replaced by multiplying
    # per-cell loss terms with obj / noobj masks; the per-pair python loop that
    # picks the responsible box by IoU is replaced by a vectorized argmax over
    # the B=2 predicted boxes of every cell.
    N = predict.shape[0]
    p = predict.reshape(-1, 30)
    t = target.reshape(-1, 30)
    obj = (t[:, 4] > 0).astype(p.dtype)      # coord_mask per cell
    noobj = (t[:, 4] == 0).astype(p.dtype)   # noobj_mask per cell

    # ---- noobj confidence loss (columns 4 and 9) ----
    noobj_loss = jnp.sum(noobj * ((p[:, 4] - t[:, 4]) ** 2 + (p[:, 9] - t[:, 9]) ** 2))

    # ---- responsible-box selection via IoU (detached, matching .data usage) ----
    pb = p[:, :10].reshape(-1, 2, 5)   # [C, 2, 5] predicted boxes
    tb = t[:, :10].reshape(-1, 2, 5)   # [C, 2, 5] target boxes
    tbox = tb[:, 0, :]                 # loop uses coord_box_target[i] (box 0)

    p1 = pb[:, :, :2] - 0.5 * pb[:, :, 2:4]
    p2 = pb[:, :, :2] + 0.5 * pb[:, :, 2:4]
    t1 = tbox[:, :2] - 0.5 * tbox[:, 2:4]
    t2 = tbox[:, :2] + 0.5 * tbox[:, 2:4]

    lt = jnp.maximum(p1, t1[:, None, :])
    rb = jnp.minimum(p2, t2[:, None, :])
    wh = jnp.clip(rb - lt, 0.0, None)
    inter = wh[:, :, 0] * wh[:, :, 1]
    area_p = (p2[:, :, 0] - p1[:, :, 0]) * (p2[:, :, 1] - p1[:, :, 1])
    area_t = (t2[:, 0] - t1[:, 0]) * (t2[:, 1] - t1[:, 1])
    iou = inter / (area_p + area_t[:, None] - inter)   # [C, 2]
    iou = jax.lax.stop_gradient(iou)                   # torch uses max_iou.data

    max_iou = jnp.max(iou, axis=1)
    idx = jnp.argmax(iou, axis=1)                      # responsible box index in {0,1}

    resp_pred = jnp.take_along_axis(pb, idx[:, None, None], axis=1)[:, 0, :]
    resp_tgt = jnp.take_along_axis(tb, idx[:, None, None], axis=1)[:, 0, :]
    notresp_pred = jnp.take_along_axis(pb, (1 - idx)[:, None, None], axis=1)[:, 0, :]

    contain_loss = jnp.sum(obj * (resp_pred[:, 4] - max_iou) ** 2)
    loc_loss = jnp.sum(obj[:, None] * (resp_pred[:, :2] - resp_tgt[:, :2]) ** 2) + \
        jnp.sum(obj[:, None] * (jnp.sqrt(resp_pred[:, 2:4]) - jnp.sqrt(resp_tgt[:, 2:4])) ** 2)
    # box_target_not_response[:, 4] is overwritten with 0 in torch
    not_contain_loss = jnp.sum(obj * (notresp_pred[:, 4]) ** 2)
    class_loss = jnp.sum(obj[:, None] * (p[:, 10:] - t[:, 10:]) ** 2)

    loss = (L_COORD * loc_loss + 2.0 * contain_loss + not_contain_loss
            + L_NOOBJ * noobj_loss + class_loss) / N
    return loss

if __name__ == "__main__":
    import jax
    _d = setup_inputs()
    print(jax.jit(kernel)(*tuple(_d.values())))

</pallas_src>

<mosaic_0001>
#map = affine_map<(d0, d1) -> (0, 0, 0)>
#map1 = affine_map<(d0, d1) -> (0, 0)>
module attributes {stable_mosaic.version = 14 : i64} {
  func.func @yolo_sc(%arg0: i32, %arg1: i32, %arg2: memref<49x30x8192xf32, #tpu.memory_space<hbm>>, %arg3: memref<49x30x8192xf32, #tpu.memory_space<hbm>>, %arg4: memref<32x16xf32, #tpu.memory_space<hbm>>, %arg5: memref<30x256xf32, #tpu.memory_space<vmem>>, %arg6: memref<30x256xf32, #tpu.memory_space<vmem>>, %arg7: memref<30x256xf32, #tpu.memory_space<vmem>>, %arg8: memref<30x256xf32, #tpu.memory_space<vmem>>, %arg9: memref<16xf32, #tpu.memory_space<vmem>>, %arg10: memref<!tpu.dma_semaphore, #tpu.memory_space<semaphore_mem>>, %arg11: memref<!tpu.dma_semaphore, #tpu.memory_space<semaphore_mem>>) attributes {dimension_semantics = [#tpu.dimension_semantics<core_parallel>, #tpu.dimension_semantics<subcore_parallel>], iteration_bounds = array<i64: 2, 16>, scalar_prefetch = 0 : i64, scratch_operands = 7 : i64, tpu.core_type = #tpu.core_type<sc_vector_subcore>, window_params = [{transform_indices = #map}, {transform_indices = #map}, {transform_indices = #map1}]} {
    %mul3A = arith.constant 2 : i32
    %mul3A_0 = arith.muli %arg1, %mul3A : i32
    %add3A = arith.addi %mul3A_0, %arg0 : i32
    %mul3A_1 = arith.constant 256 : i32
    %mul3A_2 = arith.muli %add3A, %mul3A_1 : i32
    %dma_start3A = arith.constant 0 : i32
    %dma_start3A_3 = arith.constant 0 : i32
    %dma_start3A_4 = tpu.memref_slice %arg2[%dma_start3A, %dma_start3A_3, %mul3A_2] : memref<49x30x8192xf32, #tpu.memory_space<hbm>> -> memref<1x30x256xf32, #tpu.memory_space<hbm>>
    %dma_start3A_5 = tpu.memref_squeeze %dma_start3A_4 : memref<1x30x256xf32, #tpu.memory_space<hbm>> -> memref<30x256xf32, #tpu.memory_space<hbm>>
    %dma_start3A_6 = arith.constant 0 : i32
    %dma_start3A_7 = tpu.memref_slice %arg2[%dma_start3A, %dma_start3A_6, %mul3A_2] : memref<49x30x8192xf32, #tpu.memory_space<hbm>> -> memref<1x30x256xf32, #tpu.memory_space<hbm>>
    %dma_start3A_8 = tpu.memref_squeeze %dma_start3A_7 : memref<1x30x256xf32, #tpu.memory_space<hbm>> -> memref<30x256xf32, #tpu.memory_space<hbm>>
    tpu.enqueue_dma source(%dma_start3A_8 : memref<30x256xf32, #tpu.memory_space<hbm>>) target(%arg5 : memref<30x256xf32, #tpu.memory_space<vmem>>) target_semaphore(%arg10 : memref<!tpu.dma_semaphore, #tpu.memory_space<semaphore_mem>>)
    %dma_start3A_9 = arith.constant 0 : i32
    %dma_start3A_10 = arith.constant 0 : i32
    %dma_start3A_11 = tpu.memref_slice %arg3[%dma_start3A_9, %dma_start3A_10, %mul3A_2] : memref<49x30x8192xf32, #tpu.memory_space<hbm>> -> memref<1x30x256xf32, #tpu.memory_space<hbm>>
    %dma_start3A_12 = tpu.memref_squeeze %dma_start3A_11 : memref<1x30x256xf32, #tpu.memory_space<hbm>> -> memref<30x256xf32, #tpu.memory_space<hbm>>
    %dma_start3A_13 = arith.constant 0 : i32
    %dma_start3A_14 = tpu.memref_slice %arg3[%dma_start3A_9, %dma_start3A_13, %mul3A_2] : memref<49x30x8192xf32, #tpu.memory_space<hbm>> -> memref<1x30x256xf32, #tpu.memory_space<hbm>>
    %dma_start3A_15 = tpu.memref_squeeze %dma_start3A_14 : memref<1x30x256xf32, #tpu.memory_space<hbm>> -> memref<30x256xf32, #tpu.memory_space<hbm>>
    tpu.enqueue_dma source(%dma_start3A_15 : memref<30x256xf32, #tpu.memory_space<hbm>>) target(%arg6 : memref<30x256xf32, #tpu.memory_space<vmem>>) target_semaphore(%arg10 : memref<!tpu.dma_semaphore, #tpu.memory_space<semaphore_mem>>)
    %broadcast_in_dim3A = arith.constant 0.000000e+00 : f32
    %broadcast_in_dim3A_16 = vector.broadcast %broadcast_in_dim3A : f32 to vector<16xf32>
    %scan3A = arith.constant 0 : i32
    %scan3A_17 = arith.constant 24 : i32
    %scan3A_18 = arith.addi %scan3A, %scan3A_17 : i32
    %scan3A_19 = arith.constant 1 : i32
    %scan3A_20 = scf.for %scan3A_43 = %scan3A to %scan3A_18 step %scan3A_19 iter_args(%scan3A_44 = %broadcast_in_dim3A_16) -> (vector<16xf32>)  : i32 {
      %mul3A_45 = arith.constant 2 : i32
      %mul3A_46 = arith.muli %scan3A_43, %mul3A_45 : i32
      %add3A_47 = arith.constant 1 : i32
      %add3A_48 = arith.addi %mul3A_46, %add3A_47 : i32
      %dma_start3A_49 = arith.constant 0 : i32
      %dma_start3A_50 = tpu.memref_slice %arg2[%add3A_48, %dma_start3A_49, %mul3A_2] : memref<49x30x8192xf32, #tpu.memory_space<hbm>> -> memref<1x30x256xf32, #tpu.memory_space<hbm>>
      %dma_start3A_51 = tpu.memref_squeeze %dma_start3A_50 : memref<1x30x256xf32, #tpu.memory_space<hbm>> -> memref<30x256xf32, #tpu.memory_space<hbm>>
      %dma_start3A_52 = arith.constant 0 : i32
      %dma_start3A_53 = tpu.memref_slice %arg2[%add3A_48, %dma_start3A_52, %mul3A_2] : memref<49x30x8192xf32, #tpu.memory_space<hbm>> -> memref<1x30x256xf32, #tpu.memory_space<hbm>>
      %dma_start3A_54 = tpu.memref_squeeze %dma_start3A_53 : memref<1x30x256xf32, #tpu.memory_space<hbm>> -> memref<30x256xf32, #tpu.memory_space<hbm>>
      tpu.enqueue_dma source(%dma_start3A_54 : memref<30x256xf32, #tpu.memory_space<hbm>>) target(%arg7 : memref<30x256xf32, #tpu.memory_space<vmem>>) target_semaphore(%arg11 : memref<!tpu.dma_semaphore, #tpu.memory_space<semaphore_mem>>)
      %dma_start3A_55 = arith.constant 0 : i32
      %dma_start3A_56 = tpu.memref_slice %arg3[%add3A_48, %dma_start3A_55, %mul3A_2] : memref<49x30x8192xf32, #tpu.memory_space<hbm>> -> memref<1x30x256xf32, #tpu.memory_space<hbm>>
      %dma_start3A_57 = tpu.memref_squeeze %dma_start3A_56 : memref<1x30x256xf32, #tpu.memory_space<hbm>> -> memref<30x256xf32, #tpu.memory_space<hbm>>
      %dma_start3A_58 = arith.constant 0 : i32
      %dma_start3A_59 = tpu.memref_slice %arg3[%add3A_48, %dma_start3A_58, %mul3A_2] : memref<49x30x8192xf32, #tpu.memory_space<hbm>> -> memref<1x30x256xf32, #tpu.memory_space<hbm>>
      %dma_start3A_60 = tpu.memref_squeeze %dma_start3A_59 : memref<1x30x256xf32, #tpu.memory_space<hbm>> -> memref<30x256xf32, #tpu.memory_space<hbm>>
      tpu.enqueue_dma source(%dma_start3A_60 : memref<30x256xf32, #tpu.memory_space<hbm>>) target(%arg8 : memref<30x256xf32, #tpu.memory_space<vmem>>) target_semaphore(%arg11 : memref<!tpu.dma_semaphore, #tpu.memory_space<semaphore_mem>>)
      %dma_wait3A_61 = arith.constant 0 : i32
      %dma_wait3A_62 = arith.constant 0 : i32
      %dma_wait3A_63 = arith.constant 0 : i32
      %dma_wait3A_64 = tpu.memref_slice %arg2[%dma_wait3A_61, %dma_wait3A_62, %dma_wait3A_63] : memref<49x30x8192xf32, #tpu.memory_space<hbm>> -> memref<1x30x256xf32, #tpu.memory_space<hbm>>
      %dma_wait3A_65 = tpu.memref_squeeze %dma_wait3A_64 : memref<1x30x256xf32, #tpu.memory_space<hbm>> -> memref<30x256xf32, #tpu.memory_space<hbm>>
      %dma_wait3A_66 = arith.constant 0 : i32
      %dma_wait3A_67 = arith.constant 0 : i32
      %dma_wait3A_68 = tpu.memref_slice %arg2[%dma_wait3A_61, %dma_wait3A_66, %dma_wait3A_67] : memref<49x30x8192xf32, #tpu.memory_space<hbm>> -> memref<1x30x256xf32, #tpu.memory_space<hbm>>
      %dma_wait3A_69 = tpu.memref_squeeze %dma_wait3A_68 : memref<1x30x256xf32, #tpu.memory_space<hbm>> -> memref<30x256xf32, #tpu.memory_space<hbm>>
      tpu.wait_dma2 semaphore(%arg10 : memref<!tpu.dma_semaphore, #tpu.memory_space<semaphore_mem>>) src(%dma_wait3A_69 : memref<30x256xf32, #tpu.memory_space<hbm>>) dst(%arg5 : memref<30x256xf32, #tpu.memory_space<vmem>>)
      %dma_wait3A_70 = arith.constant 0 : i32
      %dma_wait3A_71 = arith.constant 0 : i32
      %dma_wait3A_72 = arith.constant 0 : i32
      %dma_wait3A_73 = tpu.memref_slice %arg3[%dma_wait3A_70, %dma_wait3A_71, %dma_wait3A_72] : memref<49x30x8192xf32, #tpu.memory_space<hbm>> -> memref<1x30x256xf32, #tpu.memory_space<hbm>>
      %dma_wait3A_74 = tpu.memref_squeeze %dma_wait3A_73 : memref<1x30x256xf32, #tpu.memory_space<hbm>> -> memref<30x256xf32, #tpu.memory_space<hbm>>
      %dma_wait3A_75 = arith.constant 0 : i32
      %dma_wait3A_76 = arith.constant 0 : i32
      %dma_wait3A_77 = tpu.memref_slice %arg3[%dma_wait3A_70, %dma_wait3A_75, %dma_wait3A_76] : memref<49x30x8192xf32, #tpu.memory_space<hbm>> -> memref<1x30x256xf32, #tpu.memory_space<hbm>>
      %dma_wait3A_78 = tpu.memref_squeeze %dma_wait3A_77 : memref<1x30x256xf32, #tpu.memory_space<hbm>> -> memref<30x256xf32, #tpu.memory_space<hbm>>
      tpu.wait_dma2 semaphore(%arg10 : memref<!tpu.dma_semaphore, #tpu.memory_space<semaphore_mem>>) src(%dma_wait3A_78 : memref<30x256xf32, #tpu.memory_space<hbm>>) dst(%arg6 : memref<30x256xf32, #tpu.memory_space<vmem>>)
      %parallel_loop3A_79 = arith.constant 0 : i32
      %parallel_loop3A_80 = arith.constant 256 : i32
      %parallel_loop3A_81 = arith.constant 16 : i32
      %parallel_loop3A_82 = scf.for %parallel_loop3A_120 = %parallel_loop3A_79 to %parallel_loop3A_80 step %parallel_loop3A_81 iter_args(%parallel_loop3A_121 = %scan3A_44) -> (vector<16xf32>)  : i32 {
        %parallel_loop3A_122 = arith.constant 4 : i32
        %parallel_loop3A_123 = arith.index_cast %parallel_loop3A_122 : i32 to index
        %parallel_loop3A_124 = arith.index_cast %parallel_loop3A_120 : i32 to index
        %parallel_loop3A_125 = tpu.vector_load %arg6[%parallel_loop3A_123, %parallel_loop3A_124] {strides = array<i32>} : memref<30x256xf32, #tpu.memory_space<vmem>>, vector<16xf32>,
        %parallel_loop3A_126 = arith.constant 0.000000e+00 : f32
        %parallel_loop3A_127 = vector.broadcast %parallel_loop3A_126 : f32 to vector<16xf32>
        %parallel_loop3A_128 = arith.cmpf ogt, %parallel_loop3A_125, %parallel_loop3A_127 : vector<16xf32>
        %parallel_loop3A_129 = arith.constant 1.000000e+00 : f32
        %parallel_loop3A_130 = arith.constant 0.000000e+00 : f32
        %parallel_loop3A_131 = vector.broadcast %parallel_loop3A_129 : f32 to vector<16xf32>
        %parallel_loop3A_132 = vector.broadcast %parallel_loop3A_130 : f32 to vector<16xf32>
        %parallel_loop3A_133 = arith.select %parallel_loop3A_128, %parallel_loop3A_131, %parallel_loop3A_132 : vector<16xi1>, vector<16xf32>
        %parallel_loop3A_134 = arith.constant 1.000000e+00 : f32
        %parallel_loop3A_135 = vector.broadcast %parallel_loop3A_134 : f32 to vector<16xf32>
        %parallel_loop3A_136 = arith.subf %parallel_loop3A_135, %parallel_loop3A_133 : vector<16xf32>
        %parallel_loop3A_137 = arith.constant 4 : i32
        %parallel_loop3A_138 = arith.index_cast %parallel_loop3A_137 : i32 to index
        %parallel_loop3A_139 = arith.index_cast %parallel_loop3A_120 : i32 to index
        %parallel_loop3A_140 = tpu.vector_load %arg5[%parallel_loop3A_138, %parallel_loop3A_139] {strides = array<i32>} : memref<30x256xf32, #tpu.memory_space<vmem>>, vector<16xf32>,
        %parallel_loop3A_141 = arith.constant 9 : i32
        %parallel_loop3A_142 = arith.index_cast %parallel_loop3A_141 : i32 to index
        %parallel_loop3A_143 = arith.index_cast %parallel_loop3A_120 : i32 to index
        %parallel_loop3A_144 = tpu.vector_load %arg5[%parallel_loop3A_142, %parallel_loop3A_143] {strides = array<i32>} : memref<30x256xf32, #tpu.memory_space<vmem>>, vector<16xf32>,
        %parallel_loop3A_145 = arith.constant 9 : i32
        %parallel_loop3A_146 = arith.index_cast %parallel_loop3A_145 : i32 to index
        %parallel_loop3A_147 = arith.index_cast %parallel_loop3A_120 : i32 to index
        %parallel_loop3A_148 = tpu.vector_load %arg6[%parallel_loop3A_146, %parallel_loop3A_147] {strides = array<i32>} : memref<30x256xf32, #tpu.memory_space<vmem>>, vector<16xf32>,
        %parallel_loop3A_149 = arith.subf %parallel_loop3A_140, %parallel_loop3A_125 : vector<16xf32>
        %parallel_loop3A_150 = arith.subf %parallel_loop3A_144, %parallel_loop3A_148 : vector<16xf32>
        %parallel_loop3A_151 = arith.mulf %parallel_loop3A_149, %parallel_loop3A_149 : vector<16xf32>
        %parallel_loop3A_152 = arith.mulf %parallel_loop3A_150, %parallel_loop3A_150 : vector<16xf32>
        %parallel_loop3A_153 = arith.addf %parallel_loop3A_151, %parallel_loop3A_152 : vector<16xf32>
        %parallel_loop3A_154 = arith.mulf %parallel_loop3A_136, %parallel_loop3A_153 : vector<16xf32>
        %parallel_loop3A_155 = arith.constant 0 : i32
        %parallel_loop3A_156 = arith.index_cast %parallel_loop3A_155 : i32 to index
        %parallel_loop3A_157 = arith.index_cast %parallel_loop3A_120 : i32 to index
        %parallel_loop3A_158 = tpu.vector_load %arg6[%parallel_loop3A_156, %parallel_loop3A_157] {strides = array<i32>} : memref<30x256xf32, #tpu.memory_space<vmem>>, vector<16xf32>,
        %parallel_loop3A_159 = arith.constant 1 : i32
        %parallel_loop3A_160 = arith.index_cast %parallel_loop3A_159 : i32 to index
        %parallel_loop3A_161 = arith.index_cast %parallel_loop3A_120 : i32 to index
        %parallel_loop3A_162 = tpu.vector_load %arg6[%parallel_loop3A_160, %parallel_loop3A_161] {strides = array<i32>} : memref<30x256xf32, #tpu.memory_space<vmem>>, vector<16xf32>,
        %parallel_loop3A_163 = arith.constant 2 : i32
        %parallel_loop3A_164 = arith.index_cast %parallel_loop3A_163 : i32 to index
        %parallel_loop3A_165 = arith.index_cast %parallel_loop3A_120 : i32 to index
        %parallel_loop3A_166 = tpu.vector_load %arg6[%parallel_loop3A_164, %parallel_loop3A_165] {strides = array<i32>} : memref<30x256xf32, #tpu.memory_space<vmem>>, vector<16xf32>,
        %parallel_loop3A_167 = arith.constant 3 : i32
        %parallel_loop3A_168 = arith.index_cast %parallel_loop3A_167 : i32 to index
        %parallel_loop3A_169 = arith.index_cast %parallel_loop3A_120 : i32 to index
        %parallel_loop3A_170 = tpu.vector_load %arg6[%parallel_loop3A_168, %parallel_loop3A_169] {strides = array<i32>} : memref<30x256xf32, #tpu.memory_space<vmem>>, vector<16xf32>,
        %parallel_loop3A_171 = arith.constant 5.000000e-01 : f32
        %parallel_loop3A_172 = vector.broadcast %parallel_loop3A_171 : f32 to vector<16xf32>
        %parallel_loop3A_173 = arith.mulf %parallel_loop3A_172, %parallel_loop3A_166 : vector<16xf32>
        %parallel_loop3A_174 = arith.subf %parallel_loop3A_158, %parallel_loop3A_173 : vector<16xf32>
        %parallel_loop3A_175 = arith.constant 5.000000e-01 : f32
        %parallel_loop3A_176 = vector.broadcast %parallel_loop3A_175 : f32 to vector<16xf32>
        %parallel_loop3A_177 = arith.mulf %parallel_loop3A_176, %parallel_loop3A_170 : vector<16xf32>
        %parallel_loop3A_178 = arith.subf %parallel_loop3A_162, %parallel_loop3A_177 : vector<16xf32>
        %parallel_loop3A_179 = arith.constant 5.000000e-01 : f32
        %parallel_loop3A_180 = vector.broadcast %parallel_loop3A_179 : f32 to vector<16xf32>
        %parallel_loop3A_181 = arith.mulf %parallel_loop3A_180, %parallel_loop3A_166 : vector<16xf32>
        %parallel_loop3A_182 = arith.addf %parallel_loop3A_158, %parallel_loop3A_181 : vector<16xf32>
        %parallel_loop3A_183 = arith.constant 5.000000e-01 : f32
        %parallel_loop3A_184 = vector.broadcast %parallel_loop3A_183 : f32 to vector<16xf32>
        %parallel_loop3A_185 = arith.mulf %parallel_loop3A_184, %parallel_loop3A_170 : vector<16xf32>
        %parallel_loop3A_186 = arith.addf %parallel_loop3A_162, %parallel_loop3A_185 : vector<16xf32>
        %parallel_loop3A_187 = arith.mulf %parallel_loop3A_166, %parallel_loop3A_170 : vector<16xf32>
        %parallel_loop3A_188 = arith.constant 0 : i32
        %parallel_loop3A_189 = arith.index_cast %parallel_loop3A_188 : i32 to index
        %parallel_loop3A_190 = arith.index_cast %parallel_loop3A_120 : i32 to index
        %parallel_loop3A_191 = tpu.vector_load %arg5[%parallel_loop3A_189, %parallel_loop3A_190] {strides = array<i32>} : memref<30x256xf32, #tpu.memory_space<vmem>>, vector<16xf32>,
        %parallel_loop3A_192 = arith.constant 1 : i32
        %parallel_loop3A_193 = arith.index_cast %parallel_loop3A_192 : i32 to index
        %parallel_loop3A_194 = arith.index_cast %parallel_loop3A_120 : i32 to index
        %parallel_loop3A_195 = tpu.vector_load %arg5[%parallel_loop3A_193, %parallel_loop3A_194] {strides = array<i32>} : memref<30x256xf32, #tpu.memory_space<vmem>>, vector<16xf32>,
        %parallel_loop3A_196 = arith.constant 2 : i32
        %parallel_loop3A_197 = arith.index_cast %parallel_loop3A_196 : i32 to index
        %parallel_loop3A_198 = arith.index_cast %parallel_loop3A_120 : i32 to index
        %parallel_loop3A_199 = tpu.vector_load %arg5[%parallel_loop3A_197, %parallel_loop3A_198] {strides = array<i32>} : memref<30x256xf32, #tpu.memory_space<vmem>>, vector<16xf32>,
        %parallel_loop3A_200 = arith.constant 3 : i32
        %parallel_loop3A_201 = arith.index_cast %parallel_loop3A_200 : i32 to index
        %parallel_loop3A_202 = arith.index_cast %parallel_loop3A_120 : i32 to index
        %parallel_loop3A_203 = tpu.vector_load %arg5[%parallel_loop3A_201, %parallel_loop3A_202] {strides = array<i32>} : memref<30x256xf32, #tpu.memory_space<vmem>>, vector<16xf32>,
        %parallel_loop3A_204 = arith.constant 5 : i32
        %parallel_loop3A_205 = arith.index_cast %parallel_loop3A_204 : i32 to index
        %parallel_loop3A_206 = arith.index_cast %parallel_loop3A_120 : i32 to index
        %parallel_loop3A_207 = tpu.vector_load %arg5[%parallel_loop3A_205, %parallel_loop3A_206] {strides = array<i32>} : memref<30x256xf32, #tpu.memory_space<vmem>>, vector<16xf32>,
        %parallel_loop3A_208 = arith.constant 6 : i32
        %parallel_loop3A_209 = arith.index_cast %parallel_loop3A_208 : i32 to index
        %parallel_loop3A_210 = arith.index_cast %parallel_loop3A_120 : i32 to index
        %parallel_loop3A_211 = tpu.vector_load %arg5[%parallel_loop3A_209, %parallel_loop3A_210] {strides = array<i32>} : memref<30x256xf32, #tpu.memory_space<vmem>>, vector<16xf32>,
        %parallel_loop3A_212 = arith.constant 7 : i32
        %parallel_loop3A_213 = arith.index_cast %parallel_loop3A_212 : i32 to index
        %parallel_loop3A_214 = arith.index_cast %parallel_loop3A_120 : i32 to index
        %parallel_loop3A_215 = tpu.vector_load %arg5[%parallel_loop3A_213, %parallel_loop3A_214] {strides = array<i32>} : memref<30x256xf32, #tpu.memory_space<vmem>>, vector<16xf32>,
        %parallel_loop3A_216 = arith.constant 8 : i32
        %parallel_loop3A_217 = arith.index_cast %parallel_loop3A_216 : i32 to index
        %parallel_loop3A_218 = arith.index_cast %parallel_loop3A_120 : i32 to index
        %parallel_loop3A_219 = tpu.vector_load %arg5[%parallel_loop3A_217, %parallel_loop3A_218] {strides = array<i32>} : memref<30x256xf32, #tpu.memory_space<vmem>>, vector<16xf32>,
        %parallel_loop3A_220 = arith.constant 5.000000e-01 : f32
        %parallel_loop3A_221 = vector.broadcast %parallel_loop3A_220 : f32 to vector<16xf32>
        %parallel_loop3A_222 = arith.mulf %parallel_loop3A_221, %parallel_loop3A_199 : vector<16xf32>
        %parallel_loop3A_223 = arith.subf %parallel_loop3A_191, %parallel_loop3A_222 : vector<16xf32>
        %parallel_loop3A_224 = arith.constant 5.000000e-01 : f32
        %parallel_loop3A_225 = vector.broadcast %parallel_loop3A_224 : f32 to vector<16xf32>
        %parallel_loop3A_226 = arith.mulf %parallel_loop3A_225, %parallel_loop3A_203 : vector<16xf32>
        %parallel_loop3A_227 = arith.subf %parallel_loop3A_195, %parallel_loop3A_226 : vector<16xf32>
        %parallel_loop3A_228 = arith.constant 5.000000e-01 : f32
        %parallel_loop3A_229 = vector.broadcast %parallel_loop3A_228 : f32 to vector<16xf32>
        %parallel_loop3A_230 = arith.mulf %parallel_loop3A_229, %parallel_loop3A_199 : vector<16xf32>
        %parallel_loop3A_231 = arith.addf %parallel_loop3A_191, %parallel_loop3A_230 : vector<16xf32>
        %parallel_loop3A_232 = arith.constant 5.000000e-01 : f32
        %parallel_loop3A_233 = vector.broadcast %parallel_loop3A_232 : f32 to vector<16xf32>
        %parallel_loop3A_234 = arith.mulf %parallel_loop3A_233, %parallel_loop3A_203 : vector<16xf32>
        %parallel_loop3A_235 = arith.addf %parallel_loop3A_195, %parallel_loop3A_234 : vector<16xf32>
        %parallel_loop3A_236 = arith.maximumf %parallel_loop3A_223, %parallel_loop3A_174 : vector<16xf32>
        %parallel_loop3A_237 = arith.maximumf %parallel_loop3A_227, %parallel_loop3A_178 : vector<16xf32>
        %parallel_loop3A_238 = arith.minimumf %parallel_loop3A_231, %parallel_loop3A_182 : vector<16xf32>
        %parallel_loop3A_239 = arith.minimumf %parallel_loop3A_235, %parallel_loop3A_186 : vector<16xf32>
        %parallel_loop3A_240 = arith.subf %parallel_loop3A_238, %parallel_loop3A_236 : vector<16xf32>
        %parallel_loop3A_241 = arith.constant 0.000000e+00 : f32
        %parallel_loop3A_242 = vector.broadcast %parallel_loop3A_241 : f32 to vector<16xf32>
        %parallel_loop3A_243 = arith.maximumf %parallel_loop3A_240, %parallel_loop3A_242 : vector<16xf32>
        %parallel_loop3A_244 = arith.subf %parallel_loop3A_239, %parallel_loop3A_237 : vector<16xf32>
        %parallel_loop3A_245 = arith.constant 0.000000e+00 : f32
        %parallel_loop3A_246 = vector.broadcast %parallel_loop3A_245 : f32 to vector<16xf32>
        %parallel_loop3A_247 = arith.maximumf %parallel_loop3A_244, %parallel_loop3A_246 : vector<16xf32>
        %parallel_loop3A_248 = arith.mulf %parallel_loop3A_243, %parallel_loop3A_247 : vector<16xf32>
        %parallel_loop3A_249 = arith.mulf %parallel_loop3A_199, %parallel_loop3A_203 : vector<16xf32>
        %parallel_loop3A_250 = arith.addf %parallel_loop3A_249, %parallel_loop3A_187 : vector<16xf32>
        %parallel_loop3A_251 = arith.subf %parallel_loop3A_250, %parallel_loop3A_248 : vector<16xf32>
        %parallel_loop3A_252 = arith.divf %parallel_loop3A_248, %parallel_loop3A_251 : vector<16xf32>
        %parallel_loop3A_253 = arith.constant 5.000000e-01 : f32
        %parallel_loop3A_254 = vector.broadcast %parallel_loop3A_253 : f32 to vector<16xf32>
        %parallel_loop3A_255 = arith.mulf %parallel_loop3A_254, %parallel_loop3A_215 : vector<16xf32>
        %parallel_loop3A_256 = arith.subf %parallel_loop3A_207, %parallel_loop3A_255 : vector<16xf32>
        %parallel_loop3A_257 = arith.constant 5.000000e-01 : f32
        %parallel_loop3A_258 = vector.broadcast %parallel_loop3A_257 : f32 to vector<16xf32>
        %parallel_loop3A_259 = arith.mulf %parallel_loop3A_258, %parallel_loop3A_219 : vector<16xf32>
        %parallel_loop3A_260 = arith.subf %parallel_loop3A_211, %parallel_loop3A_259 : vector<16xf32>
        %parallel_loop3A_261 = arith.constant 5.000000e-01 : f32
        %parallel_loop3A_262 = vector.broadcast %parallel_loop3A_261 : f32 to vector<16xf32>
        %parallel_loop3A_263 = arith.mulf %parallel_loop3A_262, %parallel_loop3A_215 : vector<16xf32>
        %parallel_loop3A_264 = arith.addf %parallel_loop3A_207, %parallel_loop3A_263 : vector<16xf32>
        %parallel_loop3A_265 = arith.constant 5.000000e-01 : f32
        %parallel_loop3A_266 = vector.broadcast %parallel_loop3A_265 : f32 to vector<16xf32>
        %parallel_loop3A_267 = arith.mulf %parallel_loop3A_266, %parallel_loop3A_219 : vector<16xf32>
        %parallel_loop3A_268 = arith.addf %parallel_loop3A_211, %parallel_loop3A_267 : vector<16xf32>
        %parallel_loop3A_269 = arith.maximumf %parallel_loop3A_256, %parallel_loop3A_174 : vector<16xf32>
        %parallel_loop3A_270 = arith.maximumf %parallel_loop3A_260, %parallel_loop3A_178 : vector<16xf32>
        %parallel_loop3A_271 = arith.minimumf %parallel_loop3A_264, %parallel_loop3A_182 : vector<16xf32>
        %parallel_loop3A_272 = arith.minimumf %parallel_loop3A_268, %parallel_loop3A_186 : vector<16xf32>
        %parallel_loop3A_273 = arith.subf %parallel_loop3A_271, %parallel_loop3A_269 : vector<16xf32>
        %parallel_loop3A_274 = arith.constant 0.000000e+00 : f32
        %parallel_loop3A_275 = vector.broadcast %parallel_loop3A_274 : f32 to vector<16xf32>
        %parallel_loop3A_276 = arith.maximumf %parallel_loop3A_273, %parallel_loop3A_275 : vector<16xf32>
        %parallel_loop3A_277 = arith.subf %parallel_loop3A_272, %parallel_loop3A_270 : vector<16xf32>
        %parallel_loop3A_278 = arith.constant 0.000000e+00 : f32
        %parallel_loop3A_279 = vector.broadcast %parallel_loop3A_278 : f32 to vector<16xf32>
        %parallel_loop3A_280 = arith.maximumf %parallel_loop3A_277, %parallel_loop3A_279 : vector<16xf32>
        %parallel_loop3A_281 = arith.mulf %parallel_loop3A_276, %parallel_loop3A_280 : vector<16xf32>
        %parallel_loop3A_282 = arith.mulf %parallel_loop3A_215, %parallel_loop3A_219 : vector<16xf32>
        %parallel_loop3A_283 = arith.addf %parallel_loop3A_282, %parallel_loop3A_187 : vector<16xf32>
        %parallel_loop3A_284 = arith.subf %parallel_loop3A_283, %parallel_loop3A_281 : vector<16xf32>
        %parallel_loop3A_285 = arith.divf %parallel_loop3A_281, %parallel_loop3A_284 : vector<16xf32>
        %parallel_loop3A_286 = arith.cmpf ogt, %parallel_loop3A_285, %parallel_loop3A_252 : vector<16xf32>
        %parallel_loop3A_287 = arith.maximumf %parallel_loop3A_252, %parallel_loop3A_285 : vector<16xf32>
        %parallel_loop3A_288 = arith.select %parallel_loop3A_286, %parallel_loop3A_207, %parallel_loop3A_191 : vector<16xi1>, vector<16xf32>
        %parallel_loop3A_289 = arith.select %parallel_loop3A_286, %parallel_loop3A_211, %parallel_loop3A_195 : vector<16xi1>, vector<16xf32>
        %parallel_loop3A_290 = arith.select %parallel_loop3A_286, %parallel_loop3A_215, %parallel_loop3A_199 : vector<16xi1>, vector<16xf32>
        %parallel_loop3A_291 = arith.select %parallel_loop3A_286, %parallel_loop3A_219, %parallel_loop3A_203 : vector<16xi1>, vector<16xf32>
        %parallel_loop3A_292 = arith.select %parallel_loop3A_286, %parallel_loop3A_144, %parallel_loop3A_140 : vector<16xi1>, vector<16xf32>
        %parallel_loop3A_293 = arith.select %parallel_loop3A_286, %parallel_loop3A_140, %parallel_loop3A_144 : vector<16xi1>, vector<16xf32>
        %parallel_loop3A_294 = arith.constant 5 : i32
        %parallel_loop3A_295 = arith.index_cast %parallel_loop3A_294 : i32 to index
        %parallel_loop3A_296 = arith.index_cast %parallel_loop3A_120 : i32 to index
        %parallel_loop3A_297 = tpu.vector_load %arg6[%parallel_loop3A_295, %parallel_loop3A_296] {strides = array<i32>} : memref<30x256xf32, #tpu.memory_space<vmem>>, vector<16xf32>,
        %parallel_loop3A_298 = arith.constant 6 : i32
        %parallel_loop3A_299 = arith.index_cast %parallel_loop3A_298 : i32 to index
        %parallel_loop3A_300 = arith.index_cast %parallel_loop3A_120 : i32 to index
        %parallel_loop3A_301 = tpu.vector_load %arg6[%parallel_loop3A_299, %parallel_loop3A_300] {strides = array<i32>} : memref<30x256xf32, #tpu.memory_space<vmem>>, vector<16xf32>,
        %parallel_loop3A_302 = arith.constant 7 : i32
        %parallel_loop3A_303 = arith.index_cast %parallel_loop3A_302 : i32 to index
        %parallel_loop3A_304 = arith.index_cast %parallel_loop3A_120 : i32 to index
        %parallel_loop3A_305 = tpu.vector_load %arg6[%parallel_loop3A_303, %parallel_loop3A_304] {strides = array<i32>} : memref<30x256xf32, #tpu.memory_space<vmem>>, vector<16xf32>,
        %parallel_loop3A_306 = arith.constant 8 : i32
        %parallel_loop3A_307 = arith.index_cast %parallel_loop3A_306 : i32 to index
        %parallel_loop3A_308 = arith.index_cast %parallel_loop3A_120 : i32 to index
        %parallel_loop3A_309 = tpu.vector_load %arg6[%parallel_loop3A_307, %parallel_loop3A_308] {strides = array<i32>} : memref<30x256xf32, #tpu.memory_space<vmem>>, vector<16xf32>,
        %parallel_loop3A_310 = arith.select %parallel_loop3A_286, %parallel_loop3A_297, %parallel_loop3A_158 : vector<16xi1>, vector<16xf32>
        %parallel_loop3A_311 = arith.select %parallel_loop3A_286, %parallel_loop3A_301, %parallel_loop3A_162 : vector<16xi1>, vector<16xf32>
        %parallel_loop3A_312 = arith.select %parallel_loop3A_286, %parallel_loop3A_305, %parallel_loop3A_166 : vector<16xi1>, vector<16xf32>
        %parallel_loop3A_313 = arith.select %parallel_loop3A_286, %parallel_loop3A_309, %parallel_loop3A_170 : vector<16xi1>, vector<16xf32>
        %parallel_loop3A_314 = arith.subf %parallel_loop3A_288, %parallel_loop3A_310 : vector<16xf32>
        %parallel_loop3A_315 = arith.subf %parallel_loop3A_289, %parallel_loop3A_311 : vector<16xf32>
        %parallel_loop3A_316 = arith.mulf %parallel_loop3A_314, %parallel_loop3A_314 : vector<16xf32>
        %parallel_loop3A_317 = arith.mulf %parallel_loop3A_315, %parallel_loop3A_315 : vector<16xf32>
        %parallel_loop3A_318 = arith.addf %parallel_loop3A_316, %parallel_loop3A_317 : vector<16xf32>
        %parallel_loop3A_319 = arith.addf %parallel_loop3A_318, %parallel_loop3A_290 : vector<16xf32>
        %parallel_loop3A_320 = arith.addf %parallel_loop3A_319, %parallel_loop3A_312 : vector<16xf32>
        %parallel_loop3A_321 = arith.mulf %parallel_loop3A_290, %parallel_loop3A_312 : vector<16xf32>
        %parallel_loop3A_322 = vector.bitcast %parallel_loop3A_321 : vector<16xf32> to vector<16xi32>
        %parallel_loop3A_323 = arith.constant 1 : i32
        %parallel_loop3A_324 = vector.broadcast %parallel_loop3A_323 : i32 to vector<16xi32>
        %parallel_loop3A_325 = arith.shrui %parallel_loop3A_322, %parallel_loop3A_324 : vector<16xi32>
        %parallel_loop3A_326 = arith.constant 1597463007 : i32
        %parallel_loop3A_327 = vector.broadcast %parallel_loop3A_326 : i32 to vector<16xi32>
        %parallel_loop3A_328 = arith.subi %parallel_loop3A_327, %parallel_loop3A_325 : vector<16xi32>
        %parallel_loop3A_329 = vector.bitcast %parallel_loop3A_328 : vector<16xi32> to vector<16xf32>
        %parallel_loop3A_330 = arith.constant 5.000000e-01 : f32
        %parallel_loop3A_331 = vector.broadcast %parallel_loop3A_330 : f32 to vector<16xf32>
        %parallel_loop3A_332 = arith.mulf %parallel_loop3A_331, %parallel_loop3A_321 : vector<16xf32>
        %parallel_loop3A_333 = arith.mulf %parallel_loop3A_332, %parallel_loop3A_329 : vector<16xf32>
        %parallel_loop3A_334 = arith.mulf %parallel_loop3A_333, %parallel_loop3A_329 : vector<16xf32>
        %parallel_loop3A_335 = arith.constant 1.500000e+00 : f32
        %parallel_loop3A_336 = vector.broadcast %parallel_loop3A_335 : f32 to vector<16xf32>
        %parallel_loop3A_337 = arith.subf %parallel_loop3A_336, %parallel_loop3A_334 : vector<16xf32>
        %parallel_loop3A_338 = arith.mulf %parallel_loop3A_329, %parallel_loop3A_337 : vector<16xf32>
        %parallel_loop3A_339 = arith.mulf %parallel_loop3A_332, %parallel_loop3A_338 : vector<16xf32>
        %parallel_loop3A_340 = arith.mulf %parallel_loop3A_339, %parallel_loop3A_338 : vector<16xf32>
        %parallel_loop3A_341 = arith.constant 1.500000e+00 : f32
        %parallel_loop3A_342 = vector.broadcast %parallel_loop3A_341 : f32 to vector<16xf32>
        %parallel_loop3A_343 = arith.subf %parallel_loop3A_342, %parallel_loop3A_340 : vector<16xf32>
        %parallel_loop3A_344 = arith.mulf %parallel_loop3A_338, %parallel_loop3A_343 : vector<16xf32>
        %parallel_loop3A_345 = arith.mulf %parallel_loop3A_332, %parallel_loop3A_344 : vector<16xf32>
        %parallel_loop3A_346 = arith.mulf %parallel_loop3A_345, %parallel_loop3A_344 : vector<16xf32>
        %parallel_loop3A_347 = arith.constant 1.500000e+00 : f32
        %parallel_loop3A_348 = vector.broadcast %parallel_loop3A_347 : f32 to vector<16xf32>
        %parallel_loop3A_349 = arith.subf %parallel_loop3A_348, %parallel_loop3A_346 : vector<16xf32>
        %parallel_loop3A_350 = arith.mulf %parallel_loop3A_344, %parallel_loop3A_349 : vector<16xf32>
        %parallel_loop3A_351 = arith.mulf %parallel_loop3A_321, %parallel_loop3A_350 : vector<16xf32>
        %parallel_loop3A_352 = arith.constant 2.000000e+00 : f32
        %parallel_loop3A_353 = vector.broadcast %parallel_loop3A_352 : f32 to vector<16xf32>
        %parallel_loop3A_354 = arith.mulf %parallel_loop3A_353, %parallel_loop3A_351 : vector<16xf32>
        %parallel_loop3A_355 = arith.subf %parallel_loop3A_320, %parallel_loop3A_354 : vector<16xf32>
        %parallel_loop3A_356 = arith.addf %parallel_loop3A_355, %parallel_loop3A_291 : vector<16xf32>
        %parallel_loop3A_357 = arith.addf %parallel_loop3A_356, %parallel_loop3A_313 : vector<16xf32>
        %parallel_loop3A_358 = arith.mulf %parallel_loop3A_291, %parallel_loop3A_313 : vector<16xf32>
        %parallel_loop3A_359 = vector.bitcast %parallel_loop3A_358 : vector<16xf32> to vector<16xi32>
        %parallel_loop3A_360 = arith.constant 1 : i32
        %parallel_loop3A_361 = vector.broadcast %parallel_loop3A_360 : i32 to vector<16xi32>
        %parallel_loop3A_362 = arith.shrui %parallel_loop3A_359, %parallel_loop3A_361 : vector<16xi32>
        %parallel_loop3A_363 = arith.constant 1597463007 : i32
        %parallel_loop3A_364 = vector.broadcast %parallel_loop3A_363 : i32 to vector<16xi32>
        %parallel_loop3A_365 = arith.subi %parallel_loop3A_364, %parallel_loop3A_362 : vector<16xi32>
        %parallel_loop3A_366 = vector.bitcast %parallel_loop3A_365 : vector<16xi32> to vector<16xf32>
        %parallel_loop3A_367 = arith.constant 5.000000e-01 : f32
        %parallel_loop3A_368 = vector.broadcast %parallel_loop3A_367 : f32 to vector<16xf32>
        %parallel_loop3A_369 = arith.mulf %parallel_loop3A_368, %parallel_loop3A_358 : vector<16xf32>
        %parallel_loop3A_370 = arith.mulf %parallel_loop3A_369, %parallel_loop3A_366 : vector<16xf32>
        %parallel_loop3A_371 = arith.mulf %parallel_loop3A_370, %parallel_loop3A_366 : vector<16xf32>
        %parallel_loop3A_372 = arith.constant 1.500000e+00 : f32
        %parallel_loop3A_373 = vector.broadcast %parallel_loop3A_372 : f32 to vector<16xf32>
        %parallel_loop3A_374 = arith.subf %parallel_loop3A_373, %parallel_loop3A_371 : vector<16xf32>
        %parallel_loop3A_375 = arith.mulf %parallel_loop3A_366, %parallel_loop3A_374 : vector<16xf32>
        %parallel_loop3A_376 = arith.mulf %parallel_loop3A_369, %parallel_loop3A_375 : vector<16xf32>
        %parallel_loop3A_377 = arith.mulf %parallel_loop3A_376, %parallel_loop3A_375 : vector<16xf32>
        %parallel_loop3A_378 = arith.constant 1.500000e+00 : f32
        %parallel_loop3A_379 = vector.broadcast %parallel_loop3A_378 : f32 to vector<16xf32>
        %parallel_loop3A_380 = arith.subf %parallel_loop3A_379, %parallel_loop3A_377 : vector<16xf32>
        %parallel_loop3A_381 = arith.mulf %parallel_loop3A_375, %parallel_loop3A_380 : vector<16xf32>
        %parallel_loop3A_382 = arith.mulf %parallel_loop3A_369, %parallel_loop3A_381 : vector<16xf32>
        %parallel_loop3A_383 = arith.mulf %parallel_loop3A_382, %parallel_loop3A_381 : vector<16xf32>
        %parallel_loop3A_384 = arith.constant 1.500000e+00 : f32
        %parallel_loop3A_385 = vector.broadcast %parallel_loop3A_384 : f32 to vector<16xf32>
        %parallel_loop3A_386 = arith.subf %parallel_loop3A_385, %parallel_loop3A_383 : vector<16xf32>
        %parallel_loop3A_387 = arith.mulf %parallel_loop3A_381, %parallel_loop3A_386 : vector<16xf32>
        %parallel_loop3A_388 = arith.mulf %parallel_loop3A_358, %parallel_loop3A_387 : vector<16xf32>
        %parallel_loop3A_389 = arith.constant 2.000000e+00 : f32
        %parallel_loop3A_390 = vector.broadcast %parallel_loop3A_389 : f32 to vector<16xf32>
        %parallel_loop3A_391 = arith.mulf %parallel_loop3A_390, %parallel_loop3A_388 : vector<16xf32>
        %parallel_loop3A_392 = arith.subf %parallel_loop3A_357, %parallel_loop3A_391 : vector<16xf32>
        %parallel_loop3A_393 = arith.subf %parallel_loop3A_292, %parallel_loop3A_287 : vector<16xf32>
        %parallel_loop3A_394 = arith.mulf %parallel_loop3A_393, %parallel_loop3A_393 : vector<16xf32>
        %parallel_loop3A_395 = arith.mulf %parallel_loop3A_293, %parallel_loop3A_293 : vector<16xf32>
        %parallel_loop3A_396 = arith.constant 10 : i32
        %parallel_loop3A_397 = arith.index_cast %parallel_loop3A_396 : i32 to index
        %parallel_loop3A_398 = arith.index_cast %parallel_loop3A_120 : i32 to index
        %parallel_loop3A_399 = tpu.vector_load %arg5[%parallel_loop3A_397, %parallel_loop3A_398] {strides = array<i32>} : memref<30x256xf32, #tpu.memory_space<vmem>>, vector<16xf32>,
        %parallel_loop3A_400 = arith.constant 10 : i32
        %parallel_loop3A_401 = arith.index_cast %parallel_loop3A_400 : i32 to index
        %parallel_loop3A_402 = arith.index_cast %parallel_loop3A_120 : i32 to index
        %parallel_loop3A_403 = tpu.vector_load %arg6[%parallel_loop3A_401, %parallel_loop3A_402] {strides = array<i32>} : memref<30x256xf32, #tpu.memory_space<vmem>>, vector<16xf32>,
        %parallel_loop3A_404 = arith.subf %parallel_loop3A_399, %parallel_loop3A_403 : vector<16xf32>
        %parallel_loop3A_405 = arith.mulf %parallel_loop3A_404, %parallel_loop3A_404 : vector<16xf32>
        %parallel_loop3A_406 = arith.constant 11 : i32
        %parallel_loop3A_407 = arith.index_cast %parallel_loop3A_406 : i32 to index
        %parallel_loop3A_408 = arith.index_cast %parallel_loop3A_120 : i32 to index
        %parallel_loop3A_409 = tpu.vector_load %arg5[%parallel_loop3A_407, %parallel_loop3A_408] {strides = array<i32>} : memref<30x256xf32, #tpu.memory_space<vmem>>, vector<16xf32>,
        %parallel_loop3A_410 = arith.constant 11 : i32
        %parallel_loop3A_411 = arith.index_cast %parallel_loop3A_410 : i32 to index
        %parallel_loop3A_412 = arith.index_cast %parallel_loop3A_120 : i32 to index
        %parallel_loop3A_413 = tpu.vector_load %arg6[%parallel_loop3A_411, %parallel_loop3A_412] {strides = array<i32>} : memref<30x256xf32, #tpu.memory_space<vmem>>, vector<16xf32>,
        %parallel_loop3A_414 = arith.subf %parallel_loop3A_409, %parallel_loop3A_413 : vector<16xf32>
        %parallel_loop3A_415 = arith.mulf %parallel_loop3A_414, %parallel_loop3A_414 : vector<16xf32>
        %parallel_loop3A_416 = arith.addf %parallel_loop3A_405, %parallel_loop3A_415 : vector<16xf32>
        %parallel_loop3A_417 = arith.constant 12 : i32
        %parallel_loop3A_418 = arith.index_cast %parallel_loop3A_417 : i32 to index
        %parallel_loop3A_419 = arith.index_cast %parallel_loop3A_120 : i32 to index
        %parallel_loop3A_420 = tpu.vector_load %arg5[%parallel_loop3A_418, %parallel_loop3A_419] {strides = array<i32>} : memref<30x256xf32, #tpu.memory_space<vmem>>, vector<16xf32>,
        %parallel_loop3A_421 = arith.constant 12 : i32
        %parallel_loop3A_422 = arith.index_cast %parallel_loop3A_421 : i32 to index
        %parallel_loop3A_423 = arith.index_cast %parallel_loop3A_120 : i32 to index
        %parallel_loop3A_424 = tpu.vector_load %arg6[%parallel_loop3A_422, %parallel_loop3A_423] {strides = array<i32>} : memref<30x256xf32, #tpu.memory_space<vmem>>, vector<16xf32>,
        %parallel_loop3A_425 = arith.subf %parallel_loop3A_420, %parallel_loop3A_424 : vector<16xf32>
        %parallel_loop3A_426 = arith.mulf %parallel_loop3A_425, %parallel_loop3A_425 : vector<16xf32>
        %parallel_loop3A_427 = arith.addf %parallel_loop3A_416, %parallel_loop3A_426 : vector<16xf32>
        %parallel_loop3A_428 = arith.constant 13 : i32
        %parallel_loop3A_429 = arith.index_cast %parallel_loop3A_428 : i32 to index
        %parallel_loop3A_430 = arith.index_cast %parallel_loop3A_120 : i32 to index
        %parallel_loop3A_431 = tpu.vector_load %arg5[%parallel_loop3A_429, %parallel_loop3A_430] {strides = array<i32>} : memref<30x256xf32, #tpu.memory_space<vmem>>, vector<16xf32>,
        %parallel_loop3A_432 = arith.constant 13 : i32
        %parallel_loop3A_433 = arith.index_cast %parallel_loop3A_432 : i32 to index
        %parallel_loop3A_434 = arith.index_cast %parallel_loop3A_120 : i32 to index
        %parallel_loop3A_435 = tpu.vector_load %arg6[%parallel_loop3A_433, %parallel_loop3A_434] {strides = array<i32>} : memref<30x256xf32, #tpu.memory_space<vmem>>, vector<16xf32>,
        %parallel_loop3A_436 = arith.subf %parallel_loop3A_431, %parallel_loop3A_435 : vector<16xf32>
        %parallel_loop3A_437 = arith.mulf %parallel_loop3A_436, %parallel_loop3A_436 : vector<16xf32>
        %parallel_loop3A_438 = arith.addf %parallel_loop3A_427, %parallel_loop3A_437 : vector<16xf32>
        %parallel_loop3A_439 = arith.constant 14 : i32
        %parallel_loop3A_440 = arith.index_cast %parallel_loop3A_439 : i32 to index
        %parallel_loop3A_441 = arith.index_cast %parallel_loop3A_120 : i32 to index
        %parallel_loop3A_442 = tpu.vector_load %arg5[%parallel_loop3A_440, %parallel_loop3A_441] {strides = array<i32>} : memref<30x256xf32, #tpu.memory_space<vmem>>, vector<16xf32>,
        %parallel_loop3A_443 = arith.constant 14 : i32
        %parallel_loop3A_444 = arith.index_cast %parallel_loop3A_443 : i32 to index
        %parallel_loop3A_445 = arith.index_cast %parallel_loop3A_120 : i32 to index
        %parallel_loop3A_446 = tpu.vector_load %arg6[%parallel_loop3A_444, %parallel_loop3A_445] {strides = array<i32>} : memref<30x256xf32, #tpu.memory_space<vmem>>, vector<16xf32>,
        %parallel_loop3A_447 = arith.subf %parallel_loop3A_442, %parallel_loop3A_446 : vector<16xf32>
        %parallel_loop3A_448 = arith.mulf %parallel_loop3A_447, %parallel_loop3A_447 : vector<16xf32>
        %parallel_loop3A_449 = arith.addf %parallel_loop3A_438, %parallel_loop3A_448 : vector<16xf32>
        %parallel_loop3A_450 = arith.constant 15 : i32
        %parallel_loop3A_451 = arith.index_cast %parallel_loop3A_450 : i32 to index
        %parallel_loop3A_452 = arith.index_cast %parallel_loop3A_120 : i32 to index
        %parallel_loop3A_453 = tpu.vector_load %arg5[%parallel_loop3A_451, %parallel_loop3A_452] {strides = array<i32>} : memref<30x256xf32, #tpu.memory_space<vmem>>, vector<16xf32>,
        %parallel_loop3A_454 = arith.constant 15 : i32
        %parallel_loop3A_455 = arith.index_cast %parallel_loop3A_454 : i32 to index
        %parallel_loop3A_456 = arith.index_cast %parallel_loop3A_120 : i32 to index
        %parallel_loop3A_457 = tpu.vector_load %arg6[%parallel_loop3A_455, %parallel_loop3A_456] {strides = array<i32>} : memref<30x256xf32, #tpu.memory_space<vmem>>, vector<16xf32>,
        %parallel_loop3A_458 = arith.subf %parallel_loop3A_453, %parallel_loop3A_457 : vector<16xf32>
        %parallel_loop3A_459 = arith.mulf %parallel_loop3A_458, %parallel_loop3A_458 : vector<16xf32>
        %parallel_loop3A_460 = arith.addf %parallel_loop3A_449, %parallel_loop3A_459 : vector<16xf32>
        %parallel_loop3A_461 = arith.constant 16 : i32
        %parallel_loop3A_462 = arith.index_cast %parallel_loop3A_461 : i32 to index
        %parallel_loop3A_463 = arith.index_cast %parallel_loop3A_120 : i32 to index
        %parallel_loop3A_464 = tpu.vector_load %arg5[%parallel_loop3A_462, %parallel_loop3A_463] {strides = array<i32>} : memref<30x256xf32, #tpu.memory_space<vmem>>, vector<16xf32>,
        %parallel_loop3A_465 = arith.constant 16 : i32
        %parallel_loop3A_466 = arith.index_cast %parallel_loop3A_465 : i32 to index
        %parallel_loop3A_467 = arith.index_cast %parallel_loop3A_120 : i32 to index
        %parallel_loop3A_468 = tpu.vector_load %arg6[%parallel_loop3A_466, %parallel_loop3A_467] {strides = array<i32>} : memref<30x256xf32, #tpu.memory_space<vmem>>, vector<16xf32>,
        %parallel_loop3A_469 = arith.subf %parallel_loop3A_464, %parallel_loop3A_468 : vector<16xf32>
        %parallel_loop3A_470 = arith.mulf %parallel_loop3A_469, %parallel_loop3A_469 : vector<16xf32>
        %parallel_loop3A_471 = arith.addf %parallel_loop3A_460, %parallel_loop3A_470 : vector<16xf32>
        %parallel_loop3A_472 = arith.constant 17 : i32
        %parallel_loop3A_473 = arith.index_cast %parallel_loop3A_472 : i32 to index
        %parallel_loop3A_474 = arith.index_cast %parallel_loop3A_120 : i32 to index
        %parallel_loop3A_475 = tpu.vector_load %arg5[%parallel_loop3A_473, %parallel_loop3A_474] {strides = array<i32>} : memref<30x256xf32, #tpu.memory_space<vmem>>, vector<16xf32>,
        %parallel_loop3A_476 = arith.constant 17 : i32
        %parallel_loop3A_477 = arith.index_cast %parallel_loop3A_476 : i32 to index
        %parallel_loop3A_478 = arith.index_cast %parallel_loop3A_120 : i32 to index
        %parallel_loop3A_479 = tpu.vector_load %arg6[%parallel_loop3A_477, %parallel_loop3A_478] {strides = array<i32>} : memref<30x256xf32, #tpu.memory_space<vmem>>, vector<16xf32>,
        %parallel_loop3A_480 = arith.subf %parallel_loop3A_475, %parallel_loop3A_479 : vector<16xf32>
        %parallel_loop3A_481 = arith.mulf %parallel_loop3A_480, %parallel_loop3A_480 : vector<16xf32>
        %parallel_loop3A_482 = arith.addf %parallel_loop3A_471, %parallel_loop3A_481 : vector<16xf32>
        %parallel_loop3A_483 = arith.constant 18 : i32
        %parallel_loop3A_484 = arith.index_cast %parallel_loop3A_483 : i32 to index
        %parallel_loop3A_485 = arith.index_cast %parallel_loop3A_120 : i32 to index
        %parallel_loop3A_486 = tpu.vector_load %arg5[%parallel_loop3A_484, %parallel_loop3A_485] {strides = array<i32>} : memref<30x256xf32, #tpu.memory_space<vmem>>, vector<16xf32>,
        %parallel_loop3A_487 = arith.constant 18 : i32
        %parallel_loop3A_488 = arith.index_cast %parallel_loop3A_487 : i32 to index
        %parallel_loop3A_489 = arith.index_cast %parallel_loop3A_120 : i32 to index
        %parallel_loop3A_490 = tpu.vector_load %arg6[%parallel_loop3A_488, %parallel_loop3A_489] {strides = array<i32>} : memref<30x256xf32, #tpu.memory_space<vmem>>, vector<16xf32>,
        %parallel_loop3A_491 = arith.subf %parallel_loop3A_486, %parallel_loop3A_490 : vector<16xf32>
        %parallel_loop3A_492 = arith.mulf %parallel_loop3A_491, %parallel_loop3A_491 : vector<16xf32>
        %parallel_loop3A_493 = arith.addf %parallel_loop3A_482, %parallel_loop3A_492 : vector<16xf32>
        %parallel_loop3A_494 = arith.constant 19 : i32
        %parallel_loop3A_495 = arith.index_cast %parallel_loop3A_494 : i32 to index
        %parallel_loop3A_496 = arith.index_cast %parallel_loop3A_120 : i32 to index
        %parallel_loop3A_497 = tpu.vector_load %arg5[%parallel_loop3A_495, %parallel_loop3A_496] {strides = array<i32>} : memref<30x256xf32, #tpu.memory_space<vmem>>, vector<16xf32>,
        %parallel_loop3A_498 = arith.constant 19 : i32
        %parallel_loop3A_499 = arith.index_cast %parallel_loop3A_498 : i32 to index
        %parallel_loop3A_500 = arith.index_cast %parallel_loop3A_120 : i32 to index
        %parallel_loop3A_501 = tpu.vector_load %arg6[%parallel_loop3A_499, %parallel_loop3A_500] {strides = array<i32>} : memref<30x256xf32, #tpu.memory_space<vmem>>, vector<16xf32>,
        %parallel_loop3A_502 = arith.subf %parallel_loop3A_497, %parallel_loop3A_501 : vector<16xf32>
        %parallel_loop3A_503 = arith.mulf %parallel_loop3A_502, %parallel_loop3A_502 : vector<16xf32>
        %parallel_loop3A_504 = arith.addf %parallel_loop3A_493, %parallel_loop3A_503 : vector<16xf32>
        %parallel_loop3A_505 = arith.constant 20 : i32
        %parallel_loop3A_506 = arith.index_cast %parallel_loop3A_505 : i32 to index
        %parallel_loop3A_507 = arith.index_cast %parallel_loop3A_120 : i32 to index
        %parallel_loop3A_508 = tpu.vector_load %arg5[%parallel_loop3A_506, %parallel_loop3A_507] {strides = array<i32>} : memref<30x256xf32, #tpu.memory_space<vmem>>, vector<16xf32>,
        %parallel_loop3A_509 = arith.constant 20 : i32
        %parallel_loop3A_510 = arith.index_cast %parallel_loop3A_509 : i32 to index
        %parallel_loop3A_511 = arith.index_cast %parallel_loop3A_120 : i32 to index
        %parallel_loop3A_512 = tpu.vector_load %arg6[%parallel_loop3A_510, %parallel_loop3A_511] {strides = array<i32>} : memref<30x256xf32, #tpu.memory_space<vmem>>, vector<16xf32>,
        %parallel_loop3A_513 = arith.subf %parallel_loop3A_508, %parallel_loop3A_512 : vector<16xf32>
        %parallel_loop3A_514 = arith.mulf %parallel_loop3A_513, %parallel_loop3A_513 : vector<16xf32>
        %parallel_loop3A_515 = arith.addf %parallel_loop3A_504, %parallel_loop3A_514 : vector<16xf32>
        %parallel_loop3A_516 = arith.constant 21 : i32
        %parallel_loop3A_517 = arith.index_cast %parallel_loop3A_516 : i32 to index
        %parallel_loop3A_518 = arith.index_cast %parallel_loop3A_120 : i32 to index
        %parallel_loop3A_519 = tpu.vector_load %arg5[%parallel_loop3A_517, %parallel_loop3A_518] {strides = array<i32>} : memref<30x256xf32, #tpu.memory_space<vmem>>, vector<16xf32>,
        %parallel_loop3A_520 = arith.constant 21 : i32
        %parallel_loop3A_521 = arith.index_cast %parallel_loop3A_520 : i32 to index
        %parallel_loop3A_522 = arith.index_cast %parallel_loop3A_120 : i32 to index
        %parallel_loop3A_523 = tpu.vector_load %arg6[%parallel_loop3A_521, %parallel_loop3A_522] {strides = array<i32>} : memref<30x256xf32, #tpu.memory_space<vmem>>, vector<16xf32>,
        %parallel_loop3A_524 = arith.subf %parallel_loop3A_519, %parallel_loop3A_523 : vector<16xf32>
        %parallel_loop3A_525 = arith.mulf %parallel_loop3A_524, %parallel_loop3A_524 : vector<16xf32>
        %parallel_loop3A_526 = arith.addf %parallel_loop3A_515, %parallel_loop3A_525 : vector<16xf32>
        %parallel_loop3A_527 = arith.constant 22 : i32
        %parallel_loop3A_528 = arith.index_cast %parallel_loop3A_527 : i32 to index
        %parallel_loop3A_529 = arith.index_cast %parallel_loop3A_120 : i32 to index
        %parallel_loop3A_530 = tpu.vector_load %arg5[%parallel_loop3A_528, %parallel_loop3A_529] {strides = array<i32>} : memref<30x256xf32, #tpu.memory_space<vmem>>, vector<16xf32>,
        %parallel_loop3A_531 = arith.constant 22 : i32
        %parallel_loop3A_532 = arith.index_cast %parallel_loop3A_531 : i32 to index
        %parallel_loop3A_533 = arith.index_cast %parallel_loop3A_120 : i32 to index
        %parallel_loop3A_534 = tpu.vector_load %arg6[%parallel_loop3A_532, %parallel_loop3A_533] {strides = array<i32>} : memref<30x256xf32, #tpu.memory_space<vmem>>, vector<16xf32>,
        %parallel_loop3A_535 = arith.subf %parallel_loop3A_530, %parallel_loop3A_534 : vector<16xf32>
        %parallel_loop3A_536 = arith.mulf %parallel_loop3A_535, %parallel_loop3A_535 : vector<16xf32>
        %parallel_loop3A_537 = arith.addf %parallel_loop3A_526, %parallel_loop3A_536 : vector<16xf32>
        %parallel_loop3A_538 = arith.constant 23 : i32
        %parallel_loop3A_539 = arith.index_cast %parallel_loop3A_538 : i32 to index
        %parallel_loop3A_540 = arith.index_cast %parallel_loop3A_120 : i32 to index
        %parallel_loop3A_541 = tpu.vector_load %arg5[%parallel_loop3A_539, %parallel_loop3A_540] {strides = array<i32>} : memref<30x256xf32, #tpu.memory_space<vmem>>, vector<16xf32>,
        %parallel_loop3A_542 = arith.constant 23 : i32
        %parallel_loop3A_543 = arith.index_cast %parallel_loop3A_542 : i32 to index
        %parallel_loop3A_544 = arith.index_cast %parallel_loop3A_120 : i32 to index
        %parallel_loop3A_545 = tpu.vector_load %arg6[%parallel_loop3A_543, %parallel_loop3A_544] {strides = array<i32>} : memref<30x256xf32, #tpu.memory_space<vmem>>, vector<16xf32>,
        %parallel_loop3A_546 = arith.subf %parallel_loop3A_541, %parallel_loop3A_545 : vector<16xf32>
        %parallel_loop3A_547 = arith.mulf %parallel_loop3A_546, %parallel_loop3A_546 : vector<16xf32>
        %parallel_loop3A_548 = arith.addf %parallel_loop3A_537, %parallel_loop3A_547 : vector<16xf32>
        %parallel_loop3A_549 = arith.constant 24 : i32
        %parallel_loop3A_550 = arith.index_cast %parallel_loop3A_549 : i32 to index
        %parallel_loop3A_551 = arith.index_cast %parallel_loop3A_120 : i32 to index
        %parallel_loop3A_552 = tpu.vector_load %arg5[%parallel_loop3A_550, %parallel_loop3A_551] {strides = array<i32>} : memref<30x256xf32, #tpu.memory_space<vmem>>, vector<16xf32>,
        %parallel_loop3A_553 = arith.constant 24 : i32
        %parallel_loop3A_554 = arith.index_cast %parallel_loop3A_553 : i32 to index
        %parallel_loop3A_555 = arith.index_cast %parallel_loop3A_120 : i32 to index
        %parallel_loop3A_556 = tpu.vector_load %arg6[%parallel_loop3A_554, %parallel_loop3A_555] {strides = array<i32>} : memref<30x256xf32, #tpu.memory_space<vmem>>, vector<16xf32>,
        %parallel_loop3A_557 = arith.subf %parallel_loop3A_552, %parallel_loop3A_556 : vector<16xf32>
        %parallel_loop3A_558 = arith.mulf %parallel_loop3A_557, %parallel_loop3A_557 : vector<16xf32>
        %parallel_loop3A_559 = arith.addf %parallel_loop3A_548, %parallel_loop3A_558 : vector<16xf32>
        %parallel_loop3A_560 = arith.constant 25 : i32
        %parallel_loop3A_561 = arith.index_cast %parallel_loop3A_560 : i32 to index
        %parallel_loop3A_562 = arith.index_cast %parallel_loop3A_120 : i32 to index
        %parallel_loop3A_563 = tpu.vector_load %arg5[%parallel_loop3A_561, %parallel_loop3A_562] {strides = array<i32>} : memref<30x256xf32, #tpu.memory_space<vmem>>, vector<16xf32>,
        %parallel_loop3A_564 = arith.constant 25 : i32
        %parallel_loop3A_565 = arith.index_cast %parallel_loop3A_564 : i32 to index
        %parallel_loop3A_566 = arith.index_cast %parallel_loop3A_120 : i32 to index
        %parallel_loop3A_567 = tpu.vector_load %arg6[%parallel_loop3A_565, %parallel_loop3A_566] {strides = array<i32>} : memref<30x256xf32, #tpu.memory_space<vmem>>, vector<16xf32>,
        %parallel_loop3A_568 = arith.subf %parallel_loop3A_563, %parallel_loop3A_567 : vector<16xf32>
        %parallel_loop3A_569 = arith.mulf %parallel_loop3A_568, %parallel_loop3A_568 : vector<16xf32>
        %parallel_loop3A_570 = arith.addf %parallel_loop3A_559, %parallel_loop3A_569 : vector<16xf32>
        %parallel_loop3A_571 = arith.constant 26 : i32
        %parallel_loop3A_572 = arith.index_cast %parallel_loop3A_571 : i32 to index
        %parallel_loop3A_573 = arith.index_cast %parallel_loop3A_120 : i32 to index
        %parallel_loop3A_574 = tpu.vector_load %arg5[%parallel_loop3A_572, %parallel_loop3A_573] {strides = array<i32>} : memref<30x256xf32, #tpu.memory_space<vmem>>, vector<16xf32>,
        %parallel_loop3A_575 = arith.constant 26 : i32
        %parallel_loop3A_576 = arith.index_cast %parallel_loop3A_575 : i32 to index
        %parallel_loop3A_577 = arith.index_cast %parallel_loop3A_120 : i32 to index
        %parallel_loop3A_578 = tpu.vector_load %arg6[%parallel_loop3A_576, %parallel_loop3A_577] {strides = array<i32>} : memref<30x256xf32, #tpu.memory_space<vmem>>, vector<16xf32>,
        %parallel_loop3A_579 = arith.subf %parallel_loop3A_574, %parallel_loop3A_578 : vector<16xf32>
        %parallel_loop3A_580 = arith.mulf %parallel_loop3A_579, %parallel_loop3A_579 : vector<16xf32>
        %parallel_loop3A_581 = arith.addf %parallel_loop3A_570, %parallel_loop3A_580 : vector<16xf32>
        %parallel_loop3A_582 = arith.constant 27 : i32
        %parallel_loop3A_583 = arith.index_cast %parallel_loop3A_582 : i32 to index
        %parallel_loop3A_584 = arith.index_cast %parallel_loop3A_120 : i32 to index
        %parallel_loop3A_585 = tpu.vector_load %arg5[%parallel_loop3A_583, %parallel_loop3A_584] {strides = array<i32>} : memref<30x256xf32, #tpu.memory_space<vmem>>, vector<16xf32>,
        %parallel_loop3A_586 = arith.constant 27 : i32
        %parallel_loop3A_587 = arith.index_cast %parallel_loop3A_586 : i32 to index
        %parallel_loop3A_588 = arith.index_cast %parallel_loop3A_120 : i32 to index
        %parallel_loop3A_589 = tpu.vector_load %arg6[%parallel_loop3A_587, %parallel_loop3A_588] {strides = array<i32>} : memref<30x256xf32, #tpu.memory_space<vmem>>, vector<16xf32>,
        %parallel_loop3A_590 = arith.subf %parallel_loop3A_585, %parallel_loop3A_589 : vector<16xf32>
        %parallel_loop3A_591 = arith.mulf %parallel_loop3A_590, %parallel_loop3A_590 : vector<16xf32>
        %parallel_loop3A_592 = arith.addf %parallel_loop3A_581, %parallel_loop3A_591 : vector<16xf32>
        %parallel_loop3A_593 = arith.constant 28 : i32
        %parallel_loop3A_594 = arith.index_cast %parallel_loop3A_593 : i32 to index
        %parallel_loop3A_595 = arith.index_cast %parallel_loop3A_120 : i32 to index
        %parallel_loop3A_596 = tpu.vector_load %arg5[%parallel_loop3A_594, %parallel_loop3A_595] {strides = array<i32>} : memref<30x256xf32, #tpu.memory_space<vmem>>, vector<16xf32>,
        %parallel_loop3A_597 = arith.constant 28 : i32
        %parallel_loop3A_598 = arith.index_cast %parallel_loop3A_597 : i32 to index
        %parallel_loop3A_599 = arith.index_cast %parallel_loop3A_120 : i32 to index
        %parallel_loop3A_600 = tpu.vector_load %arg6[%parallel_loop3A_598, %parallel_loop3A_599] {strides = array<i32>} : memref<30x256xf32, #tpu.memory_space<vmem>>, vector<16xf32>,
        %parallel_loop3A_601 = arith.subf %parallel_loop3A_596, %parallel_loop3A_600 : vector<16xf32>
        %parallel_loop3A_602 = arith.mulf %parallel_loop3A_601, %parallel_loop3A_601 : vector<16xf32>
        %parallel_loop3A_603 = arith.addf %parallel_loop3A_592, %parallel_loop3A_602 : vector<16xf32>
        %parallel_loop3A_604 = arith.constant 29 : i32
        %parallel_loop3A_605 = arith.index_cast %parallel_loop3A_604 : i32 to index
        %parallel_loop3A_606 = arith.index_cast %parallel_loop3A_120 : i32 to index
        %parallel_loop3A_607 = tpu.vector_load %arg5[%parallel_loop3A_605, %parallel_loop3A_606] {strides = array<i32>} : memref<30x256xf32, #tpu.memory_space<vmem>>, vector<16xf32>,
        %parallel_loop3A_608 = arith.constant 29 : i32
        %parallel_loop3A_609 = arith.index_cast %parallel_loop3A_608 : i32 to index
        %parallel_loop3A_610 = arith.index_cast %parallel_loop3A_120 : i32 to index
        %parallel_loop3A_611 = tpu.vector_load %arg6[%parallel_loop3A_609, %parallel_loop3A_610] {strides = array<i32>} : memref<30x256xf32, #tpu.memory_space<vmem>>, vector<16xf32>,
        %parallel_loop3A_612 = arith.subf %parallel_loop3A_607, %parallel_loop3A_611 : vector<16xf32>
        %parallel_loop3A_613 = arith.mulf %parallel_loop3A_612, %parallel_loop3A_612 : vector<16xf32>
        %parallel_loop3A_614 = arith.addf %parallel_loop3A_603, %parallel_loop3A_613 : vector<16xf32>
        %parallel_loop3A_615 = arith.constant 5.000000e+00 : f32
        %parallel_loop3A_616 = vector.broadcast %parallel_loop3A_615 : f32 to vector<16xf32>
        %parallel_loop3A_617 = arith.mulf %parallel_loop3A_616, %parallel_loop3A_392 : vector<16xf32>
        %parallel_loop3A_618 = arith.constant 2.000000e+00 : f32
        %parallel_loop3A_619 = vector.broadcast %parallel_loop3A_618 : f32 to vector<16xf32>
        %parallel_loop3A_620 = arith.mulf %parallel_loop3A_619, %parallel_loop3A_394 : vector<16xf32>
        %parallel_loop3A_621 = arith.addf %parallel_loop3A_617, %parallel_loop3A_620 : vector<16xf32>
        %parallel_loop3A_622 = arith.addf %parallel_loop3A_621, %parallel_loop3A_395 : vector<16xf32>
        %parallel_loop3A_623 = arith.addf %parallel_loop3A_622, %parallel_loop3A_614 : vector<16xf32>
        %parallel_loop3A_624 = arith.mulf %parallel_loop3A_133, %parallel_loop3A_623 : vector<16xf32>
        %parallel_loop3A_625 = arith.constant 5.000000e-01 : f32
        %parallel_loop3A_626 = vector.broadcast %parallel_loop3A_625 : f32 to vector<16xf32>
        %parallel_loop3A_627 = arith.mulf %parallel_loop3A_626, %parallel_loop3A_154 : vector<16xf32>
        %parallel_loop3A_628 = arith.addf %parallel_loop3A_624, %parallel_loop3A_627 : vector<16xf32>
        %parallel_loop3A_629 = arith.addf %parallel_loop3A_121, %parallel_loop3A_628 : vector<16xf32>
        scf.yield %parallel_loop3A_629 : vector<16xf32>
      } {sc.loop_unroll_factor = 1 : i64, sc.parallel_access}
      %add3A_83 = arith.constant 2 : i32
      %add3A_84 = arith.addi %mul3A_46, %add3A_83 : i32
      %min3A = arith.constant 48 : i32
      %min3A_85 = arith.minsi %add3A_84, %min3A : i32
      %dma_start3A_86 = arith.constant 0 : i32
      %dma_start3A_87 = tpu.memref_slice %arg2[%min3A_85, %dma_start3A_86, %mul3A_2] : memref<49x30x8192xf32, #tpu.memory_space<hbm>> -> memref<1x30x256xf32, #tpu.memory_space<hbm>>
      %dma_start3A_88 = tpu.memref_squeeze %dma_start3A_87 : memref<1x30x256xf32, #tpu.memory_space<hbm>> -> memref<30x256xf32, #tpu.memory_space<hbm>>
      %dma_start3A_89 = arith.constant 0 : i32
      %dma_start3A_90 = tpu.memref_slice %arg2[%min3A_85, %dma_start3A_89, %mul3A_2] : memref<49x30x8192xf32, #tpu.memory_space<hbm>> -> memref<1x30x256xf32, #tpu.memory_space<hbm>>
      %dma_start3A_91 = tpu.memref_squeeze %dma_start3A_90 : memref<1x30x256xf32, #tpu.memory_space<hbm>> -> memref<30x256xf32, #tpu.memory_space<hbm>>
      tpu.enqueue_dma source(%dma_start3A_91 : memref<30x256xf32, #tpu.memory_space<hbm>>) target(%arg5 : memref<30x256xf32, #tpu.memory_space<vmem>>) target_semaphore(%arg10 : memref<!tpu.dma_semaphore, #tpu.memory_space<semaphore_mem>>)
      %dma_start3A_92 = arith.constant 0 : i32
      %dma_start3A_93 = tpu.memref_slice %arg3[%min3A_85, %dma_start3A_92, %mul3A_2] : memref<49x30x8192xf32, #tpu.memory_space<hbm>> -> memref<1x30x256xf32, #tpu.memory_space<hbm>>
      %dma_start3A_94 = tpu.memref_squeeze %dma_start3A_93 : memref<1x30x256xf32, #tpu.memory_space<hbm>> -> memref<30x256xf32, #tpu.memory_space<hbm>>
      %dma_start3A_95 = arith.constant 0 : i32
      %dma_start3A_96 = tpu.memref_slice %arg3[%min3A_85, %dma_start3A_95, %mul3A_2] : memref<49x30x8192xf32, #tpu.memory_space<hbm>> -> memref<1x30x256xf32, #tpu.memory_space<hbm>>
      %dma_start3A_97 = tpu.memref_squeeze %dma_start3A_96 : memref<1x30x256xf32, #tpu.memory_space<hbm>> -> memref<30x256xf32, #tpu.memory_space<hbm>>
      tpu.enqueue_dma source(%dma_start3A_97 : memref<30x256xf32, #tpu.memory_space<hbm>>) target(%arg6 : memref<30x256xf32, #tpu.memory_space<vmem>>) target_semaphore(%arg10 : memref<!tpu.dma_semaphore, #tpu.memory_space<semaphore_mem>>)
      %dma_wait3A_98 = arith.constant 0 : i32
      %dma_wait3A_99 = arith.constant 0 : i32
      %dma_wait3A_100 = arith.constant 0 : i32
      %dma_wait3A_101 = tpu.memref_slice %arg2[%dma_wait3A_98, %dma_wait3A_99, %dma_wait3A_100] : memref<49x30x8192xf32, #tpu.memory_space<hbm>> -> memref<1x30x256xf32, #tpu.memory_space<hbm>>
      %dma_wait3A_102 = tpu.memref_squeeze %dma_wait3A_101 : memref<1x30x256xf32, #tpu.memory_space<hbm>> -> memref<30x256xf32, #tpu.memory_space<hbm>>
      %dma_wait3A_103 = arith.constant 0 : i32
      %dma_wait3A_104 = arith.constant 0 : i32
      %dma_wait3A_105 = tpu.memref_slice %arg2[%dma_wait3A_98, %dma_wait3A_103, %dma_wait3A_104] : memref<49x30x8192xf32, #tpu.memory_space<hbm>> -> memref<1x30x256xf32, #tpu.memory_space<hbm>>
      %dma_wait3A_106 = tpu.memref_squeeze %dma_wait3A_105 : memref<1x30x256xf32, #tpu.memory_space<hbm>> -> memref<30x256xf32, #tpu.memory_space<hbm>>
      tpu.wait_dma2 semaphore(%arg11 : memref<!tpu.dma_semaphore, #tpu.memory_space<semaphore_mem>>) src(%dma_wait3A_106 : memref<30x256xf32, #tpu.memory_space<hbm>>) dst(%arg7 : memref<30x256xf32, #tpu.memory_space<vmem>>)
      %dma_wait3A_107 = arith.constant 0 : i32
      %dma_wait3A_108 = arith.constant 0 : i32
      %dma_wait3A_109 = arith.constant 0 : i32
      %dma_wait3A_110 = tpu.memref_slice %arg3[%dma_wait3A_107, %dma_wait3A_108, %dma_wait3A_109] : memref<49x30x8192xf32, #tpu.memory_space<hbm>> -> memref<1x30x256xf32, #tpu.memory_space<hbm>>
      %dma_wait3A_111 = tpu.memref_squeeze %dma_wait3A_110 : memref<1x30x256xf32, #tpu.memory_space<hbm>> -> memref<30x256xf32, #tpu.memory_space<hbm>>
      %dma_wait3A_112 = arith.constant 0 : i32
      %dma_wait3A_113 = arith.constant 0 : i32
      %dma_wait3A_114 = tpu.memref_slice %arg3[%dma_wait3A_107, %dma_wait3A_112, %dma_wait3A_113] : memref<49x30x8192xf32, #tpu.memory_space<hbm>> -> memref<1x30x256xf32, #tpu.memory_space<hbm>>
      %dma_wait3A_115 = tpu.memref_squeeze %dma_wait3A_114 : memref<1x30x256xf32, #tpu.memory_space<hbm>> -> memref<30x256xf32, #tpu.memory_space<hbm>>
      tpu.wait_dma2 semaphore(%arg11 : memref<!tpu.dma_semaphore, #tpu.memory_space<semaphore_mem>>) src(%dma_wait3A_115 : memref<30x256xf32, #tpu.memory_space<hbm>>) dst(%arg8 : memref<30x256xf32, #tpu.memory_space<vmem>>)
      %parallel_loop3A_116 = arith.constant 0 : i32
      %parallel_loop3A_117 = arith.constant 256 : i32
      %parallel_loop3A_118 = arith.constant 16 : i32
      %parallel_loop3A_119 = scf.for %parallel_loop3A_120 = %parallel_loop3A_116 to %parallel_loop3A_117 step %parallel_loop3A_118 iter_args(%parallel_loop3A_121 = %parallel_loop3A_82) -> (vector<16xf32>)  : i32 {
        %parallel_loop3A_122 = arith.constant 4 : i32
        %parallel_loop3A_123 = arith.index_cast %parallel_loop3A_122 : i32 to index
        %parallel_loop3A_124 = arith.index_cast %parallel_loop3A_120 : i32 to index
        %parallel_loop3A_125 = tpu.vector_load %arg8[%parallel_loop3A_123, %parallel_loop3A_124] {strides = array<i32>} : memref<30x256xf32, #tpu.memory_space<vmem>>, vector<16xf32>,
        %parallel_loop3A_126 = arith.constant 0.000000e+00 : f32
        %parallel_loop3A_127 = vector.broadcast %parallel_loop3A_126 : f32 to vector<16xf32>
        %parallel_loop3A_128 = arith.cmpf ogt, %parallel_loop3A_125, %parallel_loop3A_127 : vector<16xf32>
        %parallel_loop3A_129 = arith.constant 1.000000e+00 : f32
        %parallel_loop3A_130 = arith.constant 0.000000e+00 : f32
        %parallel_loop3A_131 = vector.broadcast %parallel_loop3A_129 : f32 to vector<16xf32>
        %parallel_loop3A_132 = vector.broadcast %parallel_loop3A_130 : f32 to vector<16xf32>
        %parallel_loop3A_133 = arith.select %parallel_loop3A_128, %parallel_loop3A_131, %parallel_loop3A_132 : vector<16xi1>, vector<16xf32>
        %parallel_loop3A_134 = arith.constant 1.000000e+00 : f32
        %parallel_loop3A_135 = vector.broadcast %parallel_loop3A_134 : f32 to vector<16xf32>
        %parallel_loop3A_136 = arith.subf %parallel_loop3A_135, %parallel_loop3A_133 : vector<16xf32>
        %parallel_loop3A_137 = arith.constant 4 : i32
        %parallel_loop3A_138 = arith.index_cast %parallel_loop3A_137 : i32 to index
        %parallel_loop3A_139 = arith.index_cast %parallel_loop3A_120 : i32 to index
        %parallel_loop3A_140 = tpu.vector_load %arg7[%parallel_loop3A_138, %parallel_loop3A_139] {strides = array<i32>} : memref<30x256xf32, #tpu.memory_space<vmem>>, vector<16xf32>,
        %parallel_loop3A_141 = arith.constant 9 : i32
        %parallel_loop3A_142 = arith.index_cast %parallel_loop3A_141 : i32 to index
        %parallel_loop3A_143 = arith.index_cast %parallel_loop3A_120 : i32 to index
        %parallel_loop3A_144 = tpu.vector_load %arg7[%parallel_loop3A_142, %parallel_loop3A_143] {strides = array<i32>} : memref<30x256xf32, #tpu.memory_space<vmem>>, vector<16xf32>,
        %parallel_loop3A_145 = arith.constant 9 : i32
        %parallel_loop3A_146 = arith.index_cast %parallel_loop3A_145 : i32 to index
        %parallel_loop3A_147 = arith.index_cast %parallel_loop3A_120 : i32 to index
        %parallel_loop3A_148 = tpu.vector_load %arg8[%parallel_loop3A_146, %parallel_loop3A_147] {strides = array<i32>} : memref<30x256xf32, #tpu.memory_space<vmem>>, vector<16xf32>,
        %parallel_loop3A_149 = arith.subf %parallel_loop3A_140, %parallel_loop3A_125 : vector<16xf32>
        %parallel_loop3A_150 = arith.subf %parallel_loop3A_144, %parallel_loop3A_148 : vector<16xf32>
        %parallel_loop3A_151 = arith.mulf %parallel_loop3A_149, %parallel_loop3A_149 : vector<16xf32>
        %parallel_loop3A_152 = arith.mulf %parallel_loop3A_150, %parallel_loop3A_150 : vector<16xf32>
        %parallel_loop3A_153 = arith.addf %parallel_loop3A_151, %parallel_loop3A_152 : vector<16xf32>
        %parallel_loop3A_154 = arith.mulf %parallel_loop3A_136, %parallel_loop3A_153 : vector<16xf32>
        %parallel_loop3A_155 = arith.constant 0 : i32
        %parallel_loop3A_156 = arith.index_cast %parallel_loop3A_155 : i32 to index
        %parallel_loop3A_157 = arith.index_cast %parallel_loop3A_120 : i32 to index
        %parallel_loop3A_158 = tpu.vector_load %arg8[%parallel_loop3A_156, %parallel_loop3A_157] {strides = array<i32>} : memref<30x256xf32, #tpu.memory_space<vmem>>, vector<16xf32>,
        %parallel_loop3A_159 = arith.constant 1 : i32
        %parallel_loop3A_160 = arith.index_cast %parallel_loop3A_159 : i32 to index
        %parallel_loop3A_161 = arith.index_cast %parallel_loop3A_120 : i32 to index
        %parallel_loop3A_162 = tpu.vector_load %arg8[%parallel_loop3A_160, %parallel_loop3A_161] {strides = array<i32>} : memref<30x256xf32, #tpu.memory_space<vmem>>, vector<16xf32>,
        %parallel_loop3A_163 = arith.constant 2 : i32
        %parallel_loop3A_164 = arith.index_cast %parallel_loop3A_163 : i32 to index
        %parallel_loop3A_165 = arith.index_cast %parallel_loop3A_120 : i32 to index
        %parallel_loop3A_166 = tpu.vector_load %arg8[%parallel_loop3A_164, %parallel_loop3A_165] {strides = array<i32>} : memref<30x256xf32, #tpu.memory_space<vmem>>, vector<16xf32>,
        %parallel_loop3A_167 = arith.constant 3 : i32
        %parallel_loop3A_168 = arith.index_cast %parallel_loop3A_167 : i32 to index
        %parallel_loop3A_169 = arith.index_cast %parallel_loop3A_120 : i32 to index
        %parallel_loop3A_170 = tpu.vector_load %arg8[%parallel_loop3A_168, %parallel_loop3A_169] {strides = array<i32>} : memref<30x256xf32, #tpu.memory_space<vmem>>, vector<16xf32>,
        %parallel_loop3A_171 = arith.constant 5.000000e-01 : f32
        %parallel_loop3A_172 = vector.broadcast %parallel_loop3A_171 : f32 to vector<16xf32>
        %parallel_loop3A_173 = arith.mulf %parallel_loop3A_172, %parallel_loop3A_166 : vector<16xf32>
        %parallel_loop3A_174 = arith.subf %parallel_loop3A_158, %parallel_loop3A_173 : vector<16xf32>
        %parallel_loop3A_175 = arith.constant 5.000000e-01 : f32
        %parallel_loop3A_176 = vector.broadcast %parallel_loop3A_175 : f32 to vector<16xf32>
        %parallel_loop3A_177 = arith.mulf %parallel_loop3A_176, %parallel_loop3A_170 : vector<16xf32>
        %parallel_loop3A_178 = arith.subf %parallel_loop3A_162, %parallel_loop3A_177 : vector<16xf32>
        %parallel_loop3A_179 = arith.constant 5.000000e-01 : f32
        %parallel_loop3A_180 = vector.broadcast %parallel_loop3A_179 : f32 to vector<16xf32>
        %parallel_loop3A_181 = arith.mulf %parallel_loop3A_180, %parallel_loop3A_166 : vector<16xf32>
        %parallel_loop3A_182 = arith.addf %parallel_loop3A_158, %parallel_loop3A_181 : vector<16xf32>
        %parallel_loop3A_183 = arith.constant 5.000000e-01 : f32
        %parallel_loop3A_184 = vector.broadcast %parallel_loop3A_183 : f32 to vector<16xf32>
        %parallel_loop3A_185 = arith.mulf %parallel_loop3A_184, %parallel_loop3A_170 : vector<16xf32>
        %parallel_loop3A_186 = arith.addf %parallel_loop3A_162, %parallel_loop3A_185 : vector<16xf32>
        %parallel_loop3A_187 = arith.mulf %parallel_loop3A_166, %parallel_loop3A_170 : vector<16xf32>
        %parallel_loop3A_188 = arith.constant 0 : i32
        %parallel_loop3A_189 = arith.index_cast %parallel_loop3A_188 : i32 to index
        %parallel_loop3A_190 = arith.index_cast %parallel_loop3A_120 : i32 to index
        %parallel_loop3A_191 = tpu.vector_load %arg7[%parallel_loop3A_189, %parallel_loop3A_190] {strides = array<i32>} : memref<30x256xf32, #tpu.memory_space<vmem>>, vector<16xf32>,
        %parallel_loop3A_192 = arith.constant 1 : i32
        %parallel_loop3A_193 = arith.index_cast %parallel_loop3A_192 : i32 to index
        %parallel_loop3A_194 = arith.index_cast %parallel_loop3A_120 : i32 to index
        %parallel_loop3A_195 = tpu.vector_load %arg7[%parallel_loop3A_193, %parallel_loop3A_194] {strides = array<i32>} : memref<30x256xf32, #tpu.memory_space<vmem>>, vector<16xf32>,
        %parallel_loop3A_196 = arith.constant 2 : i32
        %parallel_loop3A_197 = arith.index_cast %parallel_loop3A_196 : i32 to index
        %parallel_loop3A_198 = arith.index_cast %parallel_loop3A_120 : i32 to index
        %parallel_loop3A_199 = tpu.vector_load %arg7[%parallel_loop3A_197, %parallel_loop3A_198] {strides = array<i32>} : memref<30x256xf32, #tpu.memory_space<vmem>>, vector<16xf32>,
        %parallel_loop3A_200 = arith.constant 3 : i32
        %parallel_loop3A_201 = arith.index_cast %parallel_loop3A_200 : i32 to index
        %parallel_loop3A_202 = arith.index_cast %parallel_loop3A_120 : i32 to index
        %parallel_loop3A_203 = tpu.vector_load %arg7[%parallel_loop3A_201, %parallel_loop3A_202] {strides = array<i32>} : memref<30x256xf32, #tpu.memory_space<vmem>>, vector<16xf32>,
        %parallel_loop3A_204 = arith.constant 5 : i32
        %parallel_loop3A_205 = arith.index_cast %parallel_loop3A_204 : i32 to index
        %parallel_loop3A_206 = arith.index_cast %parallel_loop3A_120 : i32 to index
        %parallel_loop3A_207 = tpu.vector_load %arg7[%parallel_loop3A_205, %parallel_loop3A_206] {strides = array<i32>} : memref<30x256xf32, #tpu.memory_space<vmem>>, vector<16xf32>,
        %parallel_loop3A_208 = arith.constant 6 : i32
        %parallel_loop3A_209 = arith.index_cast %parallel_loop3A_208 : i32 to index
        %parallel_loop3A_210 = arith.index_cast %parallel_loop3A_120 : i32 to index
        %parallel_loop3A_211 = tpu.vector_load %arg7[%parallel_loop3A_209, %parallel_loop3A_210] {strides = array<i32>} : memref<30x256xf32, #tpu.memory_space<vmem>>, vector<16xf32>,
        %parallel_loop3A_212 = arith.constant 7 : i32
        %parallel_loop3A_213 = arith.index_cast %parallel_loop3A_212 : i32 to index
        %parallel_loop3A_214 = arith.index_cast %parallel_loop3A_120 : i32 to index
        %parallel_loop3A_215 = tpu.vector_load %arg7[%parallel_loop3A_213, %parallel_loop3A_214] {strides = array<i32>} : memref<30x256xf32, #tpu.memory_space<vmem>>, vector<16xf32>,
        %parallel_loop3A_216 = arith.constant 8 : i32
        %parallel_loop3A_217 = arith.index_cast %parallel_loop3A_216 : i32 to index
        %parallel_loop3A_218 = arith.index_cast %parallel_loop3A_120 : i32 to index
        %parallel_loop3A_219 = tpu.vector_load %arg7[%parallel_loop3A_217, %parallel_loop3A_218] {strides = array<i32>} : memref<30x256xf32, #tpu.memory_space<vmem>>, vector<16xf32>,
        %parallel_loop3A_220 = arith.constant 5.000000e-01 : f32
        %parallel_loop3A_221 = vector.broadcast %parallel_loop3A_220 : f32 to vector<16xf32>
        %parallel_loop3A_222 = arith.mulf %parallel_loop3A_221, %parallel_loop3A_199 : vector<16xf32>
        %parallel_loop3A_223 = arith.subf %parallel_loop3A_191, %parallel_loop3A_222 : vector<16xf32>
        %parallel_loop3A_224 = arith.constant 5.000000e-01 : f32
        %parallel_loop3A_225 = vector.broadcast %parallel_loop3A_224 : f32 to vector<16xf32>
        %parallel_loop3A_226 = arith.mulf %parallel_loop3A_225, %parallel_loop3A_203 : vector<16xf32>
        %parallel_loop3A_227 = arith.subf %parallel_loop3A_195, %parallel_loop3A_226 : vector<16xf32>
        %parallel_loop3A_228 = arith.constant 5.000000e-01 : f32
        %parallel_loop3A_229 = vector.broadcast %parallel_loop3A_228 : f32 to vector<16xf32>
        %parallel_loop3A_230 = arith.mulf %parallel_loop3A_229, %parallel_loop3A_199 : vector<16xf32>
        %parallel_loop3A_231 = arith.addf %parallel_loop3A_191, %parallel_loop3A_230 : vector<16xf32>
        %parallel_loop3A_232 = arith.constant 5.000000e-01 : f32
        %parallel_loop3A_233 = vector.broadcast %parallel_loop3A_232 : f32 to vector<16xf32>
        %parallel_loop3A_234 = arith.mulf %parallel_loop3A_233, %parallel_loop3A_203 : vector<16xf32>
        %parallel_loop3A_235 = arith.addf %parallel_loop3A_195, %parallel_loop3A_234 : vector<16xf32>
        %parallel_loop3A_236 = arith.maximumf %parallel_loop3A_223, %parallel_loop3A_174 : vector<16xf32>
        %parallel_loop3A_237 = arith.maximumf %parallel_loop3A_227, %parallel_loop3A_178 : vector<16xf32>
        %parallel_loop3A_238 = arith.minimumf %parallel_loop3A_231, %parallel_loop3A_182 : vector<16xf32>
        %parallel_loop3A_239 = arith.minimumf %parallel_loop3A_235, %parallel_loop3A_186 : vector<16xf32>
        %parallel_loop3A_240 = arith.subf %parallel_loop3A_238, %parallel_loop3A_236 : vector<16xf32>
        %parallel_loop3A_241 = arith.constant 0.000000e+00 : f32
        %parallel_loop3A_242 = vector.broadcast %parallel_loop3A_241 : f32 to vector<16xf32>
        %parallel_loop3A_243 = arith.maximumf %parallel_loop3A_240, %parallel_loop3A_242 : vector<16xf32>
        %parallel_loop3A_244 = arith.subf %parallel_loop3A_239, %parallel_loop3A_237 : vector<16xf32>
        %parallel_loop3A_245 = arith.constant 0.000000e+00 : f32
        %parallel_loop3A_246 = vector.broadcast %parallel_loop3A_245 : f32 to vector<16xf32>
        %parallel_loop3A_247 = arith.maximumf %parallel_loop3A_244, %parallel_loop3A_246 : vector<16xf32>
        %parallel_loop3A_248 = arith.mulf %parallel_loop3A_243, %parallel_loop3A_247 : vector<16xf32>
        %parallel_loop3A_249 = arith.mulf %parallel_loop3A_199, %parallel_loop3A_203 : vector<16xf32>
        %parallel_loop3A_250 = arith.addf %parallel_loop3A_249, %parallel_loop3A_187 : vector<16xf32>
        %parallel_loop3A_251 = arith.subf %parallel_loop3A_250, %parallel_loop3A_248 : vector<16xf32>
        %parallel_loop3A_252 = arith.divf %parallel_loop3A_248, %parallel_loop3A_251 : vector<16xf32>
        %parallel_loop3A_253 = arith.constant 5.000000e-01 : f32
        %parallel_loop3A_254 = vector.broadcast %parallel_loop3A_253 : f32 to vector<16xf32>
        %parallel_loop3A_255 = arith.mulf %parallel_loop3A_254, %parallel_loop3A_215 : vector<16xf32>
        %parallel_loop3A_256 = arith.subf %parallel_loop3A_207, %parallel_loop3A_255 : vector<16xf32>
        %parallel_loop3A_257 = arith.constant 5.000000e-01 : f32
        %parallel_loop3A_258 = vector.broadcast %parallel_loop3A_257 : f32 to vector<16xf32>
        %parallel_loop3A_259 = arith.mulf %parallel_loop3A_258, %parallel_loop3A_219 : vector<16xf32>
        %parallel_loop3A_260 = arith.subf %parallel_loop3A_211, %parallel_loop3A_259 : vector<16xf32>
        %parallel_loop3A_261 = arith.constant 5.000000e-01 : f32
        %parallel_loop3A_262 = vector.broadcast %parallel_loop3A_261 : f32 to vector<16xf32>
        %parallel_loop3A_263 = arith.mulf %parallel_loop3A_262, %parallel_loop3A_215 : vector<16xf32>
        %parallel_loop3A_264 = arith.addf %parallel_loop3A_207, %parallel_loop3A_263 : vector<16xf32>
        %parallel_loop3A_265 = arith.constant 5.000000e-01 : f32
        %parallel_loop3A_266 = vector.broadcast %parallel_loop3A_265 : f32 to vector<16xf32>
        %parallel_loop3A_267 = arith.mulf %parallel_loop3A_266, %parallel_loop3A_219 : vector<16xf32>
        %parallel_loop3A_268 = arith.addf %parallel_loop3A_211, %parallel_loop3A_267 : vector<16xf32>
        %parallel_loop3A_269 = arith.maximumf %parallel_loop3A_256, %parallel_loop3A_174 : vector<16xf32>
        %parallel_loop3A_270 = arith.maximumf %parallel_loop3A_260, %parallel_loop3A_178 : vector<16xf32>
        %parallel_loop3A_271 = arith.minimumf %parallel_loop3A_264, %parallel_loop3A_182 : vector<16xf32>
        %parallel_loop3A_272 = arith.minimumf %parallel_loop3A_268, %parallel_loop3A_186 : vector<16xf32>
        %parallel_loop3A_273 = arith.subf %parallel_loop3A_271, %parallel_loop3A_269 : vector<16xf32>
        %parallel_loop3A_274 = arith.constant 0.000000e+00 : f32
        %parallel_loop3A_275 = vector.broadcast %parallel_loop3A_274 : f32 to vector<16xf32>
        %parallel_loop3A_276 = arith.maximumf %parallel_loop3A_273, %parallel_loop3A_275 : vector<16xf32>
        %parallel_loop3A_277 = arith.subf %parallel_loop3A_272, %parallel_loop3A_270 : vector<16xf32>
        %parallel_loop3A_278 = arith.constant 0.000000e+00 : f32
        %parallel_loop3A_279 = vector.broadcast %parallel_loop3A_278 : f32 to vector<16xf32>
        %parallel_loop3A_280 = arith.maximumf %parallel_loop3A_277, %parallel_loop3A_279 : vector<16xf32>
        %parallel_loop3A_281 = arith.mulf %parallel_loop3A_276, %parallel_loop3A_280 : vector<16xf32>
        %parallel_loop3A_282 = arith.mulf %parallel_loop3A_215, %parallel_loop3A_219 : vector<16xf32>
        %parallel_loop3A_283 = arith.addf %parallel_loop3A_282, %parallel_loop3A_187 : vector<16xf32>
        %parallel_loop3A_284 = arith.subf %parallel_loop3A_283, %parallel_loop3A_281 : vector<16xf32>
        %parallel_loop3A_285 = arith.divf %parallel_loop3A_281, %parallel_loop3A_284 : vector<16xf32>
        %parallel_loop3A_286 = arith.cmpf ogt, %parallel_loop3A_285, %parallel_loop3A_252 : vector<16xf32>
        %parallel_loop3A_287 = arith.maximumf %parallel_loop3A_252, %parallel_loop3A_285 : vector<16xf32>
        %parallel_loop3A_288 = arith.select %parallel_loop3A_286, %parallel_loop3A_207, %parallel_loop3A_191 : vector<16xi1>, vector<16xf32>
        %parallel_loop3A_289 = arith.select %parallel_loop3A_286, %parallel_loop3A_211, %parallel_loop3A_195 : vector<16xi1>, vector<16xf32>
        %parallel_loop3A_290 = arith.select %parallel_loop3A_286, %parallel_loop3A_215, %parallel_loop3A_199 : vector<16xi1>, vector<16xf32>
        %parallel_loop3A_291 = arith.select %parallel_loop3A_286, %parallel_loop3A_219, %parallel_loop3A_203 : vector<16xi1>, vector<16xf32>
        %parallel_loop3A_292 = arith.select %parallel_loop3A_286, %parallel_loop3A_144, %parallel_loop3A_140 : vector<16xi1>, vector<16xf32>
        %parallel_loop3A_293 = arith.select %parallel_loop3A_286, %parallel_loop3A_140, %parallel_loop3A_144 : vector<16xi1>, vector<16xf32>
        %parallel_loop3A_294 = arith.constant 5 : i32
        %parallel_loop3A_295 = arith.index_cast %parallel_loop3A_294 : i32 to index
        %parallel_loop3A_296 = arith.index_cast %parallel_loop3A_120 : i32 to index
        %parallel_loop3A_297 = tpu.vector_load %arg8[%parallel_loop3A_295, %parallel_loop3A_296] {strides = array<i32>} : memref<30x256xf32, #tpu.memory_space<vmem>>, vector<16xf32>,
        %parallel_loop3A_298 = arith.constant 6 : i32
        %parallel_loop3A_299 = arith.index_cast %parallel_loop3A_298 : i32 to index
        %parallel_loop3A_300 = arith.index_cast %parallel_loop3A_120 : i32 to index
        %parallel_loop3A_301 = tpu.vector_load %arg8[%parallel_loop3A_299, %parallel_loop3A_300] {strides = array<i32>} : memref<30x256xf32, #tpu.memory_space<vmem>>, vector<16xf32>,
        %parallel_loop3A_302 = arith.constant 7 : i32
        %parallel_loop3A_303 = arith.index_cast %parallel_loop3A_302 : i32 to index
        %parallel_loop3A_304 = arith.index_cast %parallel_loop3A_120 : i32 to index
        %parallel_loop3A_305 = tpu.vector_load %arg8[%parallel_loop3A_303, %parallel_loop3A_304] {strides = array<i32>} : memref<30x256xf32, #tpu.memory_space<vmem>>, vector<16xf32>,
        %parallel_loop3A_306 = arith.constant 8 : i32
        %parallel_loop3A_307 = arith.index_cast %parallel_loop3A_306 : i32 to index
        %parallel_loop3A_308 = arith.index_cast %parallel_loop3A_120 : i32 to index
        %parallel_loop3A_309 = tpu.vector_load %arg8[%parallel_loop3A_307, %parallel_loop3A_308] {strides = array<i32>} : memref<30x256xf32, #tpu.memory_space<vmem>>, vector<16xf32>,
        %parallel_loop3A_310 = arith.select %parallel_loop3A_286, %parallel_loop3A_297, %parallel_loop3A_158 : vector<16xi1>, vector<16xf32>
        %parallel_loop3A_311 = arith.select %parallel_loop3A_286, %parallel_loop3A_301, %parallel_loop3A_162 : vector<16xi1>, vector<16xf32>
        %parallel_loop3A_312 = arith.select %parallel_loop3A_286, %parallel_loop3A_305, %parallel_loop3A_166 : vector<16xi1>, vector<16xf32>
        %parallel_loop3A_313 = arith.select %parallel_loop3A_286, %parallel_loop3A_309, %parallel_loop3A_170 : vector<16xi1>, vector<16xf32>
        %parallel_loop3A_314 = arith.subf %parallel_loop3A_288, %parallel_loop3A_310 : vector<16xf32>
        %parallel_loop3A_315 = arith.subf %parallel_loop3A_289, %parallel_loop3A_311 : vector<16xf32>
        %parallel_loop3A_316 = arith.mulf %parallel_loop3A_314, %parallel_loop3A_314 : vector<16xf32>
        %parallel_loop3A_317 = arith.mulf %parallel_loop3A_315, %parallel_loop3A_315 : vector<16xf32>
        %parallel_loop3A_318 = arith.addf %parallel_loop3A_316, %parallel_loop3A_317 : vector<16xf32>
        %parallel_loop3A_319 = arith.addf %parallel_loop3A_318, %parallel_loop3A_290 : vector<16xf32>
        %parallel_loop3A_320 = arith.addf %parallel_loop3A_319, %parallel_loop3A_312 : vector<16xf32>
        %parallel_loop3A_321 = arith.mulf %parallel_loop3A_290, %parallel_loop3A_312 : vector<16xf32>
        %parallel_loop3A_322 = vector.bitcast %parallel_loop3A_321 : vector<16xf32> to vector<16xi32>
        %parallel_loop3A_323 = arith.constant 1 : i32
        %parallel_loop3A_324 = vector.broadcast %parallel_loop3A_323 : i32 to vector<16xi32>
        %parallel_loop3A_325 = arith.shrui %parallel_loop3A_322, %parallel_loop3A_324 : vector<16xi32>
        %parallel_loop3A_326 = arith.constant 1597463007 : i32
        %parallel_loop3A_327 = vector.broadcast %parallel_loop3A_326 : i32 to vector<16xi32>
        %parallel_loop3A_328 = arith.subi %parallel_loop3A_327, %parallel_loop3A_325 : vector<16xi32>
        %parallel_loop3A_329 = vector.bitcast %parallel_loop3A_328 : vector<16xi32> to vector<16xf32>
        %parallel_loop3A_330 = arith.constant 5.000000e-01 : f32
        %parallel_loop3A_331 = vector.broadcast %parallel_loop3A_330 : f32 to vector<16xf32>
        %parallel_loop3A_332 = arith.mulf %parallel_loop3A_331, %parallel_loop3A_321 : vector<16xf32>
        %parallel_loop3A_333 = arith.mulf %parallel_loop3A_332, %parallel_loop3A_329 : vector<16xf32>
        %parallel_loop3A_334 = arith.mulf %parallel_loop3A_333, %parallel_loop3A_329 : vector<16xf32>
        %parallel_loop3A_335 = arith.constant 1.500000e+00 : f32
        %parallel_loop3A_336 = vector.broadcast %parallel_loop3A_335 : f32 to vector<16xf32>
        %parallel_loop3A_337 = arith.subf %parallel_loop3A_336, %parallel_loop3A_334 : vector<16xf32>
        %parallel_loop3A_338 = arith.mulf %parallel_loop3A_329, %parallel_loop3A_337 : vector<16xf32>
        %parallel_loop3A_339 = arith.mulf %parallel_loop3A_332, %parallel_loop3A_338 : vector<16xf32>
        %parallel_loop3A_340 = arith.mulf %parallel_loop3A_339, %parallel_loop3A_338 : vector<16xf32>
        %parallel_loop3A_341 = arith.constant 1.500000e+00 : f32
        %parallel_loop3A_342 = vector.broadcast %parallel_loop3A_341 : f32 to vector<16xf32>
        %parallel_loop3A_343 = arith.subf %parallel_loop3A_342, %parallel_loop3A_340 : vector<16xf32>
        %parallel_loop3A_344 = arith.mulf %parallel_loop3A_338, %parallel_loop3A_343 : vector<16xf32>
        %parallel_loop3A_345 = arith.mulf %parallel_loop3A_332, %parallel_loop3A_344 : vector<16xf32>
        %parallel_loop3A_346 = arith.mulf %parallel_loop3A_345, %parallel_loop3A_344 : vector<16xf32>
        %parallel_loop3A_347 = arith.constant 1.500000e+00 : f32
        %parallel_loop3A_348 = vector.broadcast %parallel_loop3A_347 : f32 to vector<16xf32>
        %parallel_loop3A_349 = arith.subf %parallel_loop3A_348, %parallel_loop3A_346 : vector<16xf32>
        %parallel_loop3A_350 = arith.mulf %parallel_loop3A_344, %parallel_loop3A_349 : vector<16xf32>
        %parallel_loop3A_351 = arith.mulf %parallel_loop3A_321, %parallel_loop3A_350 : vector<16xf32>
        %parallel_loop3A_352 = arith.constant 2.000000e+00 : f32
        %parallel_loop3A_353 = vector.broadcast %parallel_loop3A_352 : f32 to vector<16xf32>
        %parallel_loop3A_354 = arith.mulf %parallel_loop3A_353, %parallel_loop3A_351 : vector<16xf32>
        %parallel_loop3A_355 = arith.subf %parallel_loop3A_320, %parallel_loop3A_354 : vector<16xf32>
        %parallel_loop3A_356 = arith.addf %parallel_loop3A_355, %parallel_loop3A_291 : vector<16xf32>
        %parallel_loop3A_357 = arith.addf %parallel_loop3A_356, %parallel_loop3A_313 : vector<16xf32>
        %parallel_loop3A_358 = arith.mulf %parallel_loop3A_291, %parallel_loop3A_313 : vector<16xf32>
        %parallel_loop3A_359 = vector.bitcast %parallel_loop3A_358 : vector<16xf32> to vector<16xi32>
        %parallel_loop3A_360 = arith.constant 1 : i32
        %parallel_loop3A_361 = vector.broadcast %parallel_loop3A_360 : i32 to vector<16xi32>
        %parallel_loop3A_362 = arith.shrui %parallel_loop3A_359, %parallel_loop3A_361 : vector<16xi32>
        %parallel_loop3A_363 = arith.constant 1597463007 : i32
        %parallel_loop3A_364 = vector.broadcast %parallel_loop3A_363 : i32 to vector<16xi32>
        %parallel_loop3A_365 = arith.subi %parallel_loop3A_364, %parallel_loop3A_362 : vector<16xi32>
        %parallel_loop3A_366 = vector.bitcast %parallel_loop3A_365 : vector<16xi32> to vector<16xf32>
        %parallel_loop3A_367 = arith.constant 5.000000e-01 : f32
        %parallel_loop3A_368 = vector.broadcast %parallel_loop3A_367 : f32 to vector<16xf32>
        %parallel_loop3A_369 = arith.mulf %parallel_loop3A_368, %parallel_loop3A_358 : vector<16xf32>
        %parallel_loop3A_370 = arith.mulf %parallel_loop3A_369, %parallel_loop3A_366 : vector<16xf32>
        %parallel_loop3A_371 = arith.mulf %parallel_loop3A_370, %parallel_loop3A_366 : vector<16xf32>
        %parallel_loop3A_372 = arith.constant 1.500000e+00 : f32
        %parallel_loop3A_373 = vector.broadcast %parallel_loop3A_372 : f32 to vector<16xf32>
        %parallel_loop3A_374 = arith.subf %parallel_loop3A_373, %parallel_loop3A_371 : vector<16xf32>
        %parallel_loop3A_375 = arith.mulf %parallel_loop3A_366, %parallel_loop3A_374 : vector<16xf32>
        %parallel_loop3A_376 = arith.mulf %parallel_loop3A_369, %parallel_loop3A_375 : vector<16xf32>
        %parallel_loop3A_377 = arith.mulf %parallel_loop3A_376, %parallel_loop3A_375 : vector<16xf32>
        %parallel_loop3A_378 = arith.constant 1.500000e+00 : f32
        %parallel_loop3A_379 = vector.broadcast %parallel_loop3A_378 : f32 to vector<16xf32>
        %parallel_loop3A_380 = arith.subf %parallel_loop3A_379, %parallel_loop3A_377 : vector<16xf32>
        %parallel_loop3A_381 = arith.mulf %parallel_loop3A_375, %parallel_loop3A_380 : vector<16xf32>
        %parallel_loop3A_382 = arith.mulf %parallel_loop3A_369, %parallel_loop3A_381 : vector<16xf32>
        %parallel_loop3A_383 = arith.mulf %parallel_loop3A_382, %parallel_loop3A_381 : vector<16xf32>
        %parallel_loop3A_384 = arith.constant 1.500000e+00 : f32
        %parallel_loop3A_385 = vector.broadcast %parallel_loop3A_384 : f32 to vector<16xf32>
        %parallel_loop3A_386 = arith.subf %parallel_loop3A_385, %parallel_loop3A_383 : vector<16xf32>
        %parallel_loop3A_387 = arith.mulf %parallel_loop3A_381, %parallel_loop3A_386 : vector<16xf32>
        %parallel_loop3A_388 = arith.mulf %parallel_loop3A_358, %parallel_loop3A_387 : vector<16xf32>
        %parallel_loop3A_389 = arith.constant 2.000000e+00 : f32
        %parallel_loop3A_390 = vector.broadcast %parallel_loop3A_389 : f32 to vector<16xf32>
        %parallel_loop3A_391 = arith.mulf %parallel_loop3A_390, %parallel_loop3A_388 : vector<16xf32>
        %parallel_loop3A_392 = arith.subf %parallel_loop3A_357, %parallel_loop3A_391 : vector<16xf32>
        %parallel_loop3A_393 = arith.subf %parallel_loop3A_292, %parallel_loop3A_287 : vector<16xf32>
        %parallel_loop3A_394 = arith.mulf %parallel_loop3A_393, %parallel_loop3A_393 : vector<16xf32>
        %parallel_loop3A_395 = arith.mulf %parallel_loop3A_293, %parallel_loop3A_293 : vector<16xf32>
        %parallel_loop3A_396 = arith.constant 10 : i32
        %parallel_loop3A_397 = arith.index_cast %parallel_loop3A_396 : i32 to index
        %parallel_loop3A_398 = arith.index_cast %parallel_loop3A_120 : i32 to index
        %parallel_loop3A_399 = tpu.vector_load %arg7[%parallel_loop3A_397, %parallel_loop3A_398] {strides = array<i32>} : memref<30x256xf32, #tpu.memory_space<vmem>>, vector<16xf32>,
        %parallel_loop3A_400 = arith.constant 10 : i32
        %parallel_loop3A_401 = arith.index_cast %parallel_loop3A_400 : i32 to index
        %parallel_loop3A_402 = arith.index_cast %parallel_loop3A_120 : i32 to index
        %parallel_loop3A_403 = tpu.vector_load %arg8[%parallel_loop3A_401, %parallel_loop3A_402] {strides = array<i32>} : memref<30x256xf32, #tpu.memory_space<vmem>>, vector<16xf32>,
        %parallel_loop3A_404 = arith.subf %parallel_loop3A_399, %parallel_loop3A_403 : vector<16xf32>
        %parallel_loop3A_405 = arith.mulf %parallel_loop3A_404, %parallel_loop3A_404 : vector<16xf32>
        %parallel_loop3A_406 = arith.constant 11 : i32
        %parallel_loop3A_407 = arith.index_cast %parallel_loop3A_406 : i32 to index
        %parallel_loop3A_408 = arith.index_cast %parallel_loop3A_120 : i32 to index
        %parallel_loop3A_409 = tpu.vector_load %arg7[%parallel_loop3A_407, %parallel_loop3A_408] {strides = array<i32>} : memref<30x256xf32, #tpu.memory_space<vmem>>, vector<16xf32>,
        %parallel_loop3A_410 = arith.constant 11 : i32
        %parallel_loop3A_411 = arith.index_cast %parallel_loop3A_410 : i32 to index
        %parallel_loop3A_412 = arith.index_cast %parallel_loop3A_120 : i32 to index
        %parallel_loop3A_413 = tpu.vector_load %arg8[%parallel_loop3A_411, %parallel_loop3A_412] {strides = array<i32>} : memref<30x256xf32, #tpu.memory_space<vmem>>, vector<16xf32>,
        %parallel_loop3A_414 = arith.subf %parallel_loop3A_409, %parallel_loop3A_413 : vector<16xf32>
        %parallel_loop3A_415 = arith.mulf %parallel_loop3A_414, %parallel_loop3A_414 : vector<16xf32>
        %parallel_loop3A_416 = arith.addf %parallel_loop3A_405, %parallel_loop3A_415 : vector<16xf32>
        %parallel_loop3A_417 = arith.constant 12 : i32
        %parallel_loop3A_418 = arith.index_cast %parallel_loop3A_417 : i32 to index
        %parallel_loop3A_419 = arith.index_cast %parallel_loop3A_120 : i32 to index
        %parallel_loop3A_420 = tpu.vector_load %arg7[%parallel_loop3A_418, %parallel_loop3A_419] {strides = array<i32>} : memref<30x256xf32, #tpu.memory_space<vmem>>, vector<16xf32>,
        %parallel_loop3A_421 = arith.constant 12 : i32
        %parallel_loop3A_422 = arith.index_cast %parallel_loop3A_421 : i32 to index
        %parallel_loop3A_423 = arith.index_cast %parallel_loop3A_120 : i32 to index
        %parallel_loop3A_424 = tpu.vector_load %arg8[%parallel_loop3A_422, %parallel_loop3A_423] {strides = array<i32>} : memref<30x256xf32, #tpu.memory_space<vmem>>, vector<16xf32>,
        %parallel_loop3A_425 = arith.subf %parallel_loop3A_420, %parallel_loop3A_424 : vector<16xf32>
        %parallel_loop3A_426 = arith.mulf %parallel_loop3A_425, %parallel_loop3A_425 : vector<16xf32>
        %parallel_loop3A_427 = arith.addf %parallel_loop3A_416, %parallel_loop3A_426 : vector<16xf32>
        %parallel_loop3A_428 = arith.constant 13 : i32
        %parallel_loop3A_429 = arith.index_cast %parallel_loop3A_428 : i32 to index
        %parallel_loop3A_430 = arith.index_cast %parallel_loop3A_120 : i32 to index
        %parallel_loop3A_431 = tpu.vector_load %arg7[%parallel_loop3A_429, %parallel_loop3A_430] {strides = array<i32>} : memref<30x256xf32, #tpu.memory_space<vmem>>, vector<16xf32>,
        %parallel_loop3A_432 = arith.constant 13 : i32
        %parallel_loop3A_433 = arith.index_cast %parallel_loop3A_432 : i32 to index
        %parallel_loop3A_434 = arith.index_cast %parallel_loop3A_120 : i32 to index
        %parallel_loop3A_435 = tpu.vector_load %arg8[%parallel_loop3A_433, %parallel_loop3A_434] {strides = array<i32>} : memref<30x256xf32, #tpu.memory_space<vmem>>, vector<16xf32>,
        %parallel_loop3A_436 = arith.subf %parallel_loop3A_431, %parallel_loop3A_435 : vector<16xf32>
        %parallel_loop3A_437 = arith.mulf %parallel_loop3A_436, %parallel_loop3A_436 : vector<16xf32>
        %parallel_loop3A_438 = arith.addf %parallel_loop3A_427, %parallel_loop3A_437 : vector<16xf32>
        %parallel_loop3A_439 = arith.constant 14 : i32
        %parallel_loop3A_440 = arith.index_cast %parallel_loop3A_439 : i32 to index
        %parallel_loop3A_441 = arith.index_cast %parallel_loop3A_120 : i32 to index
        %parallel_loop3A_442 = tpu.vector_load %arg7[%parallel_loop3A_440, %parallel_loop3A_441] {strides = array<i32>} : memref<30x256xf32, #tpu.memory_space<vmem>>, vector<16xf32>,
        %parallel_loop3A_443 = arith.constant 14 : i32
        %parallel_loop3A_444 = arith.index_cast %parallel_loop3A_443 : i32 to index
        %parallel_loop3A_445 = arith.index_cast %parallel_loop3A_120 : i32 to index
        %parallel_loop3A_446 = tpu.vector_load %arg8[%parallel_loop3A_444, %parallel_loop3A_445] {strides = array<i32>} : memref<30x256xf32, #tpu.memory_space<vmem>>, vector<16xf32>,
        %parallel_loop3A_447 = arith.subf %parallel_loop3A_442, %parallel_loop3A_446 : vector<16xf32>
        %parallel_loop3A_448 = arith.mulf %parallel_loop3A_447, %parallel_loop3A_447 : vector<16xf32>
        %parallel_loop3A_449 = arith.addf %parallel_loop3A_438, %parallel_loop3A_448 : vector<16xf32>
        %parallel_loop3A_450 = arith.constant 15 : i32
        %parallel_loop3A_451 = arith.index_cast %parallel_loop3A_450 : i32 to index
        %parallel_loop3A_452 = arith.index_cast %parallel_loop3A_120 : i32 to index
        %parallel_loop3A_453 = tpu.vector_load %arg7[%parallel_loop3A_451, %parallel_loop3A_452] {strides = array<i32>} : memref<30x256xf32, #tpu.memory_space<vmem>>, vector<16xf32>,
        %parallel_loop3A_454 = arith.constant 15 : i32
        %parallel_loop3A_455 = arith.index_cast %parallel_loop3A_454 : i32 to index
        %parallel_loop3A_456 = arith.index_cast %parallel_loop3A_120 : i32 to index
        %parallel_loop3A_457 = tpu.vector_load %arg8[%parallel_loop3A_455, %parallel_loop3A_456] {strides = array<i32>} : memref<30x256xf32, #tpu.memory_space<vmem>>, vector<16xf32>,
        %parallel_loop3A_458 = arith.subf %parallel_loop3A_453, %parallel_loop3A_457 : vector<16xf32>
        %parallel_loop3A_459 = arith.mulf %parallel_loop3A_458, %parallel_loop3A_458 : vector<16xf32>
        %parallel_loop3A_460 = arith.addf %parallel_loop3A_449, %parallel_loop3A_459 : vector<16xf32>
        %parallel_loop3A_461 = arith.constant 16 : i32
        %parallel_loop3A_462 = arith.index_cast %parallel_loop3A_461 : i32 to index
        %parallel_loop3A_463 = arith.index_cast %parallel_loop3A_120 : i32 to index
        %parallel_loop3A_464 = tpu.vector_load %arg7[%parallel_loop3A_462, %parallel_loop3A_463] {strides = array<i32>} : memref<30x256xf32, #tpu.memory_space<vmem>>, vector<16xf32>,
        %parallel_loop3A_465 = arith.constant 16 : i32
        %parallel_loop3A_466 = arith.index_cast %parallel_loop3A_465 : i32 to index
        %parallel_loop3A_467 = arith.index_cast %parallel_loop3A_120 : i32 to index
        %parallel_loop3A_468 = tpu.vector_load %arg8[%parallel_loop3A_466, %parallel_loop3A_467] {strides = array<i32>} : memref<30x256xf32, #tpu.memory_space<vmem>>, vector<16xf32>,
        %parallel_loop3A_469 = arith.subf %parallel_loop3A_464, %parallel_loop3A_468 : vector<16xf32>
        %parallel_loop3A_470 = arith.mulf %parallel_loop3A_469, %parallel_loop3A_469 : vector<16xf32>
        %parallel_loop3A_471 = arith.addf %parallel_loop3A_460, %parallel_loop3A_470 : vector<16xf32>
        %parallel_loop3A_472 = arith.constant 17 : i32
        %parallel_loop3A_473 = arith.index_cast %parallel_loop3A_472 : i32 to index
        %parallel_loop3A_474 = arith.index_cast %parallel_loop3A_120 : i32 to index
        %parallel_loop3A_475 = tpu.vector_load %arg7[%parallel_loop3A_473, %parallel_loop3A_474] {strides = array<i32>} : memref<30x256xf32, #tpu.memory_space<vmem>>, vector<16xf32>,
        %parallel_loop3A_476 = arith.constant 17 : i32
        %parallel_loop3A_477 = arith.index_cast %parallel_loop3A_476 : i32 to index
        %parallel_loop3A_478 = arith.index_cast %parallel_loop3A_120 : i32 to index
        %parallel_loop3A_479 = tpu.vector_load %arg8[%parallel_loop3A_477, %parallel_loop3A_478] {strides = array<i32>} : memref<30x256xf32, #tpu.memory_space<vmem>>, vector<16xf32>,
        %parallel_loop3A_480 = arith.subf %parallel_loop3A_475, %parallel_loop3A_479 : vector<16xf32>
        %parallel_loop3A_481 = arith.mulf %parallel_loop3A_480, %parallel_loop3A_480 : vector<16xf32>
        %parallel_loop3A_482 = arith.addf %parallel_loop3A_471, %parallel_loop3A_481 : vector<16xf32>
        %parallel_loop3A_483 = arith.constant 18 : i32
        %parallel_loop3A_484 = arith.index_cast %parallel_loop3A_483 : i32 to index
        %parallel_loop3A_485 = arith.index_cast %parallel_loop3A_120 : i32 to index
        %parallel_loop3A_486 = tpu.vector_load %arg7[%parallel_loop3A_484, %parallel_loop3A_485] {strides = array<i32>} : memref<30x256xf32, #tpu.memory_space<vmem>>, vector<16xf32>,
        %parallel_loop3A_487 = arith.constant 18 : i32
        %parallel_loop3A_488 = arith.index_cast %parallel_loop3A_487 : i32 to index
        %parallel_loop3A_489 = arith.index_cast %parallel_loop3A_120 : i32 to index
        %parallel_loop3A_490 = tpu.vector_load %arg8[%parallel_loop3A_488, %parallel_loop3A_489] {strides = array<i32>} : memref<30x256xf32, #tpu.memory_space<vmem>>, vector<16xf32>,
        %parallel_loop3A_491 = arith.subf %parallel_loop3A_486, %parallel_loop3A_490 : vector<16xf32>
        %parallel_loop3A_492 = arith.mulf %parallel_loop3A_491, %parallel_loop3A_491 : vector<16xf32>
        %parallel_loop3A_493 = arith.addf %parallel_loop3A_482, %parallel_loop3A_492 : vector<16xf32>
        %parallel_loop3A_494 = arith.constant 19 : i32
        %parallel_loop3A_495 = arith.index_cast %parallel_loop3A_494 : i32 to index
        %parallel_loop3A_496 = arith.index_cast %parallel_loop3A_120 : i32 to index
        %parallel_loop3A_497 = tpu.vector_load %arg7[%parallel_loop3A_495, %parallel_loop3A_496] {strides = array<i32>} : memref<30x256xf32, #tpu.memory_space<vmem>>, vector<16xf32>,
        %parallel_loop3A_498 = arith.constant 19 : i32
        %parallel_loop3A_499 = arith.index_cast %parallel_loop3A_498 : i32 to index
        %parallel_loop3A_500 = arith.index_cast %parallel_loop3A_120 : i32 to index
        %parallel_loop3A_501 = tpu.vector_load %arg8[%parallel_loop3A_499, %parallel_loop3A_500] {strides = array<i32>} : memref<30x256xf32, #tpu.memory_space<vmem>>, vector<16xf32>,
        %parallel_loop3A_502 = arith.subf %parallel_loop3A_497, %parallel_loop3A_501 : vector<16xf32>
        %parallel_loop3A_503 = arith.mulf %parallel_loop3A_502, %parallel_loop3A_502 : vector<16xf32>
        %parallel_loop3A_504 = arith.addf %parallel_loop3A_493, %parallel_loop3A_503 : vector<16xf32>
        %parallel_loop3A_505 = arith.constant 20 : i32
        %parallel_loop3A_506 = arith.index_cast %parallel_loop3A_505 : i32 to index
        %parallel_loop3A_507 = arith.index_cast %parallel_loop3A_120 : i32 to index
        %parallel_loop3A_508 = tpu.vector_load %arg7[%parallel_loop3A_506, %parallel_loop3A_507] {strides = array<i32>} : memref<30x256xf32, #tpu.memory_space<vmem>>, vector<16xf32>,
        %parallel_loop3A_509 = arith.constant 20 : i32
        %parallel_loop3A_510 = arith.index_cast %parallel_loop3A_509 : i32 to index
        %parallel_loop3A_511 = arith.index_cast %parallel_loop3A_120 : i32 to index
        %parallel_loop3A_512 = tpu.vector_load %arg8[%parallel_loop3A_510, %parallel_loop3A_511] {strides = array<i32>} : memref<30x256xf32, #tpu.memory_space<vmem>>, vector<16xf32>,
        %parallel_loop3A_513 = arith.subf %parallel_loop3A_508, %parallel_loop3A_512 : vector<16xf32>
        %parallel_loop3A_514 = arith.mulf %parallel_loop3A_513, %parallel_loop3A_513 : vector<16xf32>
        %parallel_loop3A_515 = arith.addf %parallel_loop3A_504, %parallel_loop3A_514 : vector<16xf32>
        %parallel_loop3A_516 = arith.constant 21 : i32
        %parallel_loop3A_517 = arith.index_cast %parallel_loop3A_516 : i32 to index
        %parallel_loop3A_518 = arith.index_cast %parallel_loop3A_120 : i32 to index
        %parallel_loop3A_519 = tpu.vector_load %arg7[%parallel_loop3A_517, %parallel_loop3A_518] {strides = array<i32>} : memref<30x256xf32, #tpu.memory_space<vmem>>, vector<16xf32>,
        %parallel_loop3A_520 = arith.constant 21 : i32
        %parallel_loop3A_521 = arith.index_cast %parallel_loop3A_520 : i32 to index
        %parallel_loop3A_522 = arith.index_cast %parallel_loop3A_120 : i32 to index
        %parallel_loop3A_523 = tpu.vector_load %arg8[%parallel_loop3A_521, %parallel_loop3A_522] {strides = array<i32>} : memref<30x256xf32, #tpu.memory_space<vmem>>, vector<16xf32>,
        %parallel_loop3A_524 = arith.subf %parallel_loop3A_519, %parallel_loop3A_523 : vector<16xf32>
        %parallel_loop3A_525 = arith.mulf %parallel_loop3A_524, %parallel_loop3A_524 : vector<16xf32>
        %parallel_loop3A_526 = arith.addf %parallel_loop3A_515, %parallel_loop3A_525 : vector<16xf32>
        %parallel_loop3A_527 = arith.constant 22 : i32
        %parallel_loop3A_528 = arith.index_cast %parallel_loop3A_527 : i32 to index
        %parallel_loop3A_529 = arith.index_cast %parallel_loop3A_120 : i32 to index
        %parallel_loop3A_530 = tpu.vector_load %arg7[%parallel_loop3A_528, %parallel_loop3A_529] {strides = array<i32>} : memref<30x256xf32, #tpu.memory_space<vmem>>, vector<16xf32>,
        %parallel_loop3A_531 = arith.constant 22 : i32
        %parallel_loop3A_532 = arith.index_cast %parallel_loop3A_531 : i32 to index
        %parallel_loop3A_533 = arith.index_cast %parallel_loop3A_120 : i32 to index
        %parallel_loop3A_534 = tpu.vector_load %arg8[%parallel_loop3A_532, %parallel_loop3A_533] {strides = array<i32>} : memref<30x256xf32, #tpu.memory_space<vmem>>, vector<16xf32>,
        %parallel_loop3A_535 = arith.subf %parallel_loop3A_530, %parallel_loop3A_534 : vector<16xf32>
        %parallel_loop3A_536 = arith.mulf %parallel_loop3A_535, %parallel_loop3A_535 : vector<16xf32>
        %parallel_loop3A_537 = arith.addf %parallel_loop3A_526, %parallel_loop3A_536 : vector<16xf32>
        %parallel_loop3A_538 = arith.constant 23 : i32
        %parallel_loop3A_539 = arith.index_cast %parallel_loop3A_538 : i32 to index
        %parallel_loop3A_540 = arith.index_cast %parallel_loop3A_120 : i32 to index
        %parallel_loop3A_541 = tpu.vector_load %arg7[%parallel_loop3A_539, %parallel_loop3A_540] {strides = array<i32>} : memref<30x256xf32, #tpu.memory_space<vmem>>, vector<16xf32>,
        %parallel_loop3A_542 = arith.constant 23 : i32
        %parallel_loop3A_543 = arith.index_cast %parallel_loop3A_542 : i32 to index
        %parallel_loop3A_544 = arith.index_cast %parallel_loop3A_120 : i32 to index
        %parallel_loop3A_545 = tpu.vector_load %arg8[%parallel_loop3A_543, %parallel_loop3A_544] {strides = array<i32>} : memref<30x256xf32, #tpu.memory_space<vmem>>, vector<16xf32>,
        %parallel_loop3A_546 = arith.subf %parallel_loop3A_541, %parallel_loop3A_545 : vector<16xf32>
        %parallel_loop3A_547 = arith.mulf %parallel_loop3A_546, %parallel_loop3A_546 : vector<16xf32>
        %parallel_loop3A_548 = arith.addf %parallel_loop3A_537, %parallel_loop3A_547 : vector<16xf32>
        %parallel_loop3A_549 = arith.constant 24 : i32
        %parallel_loop3A_550 = arith.index_cast %parallel_loop3A_549 : i32 to index
        %parallel_loop3A_551 = arith.index_cast %parallel_loop3A_120 : i32 to index
        %parallel_loop3A_552 = tpu.vector_load %arg7[%parallel_loop3A_550, %parallel_loop3A_551] {strides = array<i32>} : memref<30x256xf32, #tpu.memory_space<vmem>>, vector<16xf32>,
        %parallel_loop3A_553 = arith.constant 24 : i32
        %parallel_loop3A_554 = arith.index_cast %parallel_loop3A_553 : i32 to index
        %parallel_loop3A_555 = arith.index_cast %parallel_loop3A_120 : i32 to index
        %parallel_loop3A_556 = tpu.vector_load %arg8[%parallel_loop3A_554, %parallel_loop3A_555] {strides = array<i32>} : memref<30x256xf32, #tpu.memory_space<vmem>>, vector<16xf32>,
        %parallel_loop3A_557 = arith.subf %parallel_loop3A_552, %parallel_loop3A_556 : vector<16xf32>
        %parallel_loop3A_558 = arith.mulf %parallel_loop3A_557, %parallel_loop3A_557 : vector<16xf32>
        %parallel_loop3A_559 = arith.addf %parallel_loop3A_548, %parallel_loop3A_558 : vector<16xf32>
        %parallel_loop3A_560 = arith.constant 25 : i32
        %parallel_loop3A_561 = arith.index_cast %parallel_loop3A_560 : i32 to index
        %parallel_loop3A_562 = arith.index_cast %parallel_loop3A_120 : i32 to index
        %parallel_loop3A_563 = tpu.vector_load %arg7[%parallel_loop3A_561, %parallel_loop3A_562] {strides = array<i32>} : memref<30x256xf32, #tpu.memory_space<vmem>>, vector<16xf32>,
        %parallel_loop3A_564 = arith.constant 25 : i32
        %parallel_loop3A_565 = arith.index_cast %parallel_loop3A_564 : i32 to index
        %parallel_loop3A_566 = arith.index_cast %parallel_loop3A_120 : i32 to index
        %parallel_loop3A_567 = tpu.vector_load %arg8[%parallel_loop3A_565, %parallel_loop3A_566] {strides = array<i32>} : memref<30x256xf32, #tpu.memory_space<vmem>>, vector<16xf32>,
        %parallel_loop3A_568 = arith.subf %parallel_loop3A_563, %parallel_loop3A_567 : vector<16xf32>
        %parallel_loop3A_569 = arith.mulf %parallel_loop3A_568, %parallel_loop3A_568 : vector<16xf32>
        %parallel_loop3A_570 = arith.addf %parallel_loop3A_559, %parallel_loop3A_569 : vector<16xf32>
        %parallel_loop3A_571 = arith.constant 26 : i32
        %parallel_loop3A_572 = arith.index_cast %parallel_loop3A_571 : i32 to index
        %parallel_loop3A_573 = arith.index_cast %parallel_loop3A_120 : i32 to index
        %parallel_loop3A_574 = tpu.vector_load %arg7[%parallel_loop3A_572, %parallel_loop3A_573] {strides = array<i32>} : memref<30x256xf32, #tpu.memory_space<vmem>>, vector<16xf32>,
        %parallel_loop3A_575 = arith.constant 26 : i32
        %parallel_loop3A_576 = arith.index_cast %parallel_loop3A_575 : i32 to index
        %parallel_loop3A_577 = arith.index_cast %parallel_loop3A_120 : i32 to index
        %parallel_loop3A_578 = tpu.vector_load %arg8[%parallel_loop3A_576, %parallel_loop3A_577] {strides = array<i32>} : memref<30x256xf32, #tpu.memory_space<vmem>>, vector<16xf32>,
        %parallel_loop3A_579 = arith.subf %parallel_loop3A_574, %parallel_loop3A_578 : vector<16xf32>
        %parallel_loop3A_580 = arith.mulf %parallel_loop3A_579, %parallel_loop3A_579 : vector<16xf32>
        %parallel_loop3A_581 = arith.addf %parallel_loop3A_570, %parallel_loop3A_580 : vector<16xf32>
        %parallel_loop3A_582 = arith.constant 27 : i32
        %parallel_loop3A_583 = arith.index_cast %parallel_loop3A_582 : i32 to index
        %parallel_loop3A_584 = arith.index_cast %parallel_loop3A_120 : i32 to index
        %parallel_loop3A_585 = tpu.vector_load %arg7[%parallel_loop3A_583, %parallel_loop3A_584] {strides = array<i32>} : memref<30x256xf32, #tpu.memory_space<vmem>>, vector<16xf32>,
        %parallel_loop3A_586 = arith.constant 27 : i32
        %parallel_loop3A_587 = arith.index_cast %parallel_loop3A_586 : i32 to index
        %parallel_loop3A_588 = arith.index_cast %parallel_loop3A_120 : i32 to index
        %parallel_loop3A_589 = tpu.vector_load %arg8[%parallel_loop3A_587, %parallel_loop3A_588] {strides = array<i32>} : memref<30x256xf32, #tpu.memory_space<vmem>>, vector<16xf32>,
        %parallel_loop3A_590 = arith.subf %parallel_loop3A_585, %parallel_loop3A_589 : vector<16xf32>
        %parallel_loop3A_591 = arith.mulf %parallel_loop3A_590, %parallel_loop3A_590 : vector<16xf32>
        %parallel_loop3A_592 = arith.addf %parallel_loop3A_581, %parallel_loop3A_591 : vector<16xf32>
        %parallel_loop3A_593 = arith.constant 28 : i32
        %parallel_loop3A_594 = arith.index_cast %parallel_loop3A_593 : i32 to index
        %parallel_loop3A_595 = arith.index_cast %parallel_loop3A_120 : i32 to index
        %parallel_loop3A_596 = tpu.vector_load %arg7[%parallel_loop3A_594, %parallel_loop3A_595] {strides = array<i32>} : memref<30x256xf32, #tpu.memory_space<vmem>>, vector<16xf32>,
        %parallel_loop3A_597 = arith.constant 28 : i32
        %parallel_loop3A_598 = arith.index_cast %parallel_loop3A_597 : i32 to index
        %parallel_loop3A_599 = arith.index_cast %parallel_loop3A_120 : i32 to index
        %parallel_loop3A_600 = tpu.vector_load %arg8[%parallel_loop3A_598, %parallel_loop3A_599] {strides = array<i32>} : memref<30x256xf32, #tpu.memory_space<vmem>>, vector<16xf32>,
        %parallel_loop3A_601 = arith.subf %parallel_loop3A_596, %parallel_loop3A_600 : vector<16xf32>
        %parallel_loop3A_602 = arith.mulf %parallel_loop3A_601, %parallel_loop3A_601 : vector<16xf32>
        %parallel_loop3A_603 = arith.addf %parallel_loop3A_592, %parallel_loop3A_602 : vector<16xf32>
        %parallel_loop3A_604 = arith.constant 29 : i32
        %parallel_loop3A_605 = arith.index_cast %parallel_loop3A_604 : i32 to index
        %parallel_loop3A_606 = arith.index_cast %parallel_loop3A_120 : i32 to index
        %parallel_loop3A_607 = tpu.vector_load %arg7[%parallel_loop3A_605, %parallel_loop3A_606] {strides = array<i32>} : memref<30x256xf32, #tpu.memory_space<vmem>>, vector<16xf32>,
        %parallel_loop3A_608 = arith.constant 29 : i32
        %parallel_loop3A_609 = arith.index_cast %parallel_loop3A_608 : i32 to index
        %parallel_loop3A_610 = arith.index_cast %parallel_loop3A_120 : i32 to index
        %parallel_loop3A_611 = tpu.vector_load %arg8[%parallel_loop3A_609, %parallel_loop3A_610] {strides = array<i32>} : memref<30x256xf32, #tpu.memory_space<vmem>>, vector<16xf32>,
        %parallel_loop3A_612 = arith.subf %parallel_loop3A_607, %parallel_loop3A_611 : vector<16xf32>
        %parallel_loop3A_613 = arith.mulf %parallel_loop3A_612, %parallel_loop3A_612 : vector<16xf32>
        %parallel_loop3A_614 = arith.addf %parallel_loop3A_603, %parallel_loop3A_613 : vector<16xf32>
        %parallel_loop3A_615 = arith.constant 5.000000e+00 : f32
        %parallel_loop3A_616 = vector.broadcast %parallel_loop3A_615 : f32 to vector<16xf32>
        %parallel_loop3A_617 = arith.mulf %parallel_loop3A_616, %parallel_loop3A_392 : vector<16xf32>
        %parallel_loop3A_618 = arith.constant 2.000000e+00 : f32
        %parallel_loop3A_619 = vector.broadcast %parallel_loop3A_618 : f32 to vector<16xf32>
        %parallel_loop3A_620 = arith.mulf %parallel_loop3A_619, %parallel_loop3A_394 : vector<16xf32>
        %parallel_loop3A_621 = arith.addf %parallel_loop3A_617, %parallel_loop3A_620 : vector<16xf32>
        %parallel_loop3A_622 = arith.addf %parallel_loop3A_621, %parallel_loop3A_395 : vector<16xf32>
        %parallel_loop3A_623 = arith.addf %parallel_loop3A_622, %parallel_loop3A_614 : vector<16xf32>
        %parallel_loop3A_624 = arith.mulf %parallel_loop3A_133, %parallel_loop3A_623 : vector<16xf32>
        %parallel_loop3A_625 = arith.constant 5.000000e-01 : f32
        %parallel_loop3A_626 = vector.broadcast %parallel_loop3A_625 : f32 to vector<16xf32>
        %parallel_loop3A_627 = arith.mulf %parallel_loop3A_626, %parallel_loop3A_154 : vector<16xf32>
        %parallel_loop3A_628 = arith.addf %parallel_loop3A_624, %parallel_loop3A_627 : vector<16xf32>
        %parallel_loop3A_629 = arith.addf %parallel_loop3A_121, %parallel_loop3A_628 : vector<16xf32>
        scf.yield %parallel_loop3A_629 : vector<16xf32>
      } {sc.loop_unroll_factor = 1 : i64, sc.parallel_access}
      scf.yield %parallel_loop3A_119 : vector<16xf32>
    }
    %scan3A_21 = arith.constant 24 : i32
    %dma_wait3A = arith.constant 0 : i32
    %dma_wait3A_22 = arith.constant 0 : i32
    %dma_wait3A_23 = arith.constant 0 : i32
    %dma_wait3A_24 = tpu.memref_slice %arg2[%dma_wait3A, %dma_wait3A_22, %dma_wait3A_23] : memref<49x30x8192xf32, #tpu.memory_space<hbm>> -> memref<1x30x256xf32, #tpu.memory_space<hbm>>
    %dma_wait3A_25 = tpu.memref_squeeze %dma_wait3A_24 : memref<1x30x256xf32, #tpu.memory_space<hbm>> -> memref<30x256xf32, #tpu.memory_space<hbm>>
    %dma_wait3A_26 = arith.constant 0 : i32
    %dma_wait3A_27 = arith.constant 0 : i32
    %dma_wait3A_28 = tpu.memref_slice %arg2[%dma_wait3A, %dma_wait3A_26, %dma_wait3A_27] : memref<49x30x8192xf32, #tpu.memory_space<hbm>> -> memref<1x30x256xf32, #tpu.memory_space<hbm>>
    %dma_wait3A_29 = tpu.memref_squeeze %dma_wait3A_28 : memref<1x30x256xf32, #tpu.memory_space<hbm>> -> memref<30x256xf32, #tpu.memory_space<hbm>>
    tpu.wait_dma2 semaphore(%arg10 : memref<!tpu.dma_semaphore, #tpu.memory_space<semaphore_mem>>) src(%dma_wait3A_29 : memref<30x256xf32, #tpu.memory_space<hbm>>) dst(%arg5 : memref<30x256xf32, #tpu.memory_space<vmem>>)
    %dma_wait3A_30 = arith.constant 0 : i32
    %dma_wait3A_31 = arith.constant 0 : i32
    %dma_wait3A_32 = arith.constant 0 : i32
    %dma_wait3A_33 = tpu.memref_slice %arg3[%dma_wait3A_30, %dma_wait3A_31, %dma_wait3A_32] : memref<49x30x8192xf32, #tpu.memory_space<hbm>> -> memref<1x30x256xf32, #tpu.memory_space<hbm>>
    %dma_wait3A_34 = tpu.memref_squeeze %dma_wait3A_33 : memref<1x30x256xf32, #tpu.memory_space<hbm>> -> memref<30x256xf32, #tpu.memory_space<hbm>>
    %dma_wait3A_35 = arith.constant 0 : i32
    %dma_wait3A_36 = arith.constant 0 : i32
    %dma_wait3A_37 = tpu.memref_slice %arg3[%dma_wait3A_30, %dma_wait3A_35, %dma_wait3A_36] : memref<49x30x8192xf32, #tpu.memory_space<hbm>> -> memref<1x30x256xf32, #tpu.memory_space<hbm>>
    %dma_wait3A_38 = tpu.memref_squeeze %dma_wait3A_37 : memref<1x30x256xf32, #tpu.memory_space<hbm>> -> memref<30x256xf32, #tpu.memory_space<hbm>>
    tpu.wait_dma2 semaphore(%arg10 : memref<!tpu.dma_semaphore, #tpu.memory_space<semaphore_mem>>) src(%dma_wait3A_38 : memref<30x256xf32, #tpu.memory_space<hbm>>) dst(%arg6 : memref<30x256xf32, #tpu.memory_space<vmem>>)
    %parallel_loop3A = arith.constant 0 : i32
    %parallel_loop3A_39 = arith.constant 256 : i32
    %parallel_loop3A_40 = arith.constant 16 : i32
    %parallel_loop3A_41 = scf.for %parallel_loop3A_43 = %parallel_loop3A to %parallel_loop3A_39 step %parallel_loop3A_40 iter_args(%parallel_loop3A_44 = %scan3A_20) -> (vector<16xf32>)  : i32 {
      %parallel_loop3A_45 = arith.constant 4 : i32
      %parallel_loop3A_46 = arith.index_cast %parallel_loop3A_45 : i32 to index
      %parallel_loop3A_47 = arith.index_cast %parallel_loop3A_43 : i32 to index
      %parallel_loop3A_48 = tpu.vector_load %arg6[%parallel_loop3A_46, %parallel_loop3A_47] {strides = array<i32>} : memref<30x256xf32, #tpu.memory_space<vmem>>, vector<16xf32>,
      %parallel_loop3A_49 = arith.constant 0.000000e+00 : f32
      %parallel_loop3A_50 = vector.broadcast %parallel_loop3A_49 : f32 to vector<16xf32>
      %parallel_loop3A_51 = arith.cmpf ogt, %parallel_loop3A_48, %parallel_loop3A_50 : vector<16xf32>
      %parallel_loop3A_52 = arith.constant 1.000000e+00 : f32
      %parallel_loop3A_53 = arith.constant 0.000000e+00 : f32
      %parallel_loop3A_54 = vector.broadcast %parallel_loop3A_52 : f32 to vector<16xf32>
      %parallel_loop3A_55 = vector.broadcast %parallel_loop3A_53 : f32 to vector<16xf32>
      %parallel_loop3A_56 = arith.select %parallel_loop3A_51, %parallel_loop3A_54, %parallel_loop3A_55 : vector<16xi1>, vector<16xf32>
      %parallel_loop3A_57 = arith.constant 1.000000e+00 : f32
      %parallel_loop3A_58 = vector.broadcast %parallel_loop3A_57 : f32 to vector<16xf32>
      %parallel_loop3A_59 = arith.subf %parallel_loop3A_58, %parallel_loop3A_56 : vector<16xf32>
      %parallel_loop3A_60 = arith.constant 4 : i32
      %parallel_loop3A_61 = arith.index_cast %parallel_loop3A_60 : i32 to index
      %parallel_loop3A_62 = arith.index_cast %parallel_loop3A_43 : i32 to index
      %parallel_loop3A_63 = tpu.vector_load %arg5[%parallel_loop3A_61, %parallel_loop3A_62] {strides = array<i32>} : memref<30x256xf32, #tpu.memory_space<vmem>>, vector<16xf32>,
      %parallel_loop3A_64 = arith.constant 9 : i32
      %parallel_loop3A_65 = arith.index_cast %parallel_loop3A_64 : i32 to index
      %parallel_loop3A_66 = arith.index_cast %parallel_loop3A_43 : i32 to index
      %parallel_loop3A_67 = tpu.vector_load %arg5[%parallel_loop3A_65, %parallel_loop3A_66] {strides = array<i32>} : memref<30x256xf32, #tpu.memory_space<vmem>>, vector<16xf32>,
      %parallel_loop3A_68 = arith.constant 9 : i32
      %parallel_loop3A_69 = arith.index_cast %parallel_loop3A_68 : i32 to index
      %parallel_loop3A_70 = arith.index_cast %parallel_loop3A_43 : i32 to index
      %parallel_loop3A_71 = tpu.vector_load %arg6[%parallel_loop3A_69, %parallel_loop3A_70] {strides = array<i32>} : memref<30x256xf32, #tpu.memory_space<vmem>>, vector<16xf32>,
      %parallel_loop3A_72 = arith.subf %parallel_loop3A_63, %parallel_loop3A_48 : vector<16xf32>
      %parallel_loop3A_73 = arith.subf %parallel_loop3A_67, %parallel_loop3A_71 : vector<16xf32>
      %parallel_loop3A_74 = arith.mulf %parallel_loop3A_72, %parallel_loop3A_72 : vector<16xf32>
      %parallel_loop3A_75 = arith.mulf %parallel_loop3A_73, %parallel_loop3A_73 : vector<16xf32>
      %parallel_loop3A_76 = arith.addf %parallel_loop3A_74, %parallel_loop3A_75 : vector<16xf32>
      %parallel_loop3A_77 = arith.mulf %parallel_loop3A_59, %parallel_loop3A_76 : vector<16xf32>
      %parallel_loop3A_78 = arith.constant 0 : i32
      %parallel_loop3A_79 = arith.index_cast %parallel_loop3A_78 : i32 to index
      %parallel_loop3A_80 = arith.index_cast %parallel_loop3A_43 : i32 to index
      %parallel_loop3A_81 = tpu.vector_load %arg6[%parallel_loop3A_79, %parallel_loop3A_80] {strides = array<i32>} : memref<30x256xf32, #tpu.memory_space<vmem>>, vector<16xf32>,
      %parallel_loop3A_82 = arith.constant 1 : i32
      %parallel_loop3A_83 = arith.index_cast %parallel_loop3A_82 : i32 to index
      %parallel_loop3A_84 = arith.index_cast %parallel_loop3A_43 : i32 to index
      %parallel_loop3A_85 = tpu.vector_load %arg6[%parallel_loop3A_83, %parallel_loop3A_84] {strides = array<i32>} : memref<30x256xf32, #tpu.memory_space<vmem>>, vector<16xf32>,
      %parallel_loop3A_86 = arith.constant 2 : i32
      %parallel_loop3A_87 = arith.index_cast %parallel_loop3A_86 : i32 to index
      %parallel_loop3A_88 = arith.index_cast %parallel_loop3A_43 : i32 to index
      %parallel_loop3A_89 = tpu.vector_load %arg6[%parallel_loop3A_87, %parallel_loop3A_88] {strides = array<i32>} : memref<30x256xf32, #tpu.memory_space<vmem>>, vector<16xf32>,
      %parallel_loop3A_90 = arith.constant 3 : i32
      %parallel_loop3A_91 = arith.index_cast %parallel_loop3A_90 : i32 to index
      %parallel_loop3A_92 = arith.index_cast %parallel_loop3A_43 : i32 to index
      %parallel_loop3A_93 = tpu.vector_load %arg6[%parallel_loop3A_91, %parallel_loop3A_92] {strides = array<i32>} : memref<30x256xf32, #tpu.memory_space<vmem>>, vector<16xf32>,
      %parallel_loop3A_94 = arith.constant 5.000000e-01 : f32
      %parallel_loop3A_95 = vector.broadcast %parallel_loop3A_94 : f32 to vector<16xf32>
      %parallel_loop3A_96 = arith.mulf %parallel_loop3A_95, %parallel_loop3A_89 : vector<16xf32>
      %parallel_loop3A_97 = arith.subf %parallel_loop3A_81, %parallel_loop3A_96 : vector<16xf32>
      %parallel_loop3A_98 = arith.constant 5.000000e-01 : f32
      %parallel_loop3A_99 = vector.broadcast %parallel_loop3A_98 : f32 to vector<16xf32>
      %parallel_loop3A_100 = arith.mulf %parallel_loop3A_99, %parallel_loop3A_93 : vector<16xf32>
      %parallel_loop3A_101 = arith.subf %parallel_loop3A_85, %parallel_loop3A_100 : vector<16xf32>
      %parallel_loop3A_102 = arith.constant 5.000000e-01 : f32
      %parallel_loop3A_103 = vector.broadcast %parallel_loop3A_102 : f32 to vector<16xf32>
      %parallel_loop3A_104 = arith.mulf %parallel_loop3A_103, %parallel_loop3A_89 : vector<16xf32>
      %parallel_loop3A_105 = arith.addf %parallel_loop3A_81, %parallel_loop3A_104 : vector<16xf32>
      %parallel_loop3A_106 = arith.constant 5.000000e-01 : f32
      %parallel_loop3A_107 = vector.broadcast %parallel_loop3A_106 : f32 to vector<16xf32>
      %parallel_loop3A_108 = arith.mulf %parallel_loop3A_107, %parallel_loop3A_93 : vector<16xf32>
      %parallel_loop3A_109 = arith.addf %parallel_loop3A_85, %parallel_loop3A_108 : vector<16xf32>
      %parallel_loop3A_110 = arith.mulf %parallel_loop3A_89, %parallel_loop3A_93 : vector<16xf32>
      %parallel_loop3A_111 = arith.constant 0 : i32
      %parallel_loop3A_112 = arith.index_cast %parallel_loop3A_111 : i32 to index
      %parallel_loop3A_113 = arith.index_cast %parallel_loop3A_43 : i32 to index
      %parallel_loop3A_114 = tpu.vector_load %arg5[%parallel_loop3A_112, %parallel_loop3A_113] {strides = array<i32>} : memref<30x256xf32, #tpu.memory_space<vmem>>, vector<16xf32>,
      %parallel_loop3A_115 = arith.constant 1 : i32
      %parallel_loop3A_116 = arith.index_cast %parallel_loop3A_115 : i32 to index
      %parallel_loop3A_117 = arith.index_cast %parallel_loop3A_43 : i32 to index
      %parallel_loop3A_118 = tpu.vector_load %arg5[%parallel_loop3A_116, %parallel_loop3A_117] {strides = array<i32>} : memref<30x256xf32, #tpu.memory_space<vmem>>, vector<16xf32>,
      %parallel_loop3A_119 = arith.constant 2 : i32
      %parallel_loop3A_120 = arith.index_cast %parallel_loop3A_119 : i32 to index
      %parallel_loop3A_121 = arith.index_cast %parallel_loop3A_43 : i32 to index
      %parallel_loop3A_122 = tpu.vector_load %arg5[%parallel_loop3A_120, %parallel_loop3A_121] {strides = array<i32>} : memref<30x256xf32, #tpu.memory_space<vmem>>, vector<16xf32>,
      %parallel_loop3A_123 = arith.constant 3 : i32
      %parallel_loop3A_124 = arith.index_cast %parallel_loop3A_123 : i32 to index
      %parallel_loop3A_125 = arith.index_cast %parallel_loop3A_43 : i32 to index
      %parallel_loop3A_126 = tpu.vector_load %arg5[%parallel_loop3A_124, %parallel_loop3A_125] {strides = array<i32>} : memref<30x256xf32, #tpu.memory_space<vmem>>, vector<16xf32>,
      %parallel_loop3A_127 = arith.constant 5 : i32
      %parallel_loop3A_128 = arith.index_cast %parallel_loop3A_127 : i32 to index
      %parallel_loop3A_129 = arith.index_cast %parallel_loop3A_43 : i32 to index
      %parallel_loop3A_130 = tpu.vector_load %arg5[%parallel_loop3A_128, %parallel_loop3A_129] {strides = array<i32>} : memref<30x256xf32, #tpu.memory_space<vmem>>, vector<16xf32>,
      %parallel_loop3A_131 = arith.constant 6 : i32
      %parallel_loop3A_132 = arith.index_cast %parallel_loop3A_131 : i32 to index
      %parallel_loop3A_133 = arith.index_cast %parallel_loop3A_43 : i32 to index
      %parallel_loop3A_134 = tpu.vector_load %arg5[%parallel_loop3A_132, %parallel_loop3A_133] {strides = array<i32>} : memref<30x256xf32, #tpu.memory_space<vmem>>, vector<16xf32>,
      %parallel_loop3A_135 = arith.constant 7 : i32
      %parallel_loop3A_136 = arith.index_cast %parallel_loop3A_135 : i32 to index
      %parallel_loop3A_137 = arith.index_cast %parallel_loop3A_43 : i32 to index
      %parallel_loop3A_138 = tpu.vector_load %arg5[%parallel_loop3A_136, %parallel_loop3A_137] {strides = array<i32>} : memref<30x256xf32, #tpu.memory_space<vmem>>, vector<16xf32>,
      %parallel_loop3A_139 = arith.constant 8 : i32
      %parallel_loop3A_140 = arith.index_cast %parallel_loop3A_139 : i32 to index
      %parallel_loop3A_141 = arith.index_cast %parallel_loop3A_43 : i32 to index
      %parallel_loop3A_142 = tpu.vector_load %arg5[%parallel_loop3A_140, %parallel_loop3A_141] {strides = array<i32>} : memref<30x256xf32, #tpu.memory_space<vmem>>, vector<16xf32>,
      %parallel_loop3A_143 = arith.constant 5.000000e-01 : f32
      %parallel_loop3A_144 = vector.broadcast %parallel_loop3A_143 : f32 to vector<16xf32>
      %parallel_loop3A_145 = arith.mulf %parallel_loop3A_144, %parallel_loop3A_122 : vector<16xf32>
      %parallel_loop3A_146 = arith.subf %parallel_loop3A_114, %parallel_loop3A_145 : vector<16xf32>
      %parallel_loop3A_147 = arith.constant 5.000000e-01 : f32
      %parallel_loop3A_148 = vector.broadcast %parallel_loop3A_147 : f32 to vector<16xf32>
      %parallel_loop3A_149 = arith.mulf %parallel_loop3A_148, %parallel_loop3A_126 : vector<16xf32>
      %parallel_loop3A_150 = arith.subf %parallel_loop3A_118, %parallel_loop3A_149 : vector<16xf32>
      %parallel_loop3A_151 = arith.constant 5.000000e-01 : f32
      %parallel_loop3A_152 = vector.broadcast %parallel_loop3A_151 : f32 to vector<16xf32>
      %parallel_loop3A_153 = arith.mulf %parallel_loop3A_152, %parallel_loop3A_122 : vector<16xf32>
      %parallel_loop3A_154 = arith.addf %parallel_loop3A_114, %parallel_loop3A_153 : vector<16xf32>
      %parallel_loop3A_155 = arith.constant 5.000000e-01 : f32
      %parallel_loop3A_156 = vector.broadcast %parallel_loop3A_155 : f32 to vector<16xf32>
      %parallel_loop3A_157 = arith.mulf %parallel_loop3A_156, %parallel_loop3A_126 : vector<16xf32>
      %parallel_loop3A_158 = arith.addf %parallel_loop3A_118, %parallel_loop3A_157 : vector<16xf32>
      %parallel_loop3A_159 = arith.maximumf %parallel_loop3A_146, %parallel_loop3A_97 : vector<16xf32>
      %parallel_loop3A_160 = arith.maximumf %parallel_loop3A_150, %parallel_loop3A_101 : vector<16xf32>
      %parallel_loop3A_161 = arith.minimumf %parallel_loop3A_154, %parallel_loop3A_105 : vector<16xf32>
      %parallel_loop3A_162 = arith.minimumf %parallel_loop3A_158, %parallel_loop3A_109 : vector<16xf32>
      %parallel_loop3A_163 = arith.subf %parallel_loop3A_161, %parallel_loop3A_159 : vector<16xf32>
      %parallel_loop3A_164 = arith.constant 0.000000e+00 : f32
      %parallel_loop3A_165 = vector.broadcast %parallel_loop3A_164 : f32 to vector<16xf32>
      %parallel_loop3A_166 = arith.maximumf %parallel_loop3A_163, %parallel_loop3A_165 : vector<16xf32>
      %parallel_loop3A_167 = arith.subf %parallel_loop3A_162, %parallel_loop3A_160 : vector<16xf32>
      %parallel_loop3A_168 = arith.constant 0.000000e+00 : f32
      %parallel_loop3A_169 = vector.broadcast %parallel_loop3A_168 : f32 to vector<16xf32>
      %parallel_loop3A_170 = arith.maximumf %parallel_loop3A_167, %parallel_loop3A_169 : vector<16xf32>
      %parallel_loop3A_171 = arith.mulf %parallel_loop3A_166, %parallel_loop3A_170 : vector<16xf32>
      %parallel_loop3A_172 = arith.mulf %parallel_loop3A_122, %parallel_loop3A_126 : vector<16xf32>
      %parallel_loop3A_173 = arith.addf %parallel_loop3A_172, %parallel_loop3A_110 : vector<16xf32>
      %parallel_loop3A_174 = arith.subf %parallel_loop3A_173, %parallel_loop3A_171 : vector<16xf32>
      %parallel_loop3A_175 = arith.divf %parallel_loop3A_171, %parallel_loop3A_174 : vector<16xf32>
      %parallel_loop3A_176 = arith.constant 5.000000e-01 : f32
      %parallel_loop3A_177 = vector.broadcast %parallel_loop3A_176 : f32 to vector<16xf32>
      %parallel_loop3A_178 = arith.mulf %parallel_loop3A_177, %parallel_loop3A_138 : vector<16xf32>
      %parallel_loop3A_179 = arith.subf %parallel_loop3A_130, %parallel_loop3A_178 : vector<16xf32>
      %parallel_loop3A_180 = arith.constant 5.000000e-01 : f32
      %parallel_loop3A_181 = vector.broadcast %parallel_loop3A_180 : f32 to vector<16xf32>
      %parallel_loop3A_182 = arith.mulf %parallel_loop3A_181, %parallel_loop3A_142 : vector<16xf32>
      %parallel_loop3A_183 = arith.subf %parallel_loop3A_134, %parallel_loop3A_182 : vector<16xf32>
      %parallel_loop3A_184 = arith.constant 5.000000e-01 : f32
      %parallel_loop3A_185 = vector.broadcast %parallel_loop3A_184 : f32 to vector<16xf32>
      %parallel_loop3A_186 = arith.mulf %parallel_loop3A_185, %parallel_loop3A_138 : vector<16xf32>
      %parallel_loop3A_187 = arith.addf %parallel_loop3A_130, %parallel_loop3A_186 : vector<16xf32>
      %parallel_loop3A_188 = arith.constant 5.000000e-01 : f32
      %parallel_loop3A_189 = vector.broadcast %parallel_loop3A_188 : f32 to vector<16xf32>
      %parallel_loop3A_190 = arith.mulf %parallel_loop3A_189, %parallel_loop3A_142 : vector<16xf32>
      %parallel_loop3A_191 = arith.addf %parallel_loop3A_134, %parallel_loop3A_190 : vector<16xf32>
      %parallel_loop3A_192 = arith.maximumf %parallel_loop3A_179, %parallel_loop3A_97 : vector<16xf32>
      %parallel_loop3A_193 = arith.maximumf %parallel_loop3A_183, %parallel_loop3A_101 : vector<16xf32>
      %parallel_loop3A_194 = arith.minimumf %parallel_loop3A_187, %parallel_loop3A_105 : vector<16xf32>
      %parallel_loop3A_195 = arith.minimumf %parallel_loop3A_191, %parallel_loop3A_109 : vector<16xf32>
      %parallel_loop3A_196 = arith.subf %parallel_loop3A_194, %parallel_loop3A_192 : vector<16xf32>
      %parallel_loop3A_197 = arith.constant 0.000000e+00 : f32
      %parallel_loop3A_198 = vector.broadcast %parallel_loop3A_197 : f32 to vector<16xf32>
      %parallel_loop3A_199 = arith.maximumf %parallel_loop3A_196, %parallel_loop3A_198 : vector<16xf32>
      %parallel_loop3A_200 = arith.subf %parallel_loop3A_195, %parallel_loop3A_193 : vector<16xf32>
      %parallel_loop3A_201 = arith.constant 0.000000e+00 : f32
      %parallel_loop3A_202 = vector.broadcast %parallel_loop3A_201 : f32 to vector<16xf32>
      %parallel_loop3A_203 = arith.maximumf %parallel_loop3A_200, %parallel_loop3A_202 : vector<16xf32>
      %parallel_loop3A_204 = arith.mulf %parallel_loop3A_199, %parallel_loop3A_203 : vector<16xf32>
      %parallel_loop3A_205 = arith.mulf %parallel_loop3A_138, %parallel_loop3A_142 : vector<16xf32>
      %parallel_loop3A_206 = arith.addf %parallel_loop3A_205, %parallel_loop3A_110 : vector<16xf32>
      %parallel_loop3A_207 = arith.subf %parallel_loop3A_206, %parallel_loop3A_204 : vector<16xf32>
      %parallel_loop3A_208 = arith.divf %parallel_loop3A_204, %parallel_loop3A_207 : vector<16xf32>
      %parallel_loop3A_209 = arith.cmpf ogt, %parallel_loop3A_208, %parallel_loop3A_175 : vector<16xf32>
      %parallel_loop3A_210 = arith.maximumf %parallel_loop3A_175, %parallel_loop3A_208 : vector<16xf32>
      %parallel_loop3A_211 = arith.select %parallel_loop3A_209, %parallel_loop3A_130, %parallel_loop3A_114 : vector<16xi1>, vector<16xf32>
      %parallel_loop3A_212 = arith.select %parallel_loop3A_209, %parallel_loop3A_134, %parallel_loop3A_118 : vector<16xi1>, vector<16xf32>
      %parallel_loop3A_213 = arith.select %parallel_loop3A_209, %parallel_loop3A_138, %parallel_loop3A_122 : vector<16xi1>, vector<16xf32>
      %parallel_loop3A_214 = arith.select %parallel_loop3A_209, %parallel_loop3A_142, %parallel_loop3A_126 : vector<16xi1>, vector<16xf32>
      %parallel_loop3A_215 = arith.select %parallel_loop3A_209, %parallel_loop3A_67, %parallel_loop3A_63 : vector<16xi1>, vector<16xf32>
      %parallel_loop3A_216 = arith.select %parallel_loop3A_209, %parallel_loop3A_63, %parallel_loop3A_67 : vector<16xi1>, vector<16xf32>
      %parallel_loop3A_217 = arith.constant 5 : i32
      %parallel_loop3A_218 = arith.index_cast %parallel_loop3A_217 : i32 to index
      %parallel_loop3A_219 = arith.index_cast %parallel_loop3A_43 : i32 to index
      %parallel_loop3A_220 = tpu.vector_load %arg6[%parallel_loop3A_218, %parallel_loop3A_219] {strides = array<i32>} : memref<30x256xf32, #tpu.memory_space<vmem>>, vector<16xf32>,
      %parallel_loop3A_221 = arith.constant 6 : i32
      %parallel_loop3A_222 = arith.index_cast %parallel_loop3A_221 : i32 to index
      %parallel_loop3A_223 = arith.index_cast %parallel_loop3A_43 : i32 to index
      %parallel_loop3A_224 = tpu.vector_load %arg6[%parallel_loop3A_222, %parallel_loop3A_223] {strides = array<i32>} : memref<30x256xf32, #tpu.memory_space<vmem>>, vector<16xf32>,
      %parallel_loop3A_225 = arith.constant 7 : i32
      %parallel_loop3A_226 = arith.index_cast %parallel_loop3A_225 : i32 to index
      %parallel_loop3A_227 = arith.index_cast %parallel_loop3A_43 : i32 to index
      %parallel_loop3A_228 = tpu.vector_load %arg6[%parallel_loop3A_226, %parallel_loop3A_227] {strides = array<i32>} : memref<30x256xf32, #tpu.memory_space<vmem>>, vector<16xf32>,
      %parallel_loop3A_229 = arith.constant 8 : i32
      %parallel_loop3A_230 = arith.index_cast %parallel_loop3A_229 : i32 to index
      %parallel_loop3A_231 = arith.index_cast %parallel_loop3A_43 : i32 to index
      %parallel_loop3A_232 = tpu.vector_load %arg6[%parallel_loop3A_230, %parallel_loop3A_231] {strides = array<i32>} : memref<30x256xf32, #tpu.memory_space<vmem>>, vector<16xf32>,
      %parallel_loop3A_233 = arith.select %parallel_loop3A_209, %parallel_loop3A_220, %parallel_loop3A_81 : vector<16xi1>, vector<16xf32>
      %parallel_loop3A_234 = arith.select %parallel_loop3A_209, %parallel_loop3A_224, %parallel_loop3A_85 : vector<16xi1>, vector<16xf32>
      %parallel_loop3A_235 = arith.select %parallel_loop3A_209, %parallel_loop3A_228, %parallel_loop3A_89 : vector<16xi1>, vector<16xf32>
      %parallel_loop3A_236 = arith.select %parallel_loop3A_209, %parallel_loop3A_232, %parallel_loop3A_93 : vector<16xi1>, vector<16xf32>
      %parallel_loop3A_237 = arith.subf %parallel_loop3A_211, %parallel_loop3A_233 : vector<16xf32>
      %parallel_loop3A_238 = arith.subf %parallel_loop3A_212, %parallel_loop3A_234 : vector<16xf32>
      %parallel_loop3A_239 = arith.mulf %parallel_loop3A_237, %parallel_loop3A_237 : vector<16xf32>
      %parallel_loop3A_240 = arith.mulf %parallel_loop3A_238, %parallel_loop3A_238 : vector<16xf32>
      %parallel_loop3A_241 = arith.addf %parallel_loop3A_239, %parallel_loop3A_240 : vector<16xf32>
      %parallel_loop3A_242 = arith.addf %parallel_loop3A_241, %parallel_loop3A_213 : vector<16xf32>
      %parallel_loop3A_243 = arith.addf %parallel_loop3A_242, %parallel_loop3A_235 : vector<16xf32>
      %parallel_loop3A_244 = arith.mulf %parallel_loop3A_213, %parallel_loop3A_235 : vector<16xf32>
      %parallel_loop3A_245 = vector.bitcast %parallel_loop3A_244 : vector<16xf32> to vector<16xi32>
      %parallel_loop3A_246 = arith.constant 1 : i32
      %parallel_loop3A_247 = vector.broadcast %parallel_loop3A_246 : i32 to vector<16xi32>
      %parallel_loop3A_248 = arith.shrui %parallel_loop3A_245, %parallel_loop3A_247 : vector<16xi32>
      %parallel_loop3A_249 = arith.constant 1597463007 : i32
      %parallel_loop3A_250 = vector.broadcast %parallel_loop3A_249 : i32 to vector<16xi32>
      %parallel_loop3A_251 = arith.subi %parallel_loop3A_250, %parallel_loop3A_248 : vector<16xi32>
      %parallel_loop3A_252 = vector.bitcast %parallel_loop3A_251 : vector<16xi32> to vector<16xf32>
      %parallel_loop3A_253 = arith.constant 5.000000e-01 : f32
      %parallel_loop3A_254 = vector.broadcast %parallel_loop3A_253 : f32 to vector<16xf32>
      %parallel_loop3A_255 = arith.mulf %parallel_loop3A_254, %parallel_loop3A_244 : vector<16xf32>
      %parallel_loop3A_256 = arith.mulf %parallel_loop3A_255, %parallel_loop3A_252 : vector<16xf32>
      %parallel_loop3A_257 = arith.mulf %parallel_loop3A_256, %parallel_loop3A_252 : vector<16xf32>
      %parallel_loop3A_258 = arith.constant 1.500000e+00 : f32
      %parallel_loop3A_259 = vector.broadcast %parallel_loop3A_258 : f32 to vector<16xf32>
      %parallel_loop3A_260 = arith.subf %parallel_loop3A_259, %parallel_loop3A_257 : vector<16xf32>
      %parallel_loop3A_261 = arith.mulf %parallel_loop3A_252, %parallel_loop3A_260 : vector<16xf32>
      %parallel_loop3A_262 = arith.mulf %parallel_loop3A_255, %parallel_loop3A_261 : vector<16xf32>
      %parallel_loop3A_263 = arith.mulf %parallel_loop3A_262, %parallel_loop3A_261 : vector<16xf32>
      %parallel_loop3A_264 = arith.constant 1.500000e+00 : f32
      %parallel_loop3A_265 = vector.broadcast %parallel_loop3A_264 : f32 to vector<16xf32>
      %parallel_loop3A_266 = arith.subf %parallel_loop3A_265, %parallel_loop3A_263 : vector<16xf32>
      %parallel_loop3A_267 = arith.mulf %parallel_loop3A_261, %parallel_loop3A_266 : vector<16xf32>
      %parallel_loop3A_268 = arith.mulf %parallel_loop3A_255, %parallel_loop3A_267 : vector<16xf32>
      %parallel_loop3A_269 = arith.mulf %parallel_loop3A_268, %parallel_loop3A_267 : vector<16xf32>
      %parallel_loop3A_270 = arith.constant 1.500000e+00 : f32
      %parallel_loop3A_271 = vector.broadcast %parallel_loop3A_270 : f32 to vector<16xf32>
      %parallel_loop3A_272 = arith.subf %parallel_loop3A_271, %parallel_loop3A_269 : vector<16xf32>
      %parallel_loop3A_273 = arith.mulf %parallel_loop3A_267, %parallel_loop3A_272 : vector<16xf32>
      %parallel_loop3A_274 = arith.mulf %parallel_loop3A_244, %parallel_loop3A_273 : vector<16xf32>
      %parallel_loop3A_275 = arith.constant 2.000000e+00 : f32
      %parallel_loop3A_276 = vector.broadcast %parallel_loop3A_275 : f32 to vector<16xf32>
      %parallel_loop3A_277 = arith.mulf %parallel_loop3A_276, %parallel_loop3A_274 : vector<16xf32>
      %parallel_loop3A_278 = arith.subf %parallel_loop3A_243, %parallel_loop3A_277 : vector<16xf32>
      %parallel_loop3A_279 = arith.addf %parallel_loop3A_278, %parallel_loop3A_214 : vector<16xf32>
      %parallel_loop3A_280 = arith.addf %parallel_loop3A_279, %parallel_loop3A_236 : vector<16xf32>
      %parallel_loop3A_281 = arith.mulf %parallel_loop3A_214, %parallel_loop3A_236 : vector<16xf32>
      %parallel_loop3A_282 = vector.bitcast %parallel_loop3A_281 : vector<16xf32> to vector<16xi32>
      %parallel_loop3A_283 = arith.constant 1 : i32
      %parallel_loop3A_284 = vector.broadcast %parallel_loop3A_283 : i32 to vector<16xi32>
      %parallel_loop3A_285 = arith.shrui %parallel_loop3A_282, %parallel_loop3A_284 : vector<16xi32>
      %parallel_loop3A_286 = arith.constant 1597463007 : i32
      %parallel_loop3A_287 = vector.broadcast %parallel_loop3A_286 : i32 to vector<16xi32>
      %parallel_loop3A_288 = arith.subi %parallel_loop3A_287, %parallel_loop3A_285 : vector<16xi32>
      %parallel_loop3A_289 = vector.bitcast %parallel_loop3A_288 : vector<16xi32> to vector<16xf32>
      %parallel_loop3A_290 = arith.constant 5.000000e-01 : f32
      %parallel_loop3A_291 = vector.broadcast %parallel_loop3A_290 : f32 to vector<16xf32>
      %parallel_loop3A_292 = arith.mulf %parallel_loop3A_291, %parallel_loop3A_281 : vector<16xf32>
      %parallel_loop3A_293 = arith.mulf %parallel_loop3A_292, %parallel_loop3A_289 : vector<16xf32>
      %parallel_loop3A_294 = arith.mulf %parallel_loop3A_293, %parallel_loop3A_289 : vector<16xf32>
      %parallel_loop3A_295 = arith.constant 1.500000e+00 : f32
      %parallel_loop3A_296 = vector.broadcast %parallel_loop3A_295 : f32 to vector<16xf32>
      %parallel_loop3A_297 = arith.subf %parallel_loop3A_296, %parallel_loop3A_294 : vector<16xf32>
      %parallel_loop3A_298 = arith.mulf %parallel_loop3A_289, %parallel_loop3A_297 : vector<16xf32>
      %parallel_loop3A_299 = arith.mulf %parallel_loop3A_292, %parallel_loop3A_298 : vector<16xf32>
      %parallel_loop3A_300 = arith.mulf %parallel_loop3A_299, %parallel_loop3A_298 : vector<16xf32>
      %parallel_loop3A_301 = arith.constant 1.500000e+00 : f32
      %parallel_loop3A_302 = vector.broadcast %parallel_loop3A_301 : f32 to vector<16xf32>
      %parallel_loop3A_303 = arith.subf %parallel_loop3A_302, %parallel_loop3A_300 : vector<16xf32>
      %parallel_loop3A_304 = arith.mulf %parallel_loop3A_298, %parallel_loop3A_303 : vector<16xf32>
      %parallel_loop3A_305 = arith.mulf %parallel_loop3A_292, %parallel_loop3A_304 : vector<16xf32>
      %parallel_loop3A_306 = arith.mulf %parallel_loop3A_305, %parallel_loop3A_304 : vector<16xf32>
      %parallel_loop3A_307 = arith.constant 1.500000e+00 : f32
      %parallel_loop3A_308 = vector.broadcast %parallel_loop3A_307 : f32 to vector<16xf32>
      %parallel_loop3A_309 = arith.subf %parallel_loop3A_308, %parallel_loop3A_306 : vector<16xf32>
      %parallel_loop3A_310 = arith.mulf %parallel_loop3A_304, %parallel_loop3A_309 : vector<16xf32>
      %parallel_loop3A_311 = arith.mulf %parallel_loop3A_281, %parallel_loop3A_310 : vector<16xf32>
      %parallel_loop3A_312 = arith.constant 2.000000e+00 : f32
      %parallel_loop3A_313 = vector.broadcast %parallel_loop3A_312 : f32 to vector<16xf32>
      %parallel_loop3A_314 = arith.mulf %parallel_loop3A_313, %parallel_loop3A_311 : vector<16xf32>
      %parallel_loop3A_315 = arith.subf %parallel_loop3A_280, %parallel_loop3A_314 : vector<16xf32>
      %parallel_loop3A_316 = arith.subf %parallel_loop3A_215, %parallel_loop3A_210 : vector<16xf32>
      %parallel_loop3A_317 = arith.mulf %parallel_loop3A_316, %parallel_loop3A_316 : vector<16xf32>
      %parallel_loop3A_318 = arith.mulf %parallel_loop3A_216, %parallel_loop3A_216 : vector<16xf32>
      %parallel_loop3A_319 = arith.constant 10 : i32
      %parallel_loop3A_320 = arith.index_cast %parallel_loop3A_319 : i32 to index
      %parallel_loop3A_321 = arith.index_cast %parallel_loop3A_43 : i32 to index
      %parallel_loop3A_322 = tpu.vector_load %arg5[%parallel_loop3A_320, %parallel_loop3A_321] {strides = array<i32>} : memref<30x256xf32, #tpu.memory_space<vmem>>, vector<16xf32>,
      %parallel_loop3A_323 = arith.constant 10 : i32
      %parallel_loop3A_324 = arith.index_cast %parallel_loop3A_323 : i32 to index
      %parallel_loop3A_325 = arith.index_cast %parallel_loop3A_43 : i32 to index
      %parallel_loop3A_326 = tpu.vector_load %arg6[%parallel_loop3A_324, %parallel_loop3A_325] {strides = array<i32>} : memref<30x256xf32, #tpu.memory_space<vmem>>, vector<16xf32>,
      %parallel_loop3A_327 = arith.subf %parallel_loop3A_322, %parallel_loop3A_326 : vector<16xf32>
      %parallel_loop3A_328 = arith.mulf %parallel_loop3A_327, %parallel_loop3A_327 : vector<16xf32>
      %parallel_loop3A_329 = arith.constant 11 : i32
      %parallel_loop3A_330 = arith.index_cast %parallel_loop3A_329 : i32 to index
      %parallel_loop3A_331 = arith.index_cast %parallel_loop3A_43 : i32 to index
      %parallel_loop3A_332 = tpu.vector_load %arg5[%parallel_loop3A_330, %parallel_loop3A_331] {strides = array<i32>} : memref<30x256xf32, #tpu.memory_space<vmem>>, vector<16xf32>,
      %parallel_loop3A_333 = arith.constant 11 : i32
      %parallel_loop3A_334 = arith.index_cast %parallel_loop3A_333 : i32 to index
      %parallel_loop3A_335 = arith.index_cast %parallel_loop3A_43 : i32 to index
      %parallel_loop3A_336 = tpu.vector_load %arg6[%parallel_loop3A_334, %parallel_loop3A_335] {strides = array<i32>} : memref<30x256xf32, #tpu.memory_space<vmem>>, vector<16xf32>,
      %parallel_loop3A_337 = arith.subf %parallel_loop3A_332, %parallel_loop3A_336 : vector<16xf32>
      %parallel_loop3A_338 = arith.mulf %parallel_loop3A_337, %parallel_loop3A_337 : vector<16xf32>
      %parallel_loop3A_339 = arith.addf %parallel_loop3A_328, %parallel_loop3A_338 : vector<16xf32>
      %parallel_loop3A_340 = arith.constant 12 : i32
      %parallel_loop3A_341 = arith.index_cast %parallel_loop3A_340 : i32 to index
      %parallel_loop3A_342 = arith.index_cast %parallel_loop3A_43 : i32 to index
      %parallel_loop3A_343 = tpu.vector_load %arg5[%parallel_loop3A_341, %parallel_loop3A_342] {strides = array<i32>} : memref<30x256xf32, #tpu.memory_space<vmem>>, vector<16xf32>,
      %parallel_loop3A_344 = arith.constant 12 : i32
      %parallel_loop3A_345 = arith.index_cast %parallel_loop3A_344 : i32 to index
      %parallel_loop3A_346 = arith.index_cast %parallel_loop3A_43 : i32 to index
      %parallel_loop3A_347 = tpu.vector_load %arg6[%parallel_loop3A_345, %parallel_loop3A_346] {strides = array<i32>} : memref<30x256xf32, #tpu.memory_space<vmem>>, vector<16xf32>,
      %parallel_loop3A_348 = arith.subf %parallel_loop3A_343, %parallel_loop3A_347 : vector<16xf32>
      %parallel_loop3A_349 = arith.mulf %parallel_loop3A_348, %parallel_loop3A_348 : vector<16xf32>
      %parallel_loop3A_350 = arith.addf %parallel_loop3A_339, %parallel_loop3A_349 : vector<16xf32>
      %parallel_loop3A_351 = arith.constant 13 : i32
      %parallel_loop3A_352 = arith.index_cast %parallel_loop3A_351 : i32 to index
      %parallel_loop3A_353 = arith.index_cast %parallel_loop3A_43 : i32 to index
      %parallel_loop3A_354 = tpu.vector_load %arg5[%parallel_loop3A_352, %parallel_loop3A_353] {strides = array<i32>} : memref<30x256xf32, #tpu.memory_space<vmem>>, vector<16xf32>,
      %parallel_loop3A_355 = arith.constant 13 : i32
      %parallel_loop3A_356 = arith.index_cast %parallel_loop3A_355 : i32 to index
      %parallel_loop3A_357 = arith.index_cast %parallel_loop3A_43 : i32 to index
      %parallel_loop3A_358 = tpu.vector_load %arg6[%parallel_loop3A_356, %parallel_loop3A_357] {strides = array<i32>} : memref<30x256xf32, #tpu.memory_space<vmem>>, vector<16xf32>,
      %parallel_loop3A_359 = arith.subf %parallel_loop3A_354, %parallel_loop3A_358 : vector<16xf32>
      %parallel_loop3A_360 = arith.mulf %parallel_loop3A_359, %parallel_loop3A_359 : vector<16xf32>
      %parallel_loop3A_361 = arith.addf %parallel_loop3A_350, %parallel_loop3A_360 : vector<16xf32>
      %parallel_loop3A_362 = arith.constant 14 : i32
      %parallel_loop3A_363 = arith.index_cast %parallel_loop3A_362 : i32 to index
      %parallel_loop3A_364 = arith.index_cast %parallel_loop3A_43 : i32 to index
      %parallel_loop3A_365 = tpu.vector_load %arg5[%parallel_loop3A_363, %parallel_loop3A_364] {strides = array<i32>} : memref<30x256xf32, #tpu.memory_space<vmem>>, vector<16xf32>,
      %parallel_loop3A_366 = arith.constant 14 : i32
      %parallel_loop3A_367 = arith.index_cast %parallel_loop3A_366 : i32 to index
      %parallel_loop3A_368 = arith.index_cast %parallel_loop3A_43 : i32 to index
      %parallel_loop3A_369 = tpu.vector_load %arg6[%parallel_loop3A_367, %parallel_loop3A_368] {strides = array<i32>} : memref<30x256xf32, #tpu.memory_space<vmem>>, vector<16xf32>,
      %parallel_loop3A_370 = arith.subf %parallel_loop3A_365, %parallel_loop3A_369 : vector<16xf32>
      %parallel_loop3A_371 = arith.mulf %parallel_loop3A_370, %parallel_loop3A_370 : vector<16xf32>
      %parallel_loop3A_372 = arith.addf %parallel_loop3A_361, %parallel_loop3A_371 : vector<16xf32>
      %parallel_loop3A_373 = arith.constant 15 : i32
      %parallel_loop3A_374 = arith.index_cast %parallel_loop3A_373 : i32 to index
      %parallel_loop3A_375 = arith.index_cast %parallel_loop3A_43 : i32 to index
      %parallel_loop3A_376 = tpu.vector_load %arg5[%parallel_loop3A_374, %parallel_loop3A_375] {strides = array<i32>} : memref<30x256xf32, #tpu.memory_space<vmem>>, vector<16xf32>,
      %parallel_loop3A_377 = arith.constant 15 : i32
      %parallel_loop3A_378 = arith.index_cast %parallel_loop3A_377 : i32 to index
      %parallel_loop3A_379 = arith.index_cast %parallel_loop3A_43 : i32 to index
      %parallel_loop3A_380 = tpu.vector_load %arg6[%parallel_loop3A_378, %parallel_loop3A_379] {strides = array<i32>} : memref<30x256xf32, #tpu.memory_space<vmem>>, vector<16xf32>,
      %parallel_loop3A_381 = arith.subf %parallel_loop3A_376, %parallel_loop3A_380 : vector<16xf32>
      %parallel_loop3A_382 = arith.mulf %parallel_loop3A_381, %parallel_loop3A_381 : vector<16xf32>
      %parallel_loop3A_383 = arith.addf %parallel_loop3A_372, %parallel_loop3A_382 : vector<16xf32>
      %parallel_loop3A_384 = arith.constant 16 : i32
      %parallel_loop3A_385 = arith.index_cast %parallel_loop3A_384 : i32 to index
      %parallel_loop3A_386 = arith.index_cast %parallel_loop3A_43 : i32 to index
      %parallel_loop3A_387 = tpu.vector_load %arg5[%parallel_loop3A_385, %parallel_loop3A_386] {strides = array<i32>} : memref<30x256xf32, #tpu.memory_space<vmem>>, vector<16xf32>,
      %parallel_loop3A_388 = arith.constant 16 : i32
      %parallel_loop3A_389 = arith.index_cast %parallel_loop3A_388 : i32 to index
      %parallel_loop3A_390 = arith.index_cast %parallel_loop3A_43 : i32 to index
      %parallel_loop3A_391 = tpu.vector_load %arg6[%parallel_loop3A_389, %parallel_loop3A_390] {strides = array<i32>} : memref<30x256xf32, #tpu.memory_space<vmem>>, vector<16xf32>,
      %parallel_loop3A_392 = arith.subf %parallel_loop3A_387, %parallel_loop3A_391 : vector<16xf32>
      %parallel_loop3A_393 = arith.mulf %parallel_loop3A_392, %parallel_loop3A_392 : vector<16xf32>
      %parallel_loop3A_394 = arith.addf %parallel_loop3A_383, %parallel_loop3A_393 : vector<16xf32>
      %parallel_loop3A_395 = arith.constant 17 : i32
      %parallel_loop3A_396 = arith.index_cast %parallel_loop3A_395 : i32 to index
      %parallel_loop3A_397 = arith.index_cast %parallel_loop3A_43 : i32 to index
      %parallel_loop3A_398 = tpu.vector_load %arg5[%parallel_loop3A_396, %parallel_loop3A_397] {strides = array<i32>} : memref<30x256xf32, #tpu.memory_space<vmem>>, vector<16xf32>,
      %parallel_loop3A_399 = arith.constant 17 : i32
      %parallel_loop3A_400 = arith.index_cast %parallel_loop3A_399 : i32 to index
      %parallel_loop3A_401 = arith.index_cast %parallel_loop3A_43 : i32 to index
      %parallel_loop3A_402 = tpu.vector_load %arg6[%parallel_loop3A_400, %parallel_loop3A_401] {strides = array<i32>} : memref<30x256xf32, #tpu.memory_space<vmem>>, vector<16xf32>,
      %parallel_loop3A_403 = arith.subf %parallel_loop3A_398, %parallel_loop3A_402 : vector<16xf32>
      %parallel_loop3A_404 = arith.mulf %parallel_loop3A_403, %parallel_loop3A_403 : vector<16xf32>
      %parallel_loop3A_405 = arith.addf %parallel_loop3A_394, %parallel_loop3A_404 : vector<16xf32>
      %parallel_loop3A_406 = arith.constant 18 : i32
      %parallel_loop3A_407 = arith.index_cast %parallel_loop3A_406 : i32 to index
      %parallel_loop3A_408 = arith.index_cast %parallel_loop3A_43 : i32 to index
      %parallel_loop3A_409 = tpu.vector_load %arg5[%parallel_loop3A_407, %parallel_loop3A_408] {strides = array<i32>} : memref<30x256xf32, #tpu.memory_space<vmem>>, vector<16xf32>,
      %parallel_loop3A_410 = arith.constant 18 : i32
      %parallel_loop3A_411 = arith.index_cast %parallel_loop3A_410 : i32 to index
      %parallel_loop3A_412 = arith.index_cast %parallel_loop3A_43 : i32 to index
      %parallel_loop3A_413 = tpu.vector_load %arg6[%parallel_loop3A_411, %parallel_loop3A_412] {strides = array<i32>} : memref<30x256xf32, #tpu.memory_space<vmem>>, vector<16xf32>,
      %parallel_loop3A_414 = arith.subf %parallel_loop3A_409, %parallel_loop3A_413 : vector<16xf32>
      %parallel_loop3A_415 = arith.mulf %parallel_loop3A_414, %parallel_loop3A_414 : vector<16xf32>
      %parallel_loop3A_416 = arith.addf %parallel_loop3A_405, %parallel_loop3A_415 : vector<16xf32>
      %parallel_loop3A_417 = arith.constant 19 : i32
      %parallel_loop3A_418 = arith.index_cast %parallel_loop3A_417 : i32 to index
      %parallel_loop3A_419 = arith.index_cast %parallel_loop3A_43 : i32 to index
      %parallel_loop3A_420 = tpu.vector_load %arg5[%parallel_loop3A_418, %parallel_loop3A_419] {strides = array<i32>} : memref<30x256xf32, #tpu.memory_space<vmem>>, vector<16xf32>,
      %parallel_loop3A_421 = arith.constant 19 : i32
      %parallel_loop3A_422 = arith.index_cast %parallel_loop3A_421 : i32 to index
      %parallel_loop3A_423 = arith.index_cast %parallel_loop3A_43 : i32 to index
      %parallel_loop3A_424 = tpu.vector_load %arg6[%parallel_loop3A_422, %parallel_loop3A_423] {strides = array<i32>} : memref<30x256xf32, #tpu.memory_space<vmem>>, vector<16xf32>,
      %parallel_loop3A_425 = arith.subf %parallel_loop3A_420, %parallel_loop3A_424 : vector<16xf32>
      %parallel_loop3A_426 = arith.mulf %parallel_loop3A_425, %parallel_loop3A_425 : vector<16xf32>
      %parallel_loop3A_427 = arith.addf %parallel_loop3A_416, %parallel_loop3A_426 : vector<16xf32>
      %parallel_loop3A_428 = arith.constant 20 : i32
      %parallel_loop3A_429 = arith.index_cast %parallel_loop3A_428 : i32 to index
      %parallel_loop3A_430 = arith.index_cast %parallel_loop3A_43 : i32 to index
      %parallel_loop3A_431 = tpu.vector_load %arg5[%parallel_loop3A_429, %parallel_loop3A_430] {strides = array<i32>} : memref<30x256xf32, #tpu.memory_space<vmem>>, vector<16xf32>,
      %parallel_loop3A_432 = arith.constant 20 : i32
      %parallel_loop3A_433 = arith.index_cast %parallel_loop3A_432 : i32 to index
      %parallel_loop3A_434 = arith.index_cast %parallel_loop3A_43 : i32 to index
      %parallel_loop3A_435 = tpu.vector_load %arg6[%parallel_loop3A_433, %parallel_loop3A_434] {strides = array<i32>} : memref<30x256xf32, #tpu.memory_space<vmem>>, vector<16xf32>,
      %parallel_loop3A_436 = arith.subf %parallel_loop3A_431, %parallel_loop3A_435 : vector<16xf32>
      %parallel_loop3A_437 = arith.mulf %parallel_loop3A_436, %parallel_loop3A_436 : vector<16xf32>
      %parallel_loop3A_438 = arith.addf %parallel_loop3A_427, %parallel_loop3A_437 : vector<16xf32>
      %parallel_loop3A_439 = arith.constant 21 : i32
      %parallel_loop3A_440 = arith.index_cast %parallel_loop3A_439 : i32 to index
      %parallel_loop3A_441 = arith.index_cast %parallel_loop3A_43 : i32 to index
      %parallel_loop3A_442 = tpu.vector_load %arg5[%parallel_loop3A_440, %parallel_loop3A_441] {strides = array<i32>} : memref<30x256xf32, #tpu.memory_space<vmem>>, vector<16xf32>,
      %parallel_loop3A_443 = arith.constant 21 : i32
      %parallel_loop3A_444 = arith.index_cast %parallel_loop3A_443 : i32 to index
      %parallel_loop3A_445 = arith.index_cast %parallel_loop3A_43 : i32 to index
      %parallel_loop3A_446 = tpu.vector_load %arg6[%parallel_loop3A_444, %parallel_loop3A_445] {strides = array<i32>} : memref<30x256xf32, #tpu.memory_space<vmem>>, vector<16xf32>,
      %parallel_loop3A_447 = arith.subf %parallel_loop3A_442, %parallel_loop3A_446 : vector<16xf32>
      %parallel_loop3A_448 = arith.mulf %parallel_loop3A_447, %parallel_loop3A_447 : vector<16xf32>
      %parallel_loop3A_449 = arith.addf %parallel_loop3A_438, %parallel_loop3A_448 : vector<16xf32>
      %parallel_loop3A_450 = arith.constant 22 : i32
      %parallel_loop3A_451 = arith.index_cast %parallel_loop3A_450 : i32 to index
      %parallel_loop3A_452 = arith.index_cast %parallel_loop3A_43 : i32 to index
      %parallel_loop3A_453 = tpu.vector_load %arg5[%parallel_loop3A_451, %parallel_loop3A_452] {strides = array<i32>} : memref<30x256xf32, #tpu.memory_space<vmem>>, vector<16xf32>,
      %parallel_loop3A_454 = arith.constant 22 : i32
      %parallel_loop3A_455 = arith.index_cast %parallel_loop3A_454 : i32 to index
      %parallel_loop3A_456 = arith.index_cast %parallel_loop3A_43 : i32 to index
      %parallel_loop3A_457 = tpu.vector_load %arg6[%parallel_loop3A_455, %parallel_loop3A_456] {strides = array<i32>} : memref<30x256xf32, #tpu.memory_space<vmem>>, vector<16xf32>,
      %parallel_loop3A_458 = arith.subf %parallel_loop3A_453, %parallel_loop3A_457 : vector<16xf32>
      %parallel_loop3A_459 = arith.mulf %parallel_loop3A_458, %parallel_loop3A_458 : vector<16xf32>
      %parallel_loop3A_460 = arith.addf %parallel_loop3A_449, %parallel_loop3A_459 : vector<16xf32>
      %parallel_loop3A_461 = arith.constant 23 : i32
      %parallel_loop3A_462 = arith.index_cast %parallel_loop3A_461 : i32 to index
      %parallel_loop3A_463 = arith.index_cast %parallel_loop3A_43 : i32 to index
      %parallel_loop3A_464 = tpu.vector_load %arg5[%parallel_loop3A_462, %parallel_loop3A_463] {strides = array<i32>} : memref<30x256xf32, #tpu.memory_space<vmem>>, vector<16xf32>,
      %parallel_loop3A_465 = arith.constant 23 : i32
      %parallel_loop3A_466 = arith.index_cast %parallel_loop3A_465 : i32 to index
      %parallel_loop3A_467 = arith.index_cast %parallel_loop3A_43 : i32 to index
      %parallel_loop3A_468 = tpu.vector_load %arg6[%parallel_loop3A_466, %parallel_loop3A_467] {strides = array<i32>} : memref<30x256xf32, #tpu.memory_space<vmem>>, vector<16xf32>,
      %parallel_loop3A_469 = arith.subf %parallel_loop3A_464, %parallel_loop3A_468 : vector<16xf32>
      %parallel_loop3A_470 = arith.mulf %parallel_loop3A_469, %parallel_loop3A_469 : vector<16xf32>
      %parallel_loop3A_471 = arith.addf %parallel_loop3A_460, %parallel_loop3A_470 : vector<16xf32>
      %parallel_loop3A_472 = arith.constant 24 : i32
      %parallel_loop3A_473 = arith.index_cast %parallel_loop3A_472 : i32 to index
      %parallel_loop3A_474 = arith.index_cast %parallel_loop3A_43 : i32 to index
      %parallel_loop3A_475 = tpu.vector_load %arg5[%parallel_loop3A_473, %parallel_loop3A_474] {strides = array<i32>} : memref<30x256xf32, #tpu.memory_space<vmem>>, vector<16xf32>,
      %parallel_loop3A_476 = arith.constant 24 : i32
      %parallel_loop3A_477 = arith.index_cast %parallel_loop3A_476 : i32 to index
      %parallel_loop3A_478 = arith.index_cast %parallel_loop3A_43 : i32 to index
      %parallel_loop3A_479 = tpu.vector_load %arg6[%parallel_loop3A_477, %parallel_loop3A_478] {strides = array<i32>} : memref<30x256xf32, #tpu.memory_space<vmem>>, vector<16xf32>,
      %parallel_loop3A_480 = arith.subf %parallel_loop3A_475, %parallel_loop3A_479 : vector<16xf32>
      %parallel_loop3A_481 = arith.mulf %parallel_loop3A_480, %parallel_loop3A_480 : vector<16xf32>
      %parallel_loop3A_482 = arith.addf %parallel_loop3A_471, %parallel_loop3A_481 : vector<16xf32>
      %parallel_loop3A_483 = arith.constant 25 : i32
      %parallel_loop3A_484 = arith.index_cast %parallel_loop3A_483 : i32 to index
      %parallel_loop3A_485 = arith.index_cast %parallel_loop3A_43 : i32 to index
      %parallel_loop3A_486 = tpu.vector_load %arg5[%parallel_loop3A_484, %parallel_loop3A_485] {strides = array<i32>} : memref<30x256xf32, #tpu.memory_space<vmem>>, vector<16xf32>,
      %parallel_loop3A_487 = arith.constant 25 : i32
      %parallel_loop3A_488 = arith.index_cast %parallel_loop3A_487 : i32 to index
      %parallel_loop3A_489 = arith.index_cast %parallel_loop3A_43 : i32 to index
      %parallel_loop3A_490 = tpu.vector_load %arg6[%parallel_loop3A_488, %parallel_loop3A_489] {strides = array<i32>} : memref<30x256xf32, #tpu.memory_space<vmem>>, vector<16xf32>,
      %parallel_loop3A_491 = arith.subf %parallel_loop3A_486, %parallel_loop3A_490 : vector<16xf32>
      %parallel_loop3A_492 = arith.mulf %parallel_loop3A_491, %parallel_loop3A_491 : vector<16xf32>
      %parallel_loop3A_493 = arith.addf %parallel_loop3A_482, %parallel_loop3A_492 : vector<16xf32>
      %parallel_loop3A_494 = arith.constant 26 : i32
      %parallel_loop3A_495 = arith.index_cast %parallel_loop3A_494 : i32 to index
      %parallel_loop3A_496 = arith.index_cast %parallel_loop3A_43 : i32 to index
      %parallel_loop3A_497 = tpu.vector_load %arg5[%parallel_loop3A_495, %parallel_loop3A_496] {strides = array<i32>} : memref<30x256xf32, #tpu.memory_space<vmem>>, vector<16xf32>,
      %parallel_loop3A_498 = arith.constant 26 : i32
      %parallel_loop3A_499 = arith.index_cast %parallel_loop3A_498 : i32 to index
      %parallel_loop3A_500 = arith.index_cast %parallel_loop3A_43 : i32 to index
      %parallel_loop3A_501 = tpu.vector_load %arg6[%parallel_loop3A_499, %parallel_loop3A_500] {strides = array<i32>} : memref<30x256xf32, #tpu.memory_space<vmem>>, vector<16xf32>,
      %parallel_loop3A_502 = arith.subf %parallel_loop3A_497, %parallel_loop3A_501 : vector<16xf32>
      %parallel_loop3A_503 = arith.mulf %parallel_loop3A_502, %parallel_loop3A_502 : vector<16xf32>
      %parallel_loop3A_504 = arith.addf %parallel_loop3A_493, %parallel_loop3A_503 : vector<16xf32>
      %parallel_loop3A_505 = arith.constant 27 : i32
      %parallel_loop3A_506 = arith.index_cast %parallel_loop3A_505 : i32 to index
      %parallel_loop3A_507 = arith.index_cast %parallel_loop3A_43 : i32 to index
      %parallel_loop3A_508 = tpu.vector_load %arg5[%parallel_loop3A_506, %parallel_loop3A_507] {strides = array<i32>} : memref<30x256xf32, #tpu.memory_space<vmem>>, vector<16xf32>,
      %parallel_loop3A_509 = arith.constant 27 : i32
      %parallel_loop3A_510 = arith.index_cast %parallel_loop3A_509 : i32 to index
      %parallel_loop3A_511 = arith.index_cast %parallel_loop3A_43 : i32 to index
      %parallel_loop3A_512 = tpu.vector_load %arg6[%parallel_loop3A_510, %parallel_loop3A_511] {strides = array<i32>} : memref<30x256xf32, #tpu.memory_space<vmem>>, vector<16xf32>,
      %parallel_loop3A_513 = arith.subf %parallel_loop3A_508, %parallel_loop3A_512 : vector<16xf32>
      %parallel_loop3A_514 = arith.mulf %parallel_loop3A_513, %parallel_loop3A_513 : vector<16xf32>
      %parallel_loop3A_515 = arith.addf %parallel_loop3A_504, %parallel_loop3A_514 : vector<16xf32>
      %parallel_loop3A_516 = arith.constant 28 : i32
      %parallel_loop3A_517 = arith.index_cast %parallel_loop3A_516 : i32 to index
      %parallel_loop3A_518 = arith.index_cast %parallel_loop3A_43 : i32 to index
      %parallel_loop3A_519 = tpu.vector_load %arg5[%parallel_loop3A_517, %parallel_loop3A_518] {strides = array<i32>} : memref<30x256xf32, #tpu.memory_space<vmem>>, vector<16xf32>,
      %parallel_loop3A_520 = arith.constant 28 : i32
      %parallel_loop3A_521 = arith.index_cast %parallel_loop3A_520 : i32 to index
      %parallel_loop3A_522 = arith.index_cast %parallel_loop3A_43 : i32 to index
      %parallel_loop3A_523 = tpu.vector_load %arg6[%parallel_loop3A_521, %parallel_loop3A_522] {strides = array<i32>} : memref<30x256xf32, #tpu.memory_space<vmem>>, vector<16xf32>,
      %parallel_loop3A_524 = arith.subf %parallel_loop3A_519, %parallel_loop3A_523 : vector<16xf32>
      %parallel_loop3A_525 = arith.mulf %parallel_loop3A_524, %parallel_loop3A_524 : vector<16xf32>
      %parallel_loop3A_526 = arith.addf %parallel_loop3A_515, %parallel_loop3A_525 : vector<16xf32>
      %parallel_loop3A_527 = arith.constant 29 : i32
      %parallel_loop3A_528 = arith.index_cast %parallel_loop3A_527 : i32 to index
      %parallel_loop3A_529 = arith.index_cast %parallel_loop3A_43 : i32 to index
      %parallel_loop3A_530 = tpu.vector_load %arg5[%parallel_loop3A_528, %parallel_loop3A_529] {strides = array<i32>} : memref<30x256xf32, #tpu.memory_space<vmem>>, vector<16xf32>,
      %parallel_loop3A_531 = arith.constant 29 : i32
      %parallel_loop3A_532 = arith.index_cast %parallel_loop3A_531 : i32 to index
      %parallel_loop3A_533 = arith.index_cast %parallel_loop3A_43 : i32 to index
      %parallel_loop3A_534 = tpu.vector_load %arg6[%parallel_loop3A_532, %parallel_loop3A_533] {strides = array<i32>} : memref<30x256xf32, #tpu.memory_space<vmem>>, vector<16xf32>,
      %parallel_loop3A_535 = arith.subf %parallel_loop3A_530, %parallel_loop3A_534 : vector<16xf32>
      %parallel_loop3A_536 = arith.mulf %parallel_loop3A_535, %parallel_loop3A_535 : vector<16xf32>
      %parallel_loop3A_537 = arith.addf %parallel_loop3A_526, %parallel_loop3A_536 : vector<16xf32>
      %parallel_loop3A_538 = arith.constant 5.000000e+00 : f32
      %parallel_loop3A_539 = vector.broadcast %parallel_loop3A_538 : f32 to vector<16xf32>
      %parallel_loop3A_540 = arith.mulf %parallel_loop3A_539, %parallel_loop3A_315 : vector<16xf32>
      %parallel_loop3A_541 = arith.constant 2.000000e+00 : f32
      %parallel_loop3A_542 = vector.broadcast %parallel_loop3A_541 : f32 to vector<16xf32>
      %parallel_loop3A_543 = arith.mulf %parallel_loop3A_542, %parallel_loop3A_317 : vector<16xf32>
      %parallel_loop3A_544 = arith.addf %parallel_loop3A_540, %parallel_loop3A_543 : vector<16xf32>
      %parallel_loop3A_545 = arith.addf %parallel_loop3A_544, %parallel_loop3A_318 : vector<16xf32>
      %parallel_loop3A_546 = arith.addf %parallel_loop3A_545, %parallel_loop3A_537 : vector<16xf32>
      %parallel_loop3A_547 = arith.mulf %parallel_loop3A_56, %parallel_loop3A_546 : vector<16xf32>
      %parallel_loop3A_548 = arith.constant 5.000000e-01 : f32
      %parallel_loop3A_549 = vector.broadcast %parallel_loop3A_548 : f32 to vector<16xf32>
      %parallel_loop3A_550 = arith.mulf %parallel_loop3A_549, %parallel_loop3A_77 : vector<16xf32>
      %parallel_loop3A_551 = arith.addf %parallel_loop3A_547, %parallel_loop3A_550 : vector<16xf32>
      %parallel_loop3A_552 = arith.addf %parallel_loop3A_44, %parallel_loop3A_551 : vector<16xf32>
      scf.yield %parallel_loop3A_552 : vector<16xf32>
    } {sc.loop_unroll_factor = 1 : i64, sc.parallel_access}
    %swap3A = arith.constant 0 : index
    %swap3A_42 = tpu.vector_load %arg9[%swap3A] {strides = array<i32>} : memref<16xf32, #tpu.memory_space<vmem>>, vector<16xf32>,
    tpu.vector_store %arg9[%swap3A], %parallel_loop3A_41 {strides = array<i32>} : memref<16xf32, #tpu.memory_space<vmem>>, vector<16xf32>,
    "tpu.region"() ({
      %run_scoped3A = tpu.sem_alloc : memref<!tpu.dma_semaphore, #tpu.memory_space<semaphore_mem>>
      %dma_start3A_43 = arith.constant 0 : i32
      %dma_start3A_44 = tpu.memref_slice %arg4[%add3A, %dma_start3A_43] : memref<32x16xf32, #tpu.memory_space<hbm>> -> memref<1x16xf32, #tpu.memory_space<hbm>>
      %dma_start3A_45 = tpu.memref_squeeze %dma_start3A_44 : memref<1x16xf32, #tpu.memory_space<hbm>> -> memref<16xf32, #tpu.memory_space<hbm>>
      %dma_start3A_46 = arith.constant 0 : i32
      %dma_start3A_47 = tpu.memref_slice %arg4[%add3A, %dma_start3A_46] : memref<32x16xf32, #tpu.memory_space<hbm>> -> memref<1x16xf32, #tpu.memory_space<hbm>>
      %dma_start3A_48 = tpu.memref_squeeze %dma_start3A_47 : memref<1x16xf32, #tpu.memory_space<hbm>> -> memref<16xf32, #tpu.memory_space<hbm>>
      tpu.enqueue_dma source(%arg9 : memref<16xf32, #tpu.memory_space<vmem>>) target(%dma_start3A_48 : memref<16xf32, #tpu.memory_space<hbm>>) target_semaphore(%run_scoped3A : memref<!tpu.dma_semaphore, #tpu.memory_space<semaphore_mem>>)
      %dma_wait3A_49 = arith.constant 0 : i32
      %dma_wait3A_50 = tpu.memref_slice %arg4[%add3A, %dma_wait3A_49] : memref<32x16xf32, #tpu.memory_space<hbm>> -> memref<1x16xf32, #tpu.memory_space<hbm>>
      %dma_wait3A_51 = tpu.memref_squeeze %dma_wait3A_50 : memref<1x16xf32, #tpu.memory_space<hbm>> -> memref<16xf32, #tpu.memory_space<hbm>>
      %dma_wait3A_52 = arith.constant 0 : i32
      %dma_wait3A_53 = tpu.memref_slice %arg4[%add3A, %dma_wait3A_52] : memref<32x16xf32, #tpu.memory_space<hbm>> -> memref<1x16xf32, #tpu.memory_space<hbm>>
      %dma_wait3A_54 = tpu.memref_squeeze %dma_wait3A_53 : memref<1x16xf32, #tpu.memory_space<hbm>> -> memref<16xf32, #tpu.memory_space<hbm>>
      tpu.wait_dma2 semaphore(%run_scoped3A : memref<!tpu.dma_semaphore, #tpu.memory_space<semaphore_mem>>) src(%arg9 : memref<16xf32, #tpu.memory_space<vmem>>) dst(%dma_wait3A_54 : memref<16xf32, #tpu.memory_space<hbm>>)
      tpu.yield
    }) : () -> ()
    return
  }
}

</mosaic_0001>

<sc_bundles>
// kernel: kernel.3.cloned.1.call-start
scs
__scs_entry_jumppad:
0x0: {  	(pc) =	sbr.rel $0x88, $3  }
0x1: {  	(tag) =	ssettag $0x0;
	lr =	simm.s32 $0x1  }
0x2: {  	[smem:$0x3F9F] =	sst lr;
	_ =	strace $0xD0000000  }
0x3: {  	_ = 	snop  }
0x4: {  	_ = 	snop  }
0x5: {  	_ = 	snop  }
0x6: {  	_ = 	snop  }
0x7: {  	_ = 	snop  }
__scs_overlays_trampoline_lowered:
0x8: {  	[smem:$0x3FAE] =	sst s0  }
0x9: {  	[smem:$0x3FAF] =	sst s1  }
0xa: {  	[smem:$0x3FB0] =	sst s2  }
0xb: {  	[smem:$0x3FB1] =	sst s3  }
0xc: {  	[smem:$0x3FB2] =	sst s4  }
0xd: {  	[smem:$0x3FB3] =	sst s5  }
0xe: {  	[smem:$0x3FB4] =	sst s6  }
0xf: {  	[smem:$0x3FB5] =	sst s7  }
0x10: {  	[smem:$0x3FB6] =	sst s8  }
0x11: {  	[smem:$0x3FB7] =	sst s9;
	s0 =	simm.s32 @!p0 $0x0  }
0x12: {  	s1 =	sld [smem:$0x3F9D];
	s0 =	simm.s32 @p0 $0x1  }
0x13: {  	[smem:$0x3FB8] =	sst s0;
	s0 =	simm.s32 @!p1 $0x0  }
0x14: {  	s2 =	sld [smem:$0x3F9C];
	s0 =	simm.s32 @p1 $0x1  }
0x15: {  	[smem:$0x3FB9] =	sst s0;
	s0 =	simm.s32 @!p2 $0x0  }
0x16: {  	s3 =	sld [smem:$0x3FDB];
	s0 =	simm.s32 @p2 $0x1  }
0x17: {  	s4 =	simm.s32 $0x1BF5;
	[smem:$0x3FBB] =	sst s0  }
0x18: {  	s0 =	sld [smem:$0x3F9E];
	_ =	swait.ge [sflag:s4], $0x0  }
0x19: {  	s7 =	sld [smem:$0x3F9F]  }
0x1a: {  	s8 =	sadd.s32 $0xFFFFE003, lr  }
0x1b: {  	s9 =	sadd.s32 $0xFFFFFEF7, lr;
	s5 =	simm.s32 $0xFFFFFFFF;
	p2 =	slt.u32 s8, $0xFFFFF086  }
0x1c: {  	p1 =	slt.u32 s9, $0xF7A;
	s5 =	simm.s32 @!p2 $0x0  }
0x1d: {  	s5 =	simm.s32 @p1 $0x1;
	p0 =	seq.s32 s7, s2  }
0x1e: {  	s7 =	smul.u32 @!p0 $0xF7A, s2;
	p2 =	seq.s32 @!p0 s5, $0x0  }
0x1f: {  	s9 =	smul.u32 $0xF7A, s1;
	s8 =	simm.s32 @!p0 $0x1BF5;
	p2 =	por !p2, p0  }
0x20: {  	[sflag:s8] =	ssyncset.s32 @!p0 $0xFFFFF086;
	s6 =	sadd.s32 @!p0 s3, s7;
	s7 =	simm.s32 @!p0 $0x108  }
0x21: {  	s3 =	sadd.s32 s3, s9;
	s6 =	sadd.s32 @!p0 $0x88, s6;
	s7 =	simm.s32 @p2 $0x1082  }
0x22: {  	[simem:s7], [sflag:s8] =	dma.local @!p0 [hbm:s6], $0xF7A  }
0x23: {  	s9 =	sor.u32 $0xD0000000, s2;
	s6 =	simm.s32 $0x108;
	_ =	swait.ge @!p0 [sflag:s8], $0x0  }
0x24: {  	s3 =	sadd.s32 $0x88, s3;
	s6 =	simm.s32 @!p1 $0x1082;
	[sflag:s4] =	ssyncset.s32 $0xFFFFF086  }
0x25: {  	[simem:s6], [sflag:s4] =	dma.local [hbm:s3], $0xF7A  }
0x26: {  	[smem:$0x3F9F] =	sst s1;
	(tag) =	ssettag s2;
	_ =	strace s9  }
0x27: {  	s1 =	sld [smem:$0x3FAF]  }
0x28: {  	s2 =	sld [smem:$0x3FB0]  }
0x29: {  	s4 =	sld [smem:$0x3FB2]  }
0x2a: {  	p0 =	seq.s32 s5, $0x0;
	s5 =	sld [smem:$0x3FB3]  }
0x2b: {  	s6 =	sld [smem:$0x3FB4]  }
0x2c: {  	s7 =	sld [smem:$0x3FB5]  }
0x2d: {  	s3 =	simm.s32 $0x108;
	s8 =	sld [smem:$0x3FB6]  }
0x2e: {  	s3 =	simm.s32 @!p0 $0x1082;
	s9 =	sld [smem:$0x3FB7]  }
0x2f: {  	lr =	sadd.s32 s0, s3;
	s0 =	sld [smem:$0x3FAE]  }
0x30: {  	s3 =	sld [smem:$0x3FB1]  }
0x31: {  	[smem:$0x3FBA] =	sst s10  }
0x32: {  	s10 =	sld [smem:$0x3FB8];
	_ =	sdelay $0x3  }
0x33: {  	p0 =	seq.s32 s10, $0x1;
	s10 =	sld [smem:$0x3FBA];
	_ =	sdelay $0x3  }
0x34: {  	[smem:$0x3FBA] =	sst s10  }
0x35: {  	s10 =	sld [smem:$0x3FB9];
	_ =	sdelay $0x3  }
0x36: {  	p1 =	seq.s32 s10, $0x1;
	s10 =	sld [smem:$0x3FBA];
	_ =	sdelay $0x3  }
0x37: {  	[smem:$0x3FBA] =	sst s10  }
0x38: {  	s10 =	sld [smem:$0x3FBB]  }
0x39: {  	_ = 	snop;
	(pc) =	sbr.ind lr, $3  }
0x3a: {  	_ = 	snop  }
0x3b: {  	_ = 	snop  }
0x3c: {  	p2 =	seq.s32 s10, $0x1;
	s10 =	sld [smem:$0x3FBA]  }
0x3d: {  	_ =	shalt  }
0x3e: {  	_ =	shalt  }
0x3f: {  	_ =	shalt  }
0x40: {  	_ =	shalt  }
0x41: {  	_ =	shalt  }
0x42: {  	_ =	shalt  }
0x43: {  	_ =	shalt  }
0x44: {  	_ =	shalt  }
0x45: {  	_ =	shalt  }
0x46: {  	_ =	shalt  }
0x47: {  	_ =	shalt  }
0x48: {  	_ =	shalt  }
0x49: {  	_ =	shalt  }
0x4a: {  	_ =	shalt  }
0x4b: {  	_ =	shalt  }
0x4c: {  	_ =	shalt  }
0x4d: {  	_ =	shalt  }
0x4e: {  	_ =	shalt  }
0x4f: {  	_ =	shalt  }
0x50: {  	_ =	shalt  }
0x51: {  	_ =	shalt  }
0x52: {  	_ =	shalt  }
0x53: {  	_ =	shalt  }
0x54: {  	_ =	shalt  }
0x55: {  	_ =	shalt  }
0x56: {  	_ =	shalt  }
0x57: {  	_ =	shalt  }
0x58: {  	_ =	shalt  }
0x59: {  	_ =	shalt  }
0x5a: {  	_ =	shalt  }
0x5b: {  	_ =	shalt  }
0x5c: {  	_ =	shalt  }
0x5d: {  	_ =	shalt  }
0x5e: {  	_ =	shalt  }
0x5f: {  	_ =	shalt  }
0x60: {  	_ =	shalt  }
0x61: {  	_ =	shalt  }
0x62: {  	_ =	shalt  }
0x63: {  	_ =	shalt  }
0x64: {  	_ =	shalt  }
0x65: {  	_ =	shalt  }
0x66: {  	_ =	shalt  }
0x67: {  	_ =	shalt  }
0x68: {  	_ =	shalt  }
0x69: {  	_ =	shalt  }
0x6a: {  	_ =	shalt  }
0x6b: {  	_ =	shalt  }
0x6c: {  	_ =	shalt  }
0x6d: {  	_ =	shalt  }
0x6e: {  	_ =	shalt  }
0x6f: {  	_ =	shalt  }
0x70: {  	_ =	shalt  }
0x71: {  	_ =	shalt  }
0x72: {  	_ =	shalt  }
0x73: {  	_ =	shalt  }
0x74: {  	_ =	shalt  }
0x75: {  	_ =	shalt  }
0x76: {  	_ =	shalt  }
0x77: {  	_ =	shalt  }
0x78: {  	_ =	shalt  }
0x79: {  	_ =	shalt  }
0x7a: {  	_ =	shalt  }
0x7b: {  	_ =	shalt  }
0x7c: {  	_ =	shalt  }
0x7d: {  	_ =	shalt  }
0x7e: {  	_ =	shalt  }
0x7f: {  	_ =	shalt  }
0x80: {  	_ =	shalt  }
0x81: {  	_ =	shalt  }
0x82: {  	_ =	shalt  }
0x83: {  	_ =	shalt  }
0x84: {  	_ =	shalt  }
0x85: {  	_ =	shalt  }
0x86: {  	_ =	shalt  }
0x87: {  	_ =	shalt  }
.Lfunc_end0:
.L_simem_size_0:
called_computation_lowered:
.L_overlay_start_0:
0x88: {  	s2 =	sld [smem:$0x3FD9]  }
0x89: {  	s3 =	sld [smem:$0x3FFE];
	_ =	sdelay $0x1  }
0x8a: {  	s1 =	srdreg.scid  }
0x8b: {  	s0 =	sand.u32 $0x1, s1  }
0x8c: {  	s17 =	sshll.u32 s0, $0xA;
	s2 =	sadd.s32 s3, s2  }
0x8d: {  	s2 =	sadd.s32 s2, s17  }
0x8e: {  	[smem:$0x3FC6] =	sst s2  }
0x8f: {  	_ = 	snop  }
0x90: {  	s2 =	sld [smem:$0x3FC9]  }
0x91: {  	s18 =	sld [smem:$0x3FC8];
	(tm) =	ssettm $0x1  }
0x92: {  	s4 =	sld [smem:$0x3FFB];
	_ =	sdelay $0x3  }
0x93: {  	_ =	strace s4  }
0x94: {  	s4 =	sld [smem:$0x3FFC];
	_ =	sdelay $0x3  }
0x95: {  	_ =	strace s4  }
0x96: {  	s4 =	sld [smem:$0x3FFD];
	_ =	sdelay $0x3  }
0x97: {  	_ =	strace s4  }
0x98: {  	_ =	strace $0x8FFFFFFF  }
0x99: {  	s19 =	sld [smem:$0x3FDB];
	_ =	sdelay $0x1  }
0x9a: {  	s5 =	simm.s32 $_scs_section_size  }
0x9b: {  	s6 =	simm.s32 $_size__tile_overlayer_lowered;
	s7 =	simm.s32 $_tile_overlayer_lowered  }
0x9c: {  	s22 =	simm.s32 $0x1BFF;
	s21 =	sshll.u32 s7, $0x1;
	s4 =	sadd.s32 s5, s19  }
0x9d: {  	s8 =	simm.s32 $0x0;
	s20 =	sshll.u32 s6, $0x1;
	s6 =	sadd.s32 s21, s4  }
0x9e: {  	[timem:s8], [sflag:s22] =	dma.local [hbm:s6], s20  }
0x9f: {  	_ =	swait.ge [sflag:s22], s20  }
0xa0: {  	s5 =	ssub.s32 $0x0, s20;
	[sflag:s22] =	ssyncset.done $0x0  }
0xa1: {  	[sflag:s22] =	ssyncadd.s32 s5;
	_ =	sdelay $0x1  }
0xa2: {  	s23 =	simm.s32 $0x1B8B  }
0xa3: {  	_ =	swait.ge [sflag:s23], $0x1  }
0xa4: {  	[sflag:s23] =	ssyncset.done $0x0  }
0xa5: {  	s25 =	simm.s32 $0x1B8E;
	s24 =	sld [smem:$0x3FFE];
	[sflag:s23] =	ssyncadd.s32 $0xFFFFFFFF  }
0xa6: {  	s26 =	simm.s32 $execute0_lowered;
	[smem:$0x3FD2] =	sst s25  }
0xa7: {  	s6 =	sshll.u32 s26, $0x1;
	_ =	strace $0x80000046;
	[dreg:$0x1] =	wrdreg $0xFFFFFFFF  }
0xa8: {  	s28 =	simm.s32 $_size_execute0_lowered;
	s4 =	sadd.s32 s4, s6;
	[dreg:$0x0] =	wrdreg $0x0  }
0xa9: {  	s6 =	sshll.u32 s28, $0x1;
	[dreg:$0x2] =	wrdreg s4  }
0xaa: {  	[dreg:$0x3] =	wrdreg s6  }
0xab: {  	[dreg:$0x4] =	wrdreg $0xC0  }
0xac: {  	_ =	task [dreg:s8], $0x5FFFF  }
0xad: {  	[dreg:$0x1] =	wrdreg $0xFFFFFFFF  }
0xae: {  	[dreg:$0x0] =	wrdreg $0x60  }
0xaf: {  	[dreg:$0x2] =	wrdreg s2  }
0xb0: {  	[dreg:$0x3] =	wrdreg s18  }
0xb1: {  	[dreg:$0x4] =	wrdreg s24  }
0xb2: {  	[dreg:$0x5] =	wrdreg $0x9  }
0xb3: {  	_ =	task.clear_ibuf [dreg:s8], $0x6FFFF;
	_ =	strace $0x90000046  }
0xb4: {  	s29 =	simm.s32 $0x9;
	_ =	strace $0x80000048  }
0xb5: {  	_ =	swait.ge [sflag:s29], $0x1  }
0xb6: {  	[sflag:s29] =	ssyncadd.s32 $0xFFFFFFFF  }
0xb7: {  	_ =	strace $0x90000048  }
0xb8: {  	_ =	sfence  }
0xb9: {  	s30 =	sld [smem:$0x0];
	_ =	sdelay $0x2  }
0xba: {  	s31 =	sshll.u32 s1, $0xD;
	s1 =	sshrl.u32 s1, $0x2  }
0xbb: {  	s3 =	sand.u32 $0x4000, s31;
	s1 =	sadd.s32 s1, s30  }
0xbc: {  	s0 =	sor.u32 s3, s0;
	s1 =	sshll.u32 s1, $0x11  }
0xbd: {  	s0 =	sor.u32 s1, s0  }
0xbe: {  	s0 =	sadd.s32 $0x8F2B, s0  }
0xbf: {  	[sflag:s0] =	ssyncadd.remote.s32 $0x1  }
0xc0: {  	_ =	sfence.sel $0xFFFF  }
0xc1: {  	[dreg:$0x0] =	wrdreg $0xFFFFFFFF;
	(pc) =	sbr.abs _section_cstart, $3  }
0xc2: {  	[dreg:$0x1] =	wrdreg $0xFFFFFFFF  }
0xc3: {  	_ =	task.clear_ibuf [dreg:s8], $0x2FFFF;
	_ =	strace $0x9FFFFFFF  }
0xc4: {  	(tm) =	ssettm $0x7FFFFFFF  }
0xc5: {  	_ =	shalt  }
tec
execute0_lowered:
.L_overlay_start_1:
0x0: {  	(tag) =	ssettag $0x1  }
0x1: {  	s1 =	rddreg [dreg:$0x0]  }
0x2: {  	s3 =	rddreg [dreg:$0x1]  }
0x3: {  	s9 =	rddreg [dreg:$0x2]  }
0x4: {  	s5 =	srdreg.scid;
	s0 =	stileid.u32  }
0x5: {  	s4 =	simm.s32 $0x0;
	s12 =	simm.s32 $0x10000;
	s13 =	simm.s32 $0x2000  }
0x6: {  	s14 =	simm.s32 $0x4000;
	s15 =	simm.s32 $0x6000;
	s16 =	simm.s32 $0x1  }
0x7: {  	s17 =	simm.s32 $0x2;
	s18 =	simm.s32 $0x8000;
	s19 =	simm.s32 $0x3  }
0x8: {  	s20 =	simm.s32 $0x0;
	s5 =	sand.u32 $0x1, s5;
	s6 =	sshll.u32 s0, $0x1  }
0x9: {  	[smem:$0x7FF] =	sst s4;
	s7 =	ssub.s32 $0x2, s5;
	s10 =	sor.u32 s5, s6  }
0xa: {  	_ =	strace $0x80000047;
	s31 =	sshrl.u32 s7, $0x1;
	s8 =	sshll.u32 s10, $0x8  }
0xb: {  	s5 =	sshll.u32 s10, $0xB;
	s10 =	sshll.u32 s10, $0x4;
	s11 =	ssub.s32 s7, s31  }
0xc: {  	s6 =	sadd.s32 s1, s8;
	s7 =	sadd.s32 s3, s8;
	s8 =	sor.u32 $0x80000, s5  }
0xd: {  	v0 =	vimm.f32 $0.0e+00;
	s9 =	sadd.s32 s9, s10;
	s10 =	smax.u32 s11, $0x1;
	s11 =	simm.s32 $0x800  }
.LBB2_1:
0xe: {  	[tilespmem:s4], [sflag:$0x1] =	stream.strided.gather [hbm4b:s6+s11], $0x2000, s12, s11, $0x38;
	[tilespmem:$0x8080] =	vst v63  }
0xf: {  	s21 =	simm.s32 $0x0  }
0x10: {  	v1 =	vimm.f32 $0.0e+00;
	[tilespmem:s13], [sflag:$0x1] =	stream.strided.gather [hbm4b:s7+s11], $0x2000, s12, s11, $0x38;
	[tilespmem:$0x8080] =	vst v63  }
.LBB2_2:
0x11: {  	s22 =	sshll.u32 s21, $0x13  }
0x12: {  	s23 =	sor.u32 s5, s22  }
0x13: {  	s23 =	sshrl.u32 s23, $0x3  }
0x14: {  	s23 =	sor.u32 $0x8000, s23  }
0x15: {  	s24 =	sadd.s32 s1, s23  }
0x16: {  	[tilespmem:s14], [sflag:$0x2] =	stream.strided.gather [hbm4b:s24+s11], $0x2000, s12, s11, $0x38;
	[tilespmem:$0x8080] =	vst v63  }
0x17: {  	s23 =	sadd.s32 s3, s23  }
0x18: {  	[tilespmem:s15], [sflag:$0x2] =	stream.strided.gather [hbm4b:s23+s11], $0x2000, s12, s11, $0x38;
	[tilespmem:$0x8080] =	vst v63  }
0x19: {  	_ =	swait.ge [sflag:s16], $0x2000  }
0x1a: {  	[sflag:s16] =	ssyncset.done $0x0  }
0x1b: {  	[sflag:s16] =	ssyncadd.s32 $0xFFFFE000  }
0x1c: {  	s25 =	simm.s32 $0x0;
	_ =	swait.ge [sflag:s16], $0x2000  }
0x1d: {  	s29 =	sand.u32 $0x400, s25;
	s24 =	sand.u32 $0x70, s25;
	[sflag:s16] =	ssyncset.done $0x0  }
0x1e: {  	s26 =	sand.u32 $0xFFFFFC00, s25;
	s24 =	sor.u32 s24, s29;
	[sflag:s16] =	ssyncadd.s32 $0xFFFFE000  }
0x1f: {  	s23 =	sadd.s32 $0x0, s26;
	v14 =	vld [tilespmem:s24+$0x2900]  }
0x20: {  	s29 =	sor.u32 $0x980, s23;
	v3 =	vld [tilespmem:s24+$0x2000]  }
0x21: {  	v15 =	vld [tilespmem:s29+$0x2000]  }
0x22: {  	s28 =	sor.u32 $0x180, s23;
	v6 =	vld [tilespmem:s24+$0x0]  }
0x23: {  	v7 =	vld [tilespmem:s28+$0x0]  }
0x24: {  	v2 =	vld [tilespmem:s24+$0x300]  }
0x25: {  	v9 =	vld [tilespmem:s24+$0x800]  }
0x26: {  	s30 =	sor.u32 $0x80, s23;
	v10 =	vld [tilespmem:s24+$0x100]  }
0x27: {  	v4 =	vld [tilespmem:s30+$0x0]  }
0x28: {  	v5 =	vld [tilespmem:s30+$0x2000]  }
0x29: {  	v16 =	vld [tilespmem:s29+$0x0]  }
0x2a: {  	s25 =	sor.u32 s25, s25;
	v17 =	vld [tilespmem:s24+$0xA00]  }
0x2b: {  	s31 =	sor.u32 $0xB80, s25;
	v18 =	vld [tilespmem:s24+$0x2A00]  }
0x2c: {  	v25 =	vld [tilespmem:s31+$0x0]  }
0x2d: {  	v28 =	vld [tilespmem:s24+$0x900]  }
0x2e: {  	v31 =	vld [tilespmem:s31+$0x2000]  }
0x2f: {  	v34 =	vld [tilespmem:s24+$0xB00]  }
0x30: {  	v38 =	vld [tilespmem:s24+$0x2B00]  }
0x31: {  	v40 =	vld [tilespmem:s24+$0x1000]  }
0x32: {  	s30 =	sor.u32 $0xA80, s23;
	v42 =	vld [tilespmem:s24+$0x3000]  }
0x33: {  	v20 =	vld [tilespmem:s30+$0x0]  }
0x34: {  	s26 =	sor.u32 $0x380, s25;
	v22 =	vld [tilespmem:s30+$0x2000]  }
0x35: {  	v12 =	vld [tilespmem:s26+$0x0]  }
0x36: {  	v13 =	vld [tilespmem:s24+$0x2100];
	v19 =	vmul.f32 $5.000000000e-01, v9;
	v15 =	vsub.f32 v16, v15  }
0x37: {  	v8 =	vld [tilespmem:s28+$0x2000];
	s28 =	sor.u32 $0x280, s23;
	v21 =	vmul.f32 $5.000000000e-01, v10;
	v14 =	vsub.f32 v28, v14;
	v17 =	vsub.f32 v17, v18  }
0x38: {  	v11 =	vld [tilespmem:s28+$0x0];
	v23 =	vmul.f32 $5.000000000e-01, v7;
	v62 =	vsub.f32 v34, v38;
	v25 =	vsub.f32 v25, v31  }
0x39: {  	v26 =	vmul.f32 v7, v10;
	v38 =	vsub.f32 v40, v42;
	v20 =	vsub.f32 v20, v22  }
0x3a: {  	v29 =	vmul.f32 $5.000000000e-01, v12;
	v24 =	vsub.f32 v2, v19;
	v19 =	vadd.f32 v19, v2  }
0x3b: {  	v30 =	vmul.f32 $5.000000000e-01, v13;
	v27 =	vsub.f32 v6, v21;
	v21 =	vadd.f32 v21, v6  }
0x3c: {  	v32 =	vmul.f32 v8, v13;
	v33 =	vsub.f32 v4, v23;
	v23 =	vadd.f32 v23, v4  }
0x3d: {  	s0 =	sor.u32 $0x1080, s23;
	v35 =	vmul.f32 $5.000000000e-01, v8;
	v36 =	vadd.f32 v30, v3;
	v37 =	vsub.f32 v11, v29  }
0x3e: {  	s25 =	sor.u32 $0x1380, s25;
	v61 =	vld [tilespmem:s0+$0x0];
	v39 =	vmul.f32 v9, v12;
	v30 =	vsub.f32 v3, v30;
	v26 =	vadd.f32 v26, v32  }
0x3f: {  	v63 =	vld [tilespmem:s25+$0x0];
	s31 =	sor.u32 $0x1880, s23;
	v29 =	vadd.f32 v29, v11;
	v41 =	vadd.f32 v35, v5  }
0x40: {  	s2 =	sor.u32 $0x1180, s23;
	v44 =	vld [tilespmem:s31+$0x0];
	v32 =	vadd.f32 v39, v32;
	v35 =	vsub.f32 v5, v35;
	v21 =	vmin.f32 v21, v36  }
0x41: {  	v28 =	vld [tilespmem:s2+$0x2000];
	v37 =	vmax.f32 v37, v30;
	v16 =	vmax.f32 v27, v30;
	v23 =	vmin.f32 v23, v41  }
0x42: {  	v31 =	vld [tilespmem:s24+$0x2300];
	v19 =	vmin.f32 v19, v41;
	v16 =	vsub.f32 v21, v16;
	v21 =	vmax.f32 v33, v35  }
0x43: {  	v40 =	vld [tilespmem:s24+$0x1300];
	v29 =	vmin.f32 v29, v36;
	v21 =	vsub.f32 v23, v21;
	v23 =	vmax.f32 v24, v35  }
0x44: {  	v42 =	vld [tilespmem:s24+$0x3800];
	v15 =	vmul.f32 v15, v15;
	v29 =	vsub.f32 v29, v37;
	v19 =	vsub.f32 v19, v23  }
0x45: {  	v14 =	vmul.f32 v14, v14;
	v27 =	vld [tilespmem:s0+$0x2000];
	v16 =	vmax.f32 v16, $0.0e+00;
	v21 =	vmax.f32 v21, $0.0e+00  }
0x46: {  	v30 =	vld [tilespmem:s24+$0x1100];
	v29 =	vmax.f32 v29, $0.0e+00;
	v16 =	vmul.f32 v21, v16;
	v19 =	vmax.f32 v19, $0.0e+00  }
0x47: {  	v14 =	vadd.f32 v15, v14;
	v15 =	vmul.f32 v17, v17;
	v41 =	vld [tilespmem:s24+$0x3300];
	v18 =	vmul.f32 v19, v29  }
0x48: {  	v24 =	vld [tilespmem:s24+$0x3100];
	v22 =	vsub.f32 v26, v16  }
0x49: {  	v14 =	vadd.f32 v15, v14;
	v15 =	vmul.f32 v20, v20;
	v20 =	vld [tilespmem:s24+$0x2800];
	v17 =	vsub.f32 v32, v18  }
0x4a: {  	v23 =	vld [tilespmem:s2+$0x0];
	s2 =	sor.u32 $0x1A80, s23;
	(erf) = vrcp.f32 v22  }
0x4b: {  	v46 =	vld [tilespmem:s2+$0x0];
	(erf) = vrcp.f32 v17  }
0x4c: {  	v14 =	vadd.f32 v15, v14;
	v15 =	vmul.f32 v62, v62;
	v47 =	vld [tilespmem:s2+$0x2000]  }
0x4d: {  	v21 =	vld [tilespmem:s24+$0x1200]  }
0x4e: {  	s30 =	sor.u32 $0x1280, s23;
	v19 =	vld [tilespmem:s24+$0x3200];
	v14 =	vadd.f32 v15, v14;
	v15 =	vmul.f32 v25, v25  }
0x4f: {  	v27 =	vsub.f32 v61, v27;
	v29 =	vld [tilespmem:s30+$0x2000]  }
0x50: {  	v26 =	vld [tilespmem:s30+$0x0];
	v14 =	vadd.f32 v15, v14;
	v15 =	vmul.f32 v38, v38  }
0x51: {  	s0 =	sor.u32 $0x1980, s23;
	s23 =	sor.u32 $0x880, s23;
	v45 =	vsub.f32 v40, v41;
	v24 =	vsub.f32 v30, v24;
	v30 =	vld [tilespmem:s24+$0x1800]  }
0x52: {  	v53 =	vld [tilespmem:s23+$0x2000];
	v14 =	vadd.f32 v15, v14;
	v15 =	vmul.f32 v27, v27  }
0x53: {  	v25 =	vld [tilespmem:s25+$0x2000];
	v32 =	vmul.f32 v45, v45;
	v27 =	vpop (erf)  }
0x54: {  	v24 =	vmul.f32 v24, v24;
	v17 =	vld [tilespmem:s26+$0x2000];
	v19 =	vsub.f32 v21, v19;
	v14 =	vadd.f32 v15, v14;
	v43 =	vpop (erf)  }
0x55: {  	v22 =	vld [tilespmem:s28+$0x2000];
	v26 =	vsub.f32 v26, v29;
	v15 =	vmul.f32 v27, v16;
	v16 =	vmul.f32 v43, v18  }
0x56: {  	v29 =	vld [tilespmem:s0+$0x2000];
	v30 =	vsub.f32 v30, v42;
	v19 =	vmul.f32 v19, v19;
	v18 =	vsub.f32 v23, v28  }
0x57: {  	v21 =	vadd.f32 v24, v14;
	v24 =	vld [tilespmem:s24+$0x3900];
	v26 =	vmul.f32 v26, v26;
	vm0 =	vgt.f32 v16, v15  }
0x58: {  	v27 =	vld [tilespmem:s31+$0x2000];
	v18 =	vmul.f32 v18, v18;
	v56 =	vmax.f32 v15, v16;
	v12 =	vsel vm0, v12, v10  }
0x59: {  	v23 =	vld [tilespmem:s24+$0x1900];
	v14 =	vsel vm0, v17, v13;
	v8 =	vsel vm0, v20, v8;
	v9 =	vsel vm0, v9, v7  }
0x5a: {  	v28 =	vld [tilespmem:s24+$0x1A00];
	v6 =	vsel vm0, v11, v6;
	v3 =	vsel vm0, v22, v3;
	v2 =	vsel vm0, v2, v4  }
0x5b: {  	v17 =	vld [tilespmem:s0+$0x0];
	v7 =	vadd.f32 v18, v21;
	v21 =	vsub.f32 v63, v25;
	v13 =	vmul.f32 v8, v9  }
0x5c: {  	v20 =	vld [tilespmem:s24+$0x3A00];
	v5 =	vsel vm0, v31, v5;
	v10 =	vmul.f32 v14, v12;
	v6 =	vsub.f32 v6, v3  }
0x5d: {  	s26 =	simm.s32 $0x10;
	s0 =	simm.s32 $0x80;
	v7 =	vadd.f32 v19, v7;
	v19 =	vshrl.u32 v13, $0x1;
	v51 =	vmul.f32 v21, v21;
	v21 =	vld [tilespmem:s24+$0x2200]  }
0x5e: {  	s2 =	sand.u32 $0x70, s26;
	s28 =	sand.u32 $0x400, s0;
	v31 =	vsub.f32 v2, v5;
	v25 =	vshrl.u32 v10, $0x1;
	v50 =	vsub.s32 $0x5F3759DF, v19;
	v19 =	vld [tilespmem:s24+$0x200]  }
0x5f: {  	s30 =	sand.u32 $0xFFFFFC00, s0;
	v18 =	vmul.f32 $5.000000000e-01, v10;
	v48 =	vmul.f32 $5.000000000e-01, v13;
	v26 =	vadd.f32 v26, v7;
	v7 =	vld [tilespmem:s23+$0x0];
	s23 =	sor.u32 s2, s28  }
0x60: {  	v31 =	vmul.f32 v31, v31;
	v6 =	vmul.f32 v6, v6;
	v25 =	vsub.s32 $0x5F3759DF, v25;
	s24 =	sadd.s32 $0x10, s30;
	v37 =	vld [tilespmem:s23+$0x2900]  }
0x61: {  	v27 =	vsub.f32 v44, v27;
	v49 =	vmul.f32 v25, v18;
	v52 =	vmul.f32 v50, v48;
	s29 =	sor.u32 $0x980, s24;
	s28 =	sor.u32 s26, s0;
	v15 =	vld [tilespmem:s23+$0x2000]  }
0x62: {  	v31 =	vadd.f32 v31, v6;
	s26 =	sor.u32 $0x380, s28;
	v62 =	vld [tilespmem:s29+$0x0];
	v26 =	vadd.f32 v32, v26  }
0x63: {  	v16 =	vsub.f32 v23, v24;
	s2 =	sor.u32 $0xA80, s24;
	v54 =	vmul.f32 v25, v49;
	v55 =	vmul.f32 v50, v52;
	v5 =	vld [tilespmem:s26+$0x0]  }
0x64: {  	v30 =	vmul.f32 v30, v30;
	v31 =	vadd.f32 v31, v12;
	v26 =	vadd.f32 v51, v26;
	v51 =	vld [tilespmem:s2+$0x0]  }
0x65: {  	v24 =	vmul.f32 v27, v27;
	v23 =	vsub.f32 $1.500000000e+00, v54;
	v27 =	vsub.f32 $1.500000000e+00, v55;
	v55 =	vld [tilespmem:s23+$0x900]  }
0x66: {  	v11 =	vmul.f32 v16, v16;
	v33 =	vsub.f32 v7, v53;
	v53 =	vld [tilespmem:s2+$0x2000];
	v26 =	vadd.f32 v30, v26  }
0x67: {  	v29 =	vsub.f32 v17, v29;
	s31 =	sor.u32 $0x180, s24;
	v20 =	vsub.f32 v28, v20;
	v30 =	vld [tilespmem:s29+$0x2000];
	v57 =	vmul.f32 v50, v27  }
0x68: {  	v14 =	vadd.f32 v31, v14;
	v25 =	vmul.f32 v25, v23;
	v22 =	vadd.f32 v24, v26;
	v24 =	vld [tilespmem:s31+$0x0]  }
0x69: {  	v27 =	vmul.f32 v29, v29;
	v29 =	vsel vm0, v7, v19;
	v23 =	vmul.f32 v57, v48;
	v26 =	vld [tilespmem:s23+$0x800]  }
0x6a: {  	v3 =	vld [tilespmem:s23+$0x100];
	v20 =	vmul.f32 v20, v20;
	v29 =	vsub.f32 v29, v56;
	v11 =	vadd.f32 v11, v22  }
0x6b: {  	v16 =	vld [tilespmem:s23+$0x300];
	v37 =	vsub.f32 v55, v37;
	v22 =	vsub.f32 v46, v47;
	v23 =	vmul.f32 v23, v57  }
0x6c: {  	s0 =	sor.u32 $0x80, s24;
	v43 =	vmul.f32 $5.000000000e-01, v5;
	v55 =	vsub.f32 v51, v53;
	v11 =	vadd.f32 v27, v11;
	v27 =	vld [tilespmem:s23+$0x2100]  }
0x6d: {  	v37 =	vmul.f32 v37, v37;
	v2 =	vsub.f32 $1.500000000e+00, v23;
	v23 =	vmul.f32 v22, v22;
	v22 =	vld [tilespmem:s0+$0x0]  }
0x6e: {  	v17 =	vld [tilespmem:s23+$0x0];
	v30 =	vsub.f32 v62, v30;
	v58 =	vmul.f32 $5.000000000e-01, v26;
	v59 =	vmul.f32 $5.000000000e-01, v24  }
0x6f: {  	s25 =	sor.u32 $0x280, s24;
	v4 =	vld [tilespmem:s31+$0x2000];
	v60 =	vmul.f32 v24, v3;
	v46 =	vmul.f32 v26, v5;
	v11 =	vadd.f32 v20, v11  }
0x70: {  	v30 =	vmul.f32 v30, v30;
	v32 =	vmul.f32 v2, v57;
	v20 =	vld [tilespmem:s25+$0x0];
	v39 =	vsub.f32 v16, v58  }
0x71: {  	v34 =	vadd.f32 v58, v16;
	v2 =	vadd.f32 v23, v11;
	v11 =	vmul.f32 $5.000000000e-01, v3  }
0x72: {  	v45 =	vld [tilespmem:s23+$0xA00];
	v30 =	vadd.f32 v30, v37;
	v44 =	vmul.f32 $5.000000000e-01, v27;
	v47 =	vsub.f32 v22, v59  }
0x73: {  	s30 =	sor.u32 $0xB80, s28;
	v23 =	vld [tilespmem:s0+$0x2000];
	v36 =	vmul.f32 v32, v48;
	v35 =	vadd.f32 v59, v22;
	v63 =	vsub.f32 v17, v11  }
0x74: {  	v54 =	vld [tilespmem:s30+$0x0];
	v49 =	vmul.f32 v4, v27;
	v11 =	vadd.f32 v11, v17;
	v50 =	vadd.f32 v44, v15  }
0x75: {  	s31 =	sor.u32 $0x1080, s24;
	v48 =	vld [tilespmem:s23+$0x2A00];
	v36 =	vmul.f32 v36, v32;
	v52 =	vsub.f32 v20, v43;
	v44 =	vsub.f32 v15, v44  }
0x76: {  	v61 =	vmul.f32 $5.000000000e-01, v4;
	v56 =	vld [tilespmem:s31+$0x0];
	v38 =	vadd.f32 v60, v49;
	v43 =	vadd.f32 v43, v20  }
0x77: {  	vm1 =	vgt.f32 v21, $0.0e+00;
	v51 =	vld [tilespmem:s23+$0x1200];
	v46 =	vadd.f32 v46, v49;
	v36 =	vsub.f32 $1.500000000e+00, v36  }
0x78: {  	v28 =	vmul.f32 v25, v18;
	v62 =	vld [tilespmem:s23+$0x2B00];
	v57 =	vadd.f32 v61, v23;
	v40 =	vsub.f32 v23, v61  }
0x79: {  	v59 =	vld [tilespmem:s30+$0x2000];
	v11 =	vmin.f32 v11, v50;
	v52 =	vmax.f32 v52, v44;
	v58 =	vmax.f32 v63, v44  }
0x7a: {  	v60 =	vld [tilespmem:s23+$0xB00];
	v45 =	vsub.f32 v45, v48;
	v35 =	vmin.f32 v35, v57;
	v61 =	vmax.f32 v47, v40  }
0x7b: {  	v43 =	vmin.f32 v43, v50;
	v48 =	vld [tilespmem:s23+$0x1000];
	v11 =	vsub.f32 v11, v58;
	v35 =	vsub.f32 v35, v61  }
0x7c: {  	v63 =	vld [tilespmem:s23+$0x3000];
	v43 =	vsub.f32 v43, v52;
	v34 =	vmin.f32 v34, v57;
	v39 =	vmax.f32 v39, v40  }
0x7d: {  	v53 =	vld [tilespmem:s23+$0x3200];
	s0 =	sor.u32 $0x1180, s24;
	v11 =	vmax.f32 v11, $0.0e+00;
	v34 =	vsub.f32 v34, v39;
	v35 =	vmax.f32 v35, $0.0e+00  }
0x7e: {  	v50 =	vld [tilespmem:s0+$0x2000];
	v42 =	vsub.f32 v54, v59;
	v59 =	vmul.f32 v45, v45;
	v35 =	vmul.f32 v35, v11  }
0x7f: {  	v58 =	vld [tilespmem:s23+$0x1100];
	v32 =	vmul.f32 v36, v32;
	v52 =	vmax.f32 v43, $0.0e+00;
	v34 =	vmax.f32 v34, $0.0e+00  }
0x80: {  	s28 =	sor.u32 $0x1380, s28;
	v57 =	vld [tilespmem:s31+$0x2000];
	v30 =	vadd.f32 v59, v30;
	v34 =	vmul.f32 v34, v52;
	v61 =	vsub.f32 v38, v35  }
0x81: {  	v59 =	vld [tilespmem:s28+$0x2000];
	v63 =	vsub.f32 v48, v63;
	v48 =	vmul.f32 v55, v55;
	v11 =	vsub.f32 v60, v62  }
0x82: {  	v32 =	vmul.f32 v32, v13;
	v60 =	vld [tilespmem:s23+$0x3100];
	v13 =	vsub.f32 v46, v34;
	(erf) = vrcp.f32 v61  }
0x83: {  	s2 =	sor.u32 $0x1280, s24;
	v33 =	vmul.f32 v33, v33;
	v62 =	vld [tilespmem:s0+$0x0];
	v30 =	vadd.f32 v48, v30;
	v11 =	vmul.f32 v11, v11  }
0x84: {  	v37 =	vsub.f32 v51, v53;
	v55 =	vld [tilespmem:s2+$0x0];
	(erf) = vrcp.f32 v13;
	v13 =	vmul.f32 v28, v25  }
0x85: {  	v52 =	vsub.f32 v56, v57;
	v57 =	vld [tilespmem:s28+$0x0];
	v11 =	vadd.f32 v11, v30;
	v28 =	vmul.f32 v42, v42  }
0x86: {  	v29 =	vmul.f32 v29, v29;
	v40 =	vmul.f32 v63, v63;
	v63 =	vld [tilespmem:s23+$0x3300];
	v56 =	vsub.f32 $1.500000000e+00, v13  }
0x87: {  	v37 =	vmul.f32 v37, v37;
	v51 =	vadd.f32 v32, v32;
	v30 =	vld [tilespmem:s2+$0x2000];
	v28 =	vadd.f32 v28, v11  }
0x88: {  	v54 =	vsub.f32 v58, v60;
	v38 =	vsub.f32 v62, v50;
	v62 =	vld [tilespmem:s23+$0x1300];
	v42 =	vmul.f32 v56, v25  }
0x89: {  	v58 =	vsub.f32 v19, v21;
	v25 =	vadd.f32 v40, v28;
	v28 =	vmul.f32 v52, v52  }
0x8a: {  	v48 =	vsub.f32 v57, v59;
	v11 =	vsel vm1, $0x3F800000, v0;
	v18 =	vmul.f32 v42, v18  }
0x8b: {  	v13 =	vsub.f32 $1.000000000e+00, v11;
	v25 =	vadd.f32 v28, v25;
	v28 =	vmul.f32 v54, v54;
	v21 =	vpop (erf)  }
0x8c: {  	v60 =	vld [tilespmem:s26+$0x2000];
	v35 =	vmul.f32 v21, v35;
	v21 =	vsel vm0, v19, v7;
	v7 =	vmul.f32 v18, v42  }
0x8d: {  	v61 =	vld [tilespmem:s23+$0x2800];
	v38 =	vmul.f32 v38, v38;
	v30 =	vsub.f32 v55, v30;
	v55 =	vsub.f32 v62, v63;
	v19 =	vpop (erf)  }
0x8e: {  	v50 =	vld [tilespmem:s23+$0x3800];
	v28 =	vadd.f32 v28, v25;
	v34 =	vmul.f32 v19, v34;
	v7 =	vsub.f32 $1.500000000e+00, v7  }
0x8f: {  	v30 =	vmul.f32 v30, v30;
	v25 =	vadd.f32 v29, v29;
	v29 =	vld [tilespmem:s23+$0x1800];
	v18 =	vmul.f32 v58, v58  }
0x90: {  	v53 =	vld [tilespmem:s23+$0x3900];
	v28 =	vadd.f32 v38, v28;
	vm0 =	vgt.f32 v34, v35;
	v49 =	vmul.f32 v7, v42  }
0x91: {  	s29 =	sor.u32 $0x1880, s24;
	v59 =	vld [tilespmem:s25+$0x2000];
	v19 =	vadd.f32 v33, v18;
	v6 =	vsel vm0, v5, v3;
	v5 =	vsel vm0, v60, v27  }
0x92: {  	v52 =	vld [tilespmem:s29+$0x0];
	v3 =	vsel vm0, v61, v4;
	v4 =	vsel vm0, v26, v24;
	v24 =	vmul.f32 v49, v10  }
0x93: {  	v18 =	vmax.f32 v35, v34;
	v28 =	vadd.f32 v37, v28;
	v27 =	vld [tilespmem:s29+$0x2000];
	v7 =	vmul.f32 v5, v6  }
0x94: {  	v34 =	vmul.f32 v48, v48;
	v26 =	vld [tilespmem:s23+$0x1900];
	v29 =	vsub.f32 v29, v50;
	v24 =	vadd.f32 v24, v24  }
0x95: {  	s30 =	sor.u32 $0x1980, s24;
	v10 =	vmul.f32 v3, v4;
	v54 =	vshrl.u32 v7, $0x1;
	v12 =	vmul.f32 $5.000000000e-01, v7  }
0x96: {  	v56 =	vld [tilespmem:s30+$0x0];
	v15 =	vsel vm0, v59, v15;
	v57 =	vsub.s32 $0x5F3759DF, v54;
	v14 =	vsub.f32 v14, v24  }
0x97: {  	v62 =	vld [tilespmem:s23+$0x2300];
	v61 =	vadd.f32 v30, v28;
	v60 =	vshrl.u32 v10, $0x1;
	v31 =	vmul.f32 v57, v12  }
0x98: {  	v58 =	vld [tilespmem:s30+$0x2000];
	v28 =	vmul.f32 $5.000000000e-01, v10;
	v27 =	vsub.f32 v52, v27;
	v9 =	vadd.f32 v14, v9  }
0x99: {  	v33 =	vld [tilespmem:s23+$0x3A00];
	v63 =	vsub.f32 v26, v53;
	v36 =	vsub.s32 $0x5F3759DF, v60;
	v24 =	vmul.f32 v57, v31  }
0x9a: {  	s31 =	sor.u32 $0x1A80, s24;
	s24 =	sor.u32 $0x880, s24;
	v30 =	vld [tilespmem:s23+$0x1A00];
	v42 =	vmul.f32 v36, v28;
	v31 =	vmul.f32 v29, v29;
	v8 =	vadd.f32 v9, v8  }
0x9b: {  	v14 =	vsel vm0, v20, v17;
	v17 =	vmul.f32 v55, v55;
	v24 =	vsub.f32 $1.500000000e+00, v24;
	v9 =	vld [tilespmem:s24+$0x0]  }
0x9c: {  	v14 =	vsub.f32 v14, v15;
	v15 =	vsel vm0, v16, v22;
	v22 =	vsub.f32 v8, v51;
	v8 =	vld [tilespmem:s23+$0x200]  }
0x9d: {  	v32 =	vld [tilespmem:s31+$0x2000];
	v29 =	vsub.f32 v56, v58;
	v39 =	vmul.f32 v36, v42;
	v20 =	vmul.f32 v57, v24  }
0x9e: {  	v26 =	vld [tilespmem:s31+$0x0];
	v16 =	vsel vm0, v62, v23;
	v23 =	vmul.f32 v63, v63;
	v24 =	vmul.f32 v27, v27  }
0x9f: {  	s28 =	simm.s32 $0x20;
	v37 =	vld [tilespmem:s24+$0x2000];
	v17 =	vadd.f32 v17, v61;
	s24 =	simm.s32 $0x100;
	v27 =	vmul.f32 v20, v12;
	v38 =	vmul.f32 $5.000000000e+00, v22  }
.LBB2_3:
0xa0: {  	s25 =	sand.u32 $0xFFFFFC00, s24  }
0xa1: {  	s29 =	sand.u32 $0x70, s28;
	s30 =	sand.u32 $0x400, s24;
	v22 =	vsel vm0, v9, v8;
	v35 =	vsub.f32 v15, v16;
	v33 =	vsub.f32 v30, v33;
	s0 =	smov.u32 s28  }
0xa2: {  	s26 =	sadd.s32 s25, s0;
	s25 =	sadd.s32 $0x10, s28;
	v30 =	vld [tilespmem:s23+$0x2200];
	s23 =	sor.u32 s29, s30;
	v16 =	vadd.f32 v34, v17;
	v17 =	vmul.f32 v21, v21;
	v21 =	vadd.f32 v38, v25  }
0xa3: {  	p0 =	slt.u32 s28, $0xF0;
	v13 =	vmul.f32 v19, v13;
	v34 =	vsub.f32 $1.500000000e+00, v39;
	v38 =	vsub.f32 v26, v32;
	s2 =	sor.u32 $0x180, s26;
	v25 =	vld [tilespmem:s23+$0x2900];
	s31 =	sor.u32 $0x980, s26  }
0xa4: {  	v15 =	vld [tilespmem:s23+$0x2000];
	v26 =	vadd.f32 v31, v16;
	v17 =	vadd.f32 v21, v17  }
0xa5: {  	s28 =	sor.u32 s0, s24;
	v18 =	vsub.f32 v22, v18;
	v36 =	vmul.f32 v36, v34;
	v21 =	vld [tilespmem:s31+$0x2000];
	v19 =	vsub.f32 v9, v37  }
0xa6: {  	s29 =	sor.u32 $0x380, s28;
	v16 =	vld [tilespmem:s23+$0x0];
	v22 =	vadd.f32 v24, v26;
	v2 =	vadd.f32 v2, v17  }
0xa7: {  	v32 =	vmul.f32 v29, v29;
	s0 =	sor.u32 $0x80, s26;
	v24 =	vmul.f32 v36, v28;
	v26 =	vld [tilespmem:s2+$0x0]  }
0xa8: {  	s30 =	sor.u32 $0x280, s26;
	v17 =	vld [tilespmem:s23+$0x300];
	v22 =	vadd.f32 v23, v22;
	v2 =	vmul.f32 v2, v11;
	v11 =	vmul.f32 $5.000000000e-01, v13  }
0xa9: {  	v13 =	vmul.f32 v24, v36;
	v29 =	vld [tilespmem:s23+$0x800]  }
0xaa: {  	v23 =	vmul.f32 v33, v33;
	v31 =	vld [tilespmem:s23+$0x100];
	v22 =	vadd.f32 v32, v22;
	v2 =	vadd.f32 v2, v11  }
0xab: {  	v11 =	vsub.f32 $1.500000000e+00, v13;
	v13 =	vmul.f32 v38, v38;
	v32 =	vld [tilespmem:s2+$0x2000]  }
0xac: {  	v33 =	vld [tilespmem:s29+$0x0];
	v37 =	vmul.f32 $5.000000000e-01, v26;
	v23 =	vadd.f32 v23, v22;
	v1 =	vadd.f32 v2, v1  }
0xad: {  	v11 =	vmul.f32 v11, v36;
	v34 =	vld [tilespmem:s23+$0x2100]  }
0xae: {  	v22 =	vld [tilespmem:s0+$0x0];
	v36 =	vmul.f32 $5.000000000e-01, v29;
	v2 =	vadd.f32 v13, v23  }
0xaf: {  	v24 =	vld [tilespmem:s30+$0x0];
	v13 =	vmul.f32 $5.000000000e-01, v31;
	v38 =	vmul.f32 v26, v31  }
0xb0: {  	v28 =	vmul.f32 v11, v28;
	v23 =	vld [tilespmem:s0+$0x2000];
	v39 =	vsub.f32 v17, v36;
	v36 =	vadd.f32 v36, v17  }
0xb1: {  	v40 =	vmul.f32 $5.000000000e-01, v32;
	v41 =	vsub.f32 v16, v13;
	v42 =	vmul.f32 $5.000000000e-01, v33;
	v43 =	vld [tilespmem:s31+$0x0]  }
0xb2: {  	v13 =	vadd.f32 v13, v16;
	v45 =	vmul.f32 v29, v33;
	v44 =	vmul.f32 $5.000000000e-01, v34;
	v46 =	vld [tilespmem:s23+$0xA00]  }
0xb3: {  	s0 =	sor.u32 $0xA80, s26;
	v47 =	vmul.f32 v32, v34;
	v48 =	vsub.f32 v22, v37;
	v37 =	vadd.f32 v37, v22;
	v49 =	vld [tilespmem:s23+$0x2A00]  }
0xb4: {  	v28 =	vmul.f32 v28, v11;
	v50 =	vadd.f32 v44, v15;
	v51 =	vsub.f32 v24, v42;
	v52 =	vld [tilespmem:s0+$0x0]  }
0xb5: {  	v44 =	vsub.f32 v15, v44;
	v38 =	vadd.f32 v38, v47;
	v53 =	vld [tilespmem:s0+$0x2000];
	s0 =	sor.u32 $0xB80, s28  }
0xb6: {  	v42 =	vadd.f32 v42, v24;
	v45 =	vadd.f32 v45, v47;
	v13 =	vmin.f32 v13, v50;
	v47 =	vld [tilespmem:s0+$0x0]  }
0xb7: {  	v54 =	vadd.f32 v40, v23;
	v51 =	vmax.f32 v51, v44;
	v21 =	vsub.f32 v43, v21;
	v55 =	vld [tilespmem:s23+$0x900]  }
0xb8: {  	v28 =	vsub.f32 $1.500000000e+00, v28;
	v40 =	vsub.f32 v23, v40;
	v41 =	vmax.f32 v41, v44;
	v43 =	vld [tilespmem:s0+$0x2000]  }
0xb9: {  	v37 =	vmin.f32 v37, v54;
	v13 =	vsub.f32 v13, v41;
	v36 =	vmin.f32 v36, v54;
	v41 =	vld [tilespmem:s23+$0xB00]  }
0xba: {  	v42 =	vmin.f32 v42, v50;
	v44 =	vmax.f32 v48, v40;
	v21 =	vmul.f32 v21, v21;
	v48 =	vld [tilespmem:s23+$0x2B00]  }
0xbb: {  	v42 =	vsub.f32 v42, v51;
	v46 =	vsub.f32 v46, v49;
	v13 =	vmax.f32 v13, $0.0e+00;
	v49 =	vld [tilespmem:s23+$0x1000]  }
0xbc: {  	v39 =	vmax.f32 v39, v40;
	v37 =	vsub.f32 v37, v44;
	s0 =	sor.u32 $0x1080, s26;
	v25 =	vsub.f32 v55, v25;
	v40 =	vld [tilespmem:s23+$0x3000]  }
0xbd: {  	v42 =	vmax.f32 v42, $0.0e+00;
	v44 =	vsub.f32 v52, v53;
	v43 =	vsub.f32 v47, v43;
	v47 =	vld [tilespmem:s0+$0x0]  }
0xbe: {  	v36 =	vsub.f32 v36, v39;
	v37 =	vmax.f32 v37, $0.0e+00;
	v25 =	vmul.f32 v25, v25;
	v39 =	vld [tilespmem:s0+$0x2000]  }
0xbf: {  	v11 =	vmul.f32 v28, v11;
	v37 =	vmul.f32 v37, v13;
	v13 =	vsub.f32 v41, v48;
	v41 =	vld [tilespmem:s23+$0x1100]  }
0xc0: {  	v28 =	vmax.f32 v36, $0.0e+00;
	s0 =	sor.u32 $0x1180, s26;
	v21 =	vadd.f32 v21, v25;
	v25 =	vmul.f32 v46, v46;
	v36 =	vld [tilespmem:s23+$0x3100]  }
0xc1: {  	v28 =	vmul.f32 v28, v42;
	v38 =	vsub.f32 v38, v37;
	v40 =	vsub.f32 v49, v40;
	v42 =	vld [tilespmem:s0+$0x0]  }
0xc2: {  	v10 =	vmul.f32 v11, v10;
	v21 =	vadd.f32 v25, v21;
	v25 =	vmul.f32 v44, v44;
	v44 =	vld [tilespmem:s0+$0x2000]  }
0xc3: {  	v11 =	vsub.f32 v45, v28;
	v39 =	vsub.f32 v47, v39;
	v45 =	vld [tilespmem:s23+$0x1200];
	(erf) = vrcp.f32 v38  }
0xc4: {  	v13 =	vmul.f32 v13, v13;
	s0 =	sor.u32 $0x1280, s26;
	v21 =	vadd.f32 v25, v21;
	v25 =	vld [tilespmem:s23+$0x3200]  }
0xc5: {  	v36 =	vsub.f32 v41, v36;
	v38 =	vld [tilespmem:s0+$0x0];
	(erf) = vrcp.f32 v11;
	v11 =	vmul.f32 v27, v20  }
0xc6: {  	v35 =	vmul.f32 v35, v35;
	v13 =	vadd.f32 v13, v21;
	v21 =	vmul.f32 v43, v43;
	v27 =	vld [tilespmem:s0+$0x2000]  }
0xc7: {  	vm1 =	vgt.f32 v30, $0.0e+00;
	v41 =	vld [tilespmem:s30+$0x2000];
	v42 =	vsub.f32 v42, v44;
	v43 =	vsub.f32 $1.500000000e+00, v11  }
0xc8: {  	v40 =	vmul.f32 v40, v40;
	v11 =	vsel vm1, $0x3F800000, v0;
	v44 =	vld [tilespmem:s29+$0x2000];
	v21 =	vadd.f32 v21, v13  }
0xc9: {  	v13 =	vsub.f32 $1.000000000e+00, v11;
	v46 =	vld [tilespmem:s23+$0x2800];
	v25 =	vsub.f32 v45, v25;
	v20 =	vmul.f32 v43, v20  }
0xca: {  	v19 =	vmul.f32 v19, v19;
	v39 =	vmul.f32 v39, v39;
	s0 =	sor.u32 $0x1380, s28;
	v43 =	vld [tilespmem:s23+$0x2300];
	v45 =	vadd.f32 v40, v21  }
0xcb: {  	v30 =	vsub.f32 v8, v30;
	v27 =	vsub.f32 v38, v27;
	v38 =	vld [tilespmem:s0+$0x0];
	v12 =	vmul.f32 v20, v12  }
0xcc: {  	v18 =	vmul.f32 v18, v18;
	v47 =	vmul.f32 v36, v36;
	v39 =	vadd.f32 v39, v45;
	v40 =	vld [tilespmem:s0+$0x2000];
	v21 =	vpop (erf)  }
0xcd: {  	v37 =	vmul.f32 v21, v37;
	v45 =	vld [tilespmem:s23+$0x1300];
	v21 =	vsel vm0, v8, v9;
	v8 =	vmul.f32 v12, v20  }
0xce: {  	v14 =	vmul.f32 v14, v14;
	v30 =	vmul.f32 v30, v30;
	v9 =	vadd.f32 v47, v39;
	v12 =	vld [tilespmem:s23+$0x3300];
	v36 =	vpop (erf)  }
0xcf: {  	v39 =	vmul.f32 v42, v42;
	v42 =	vmul.f32 v25, v25;
	v47 =	vld [tilespmem:s23+$0x1800];
	v8 =	vsub.f32 $1.500000000e+00, v8  }
0xd0: {  	v19 =	vadd.f32 v19, v30;
	s0 =	sor.u32 $0x1880, s26;
	v25 =	vadd.f32 v18, v18;
	v28 =	vmul.f32 v36, v28;
	v36 =	vld [tilespmem:s23+$0x3800]  }
0xd1: {  	v14 =	vadd.f32 v35, v14;
	v38 =	vsub.f32 v38, v40;
	v40 =	vld [tilespmem:s0+$0x0];
	v8 =	vmul.f32 v8, v20  }
0xd2: {  	v35 =	vadd.f32 v10, v10;
	vm0 =	vgt.f32 v28, v37;
	v18 =	vmax.f32 v37, v28;
	v20 =	vld [tilespmem:s0+$0x2000]  }
0xd3: {  	v28 =	vsel vm0, v33, v31;
	v31 =	vsel vm0, v44, v34;
	v37 =	vsel vm0, v46, v32;
	v44 =	vld [tilespmem:s23+$0x1900]  }
0xd4: {  	v29 =	vsel vm0, v29, v26;
	s0 =	sor.u32 $0x1980, s26;
	v8 =	vmul.f32 v8, v7;
	v7 =	vmul.f32 v31, v28;
	v46 =	vld [tilespmem:s23+$0x3900]  }
0xd5: {  	v14 =	vadd.f32 v14, v6;
	v9 =	vadd.f32 v39, v9;
	v10 =	vmul.f32 v37, v29;
	v6 =	vmovc v28;
	v39 =	vld [tilespmem:s0+$0x0]  }
0xd6: {  	v27 =	vmul.f32 v27, v27;
	v45 =	vsub.f32 v45, v12;
	v26 =	vshrl.u32 v7, $0x1;
	v30 =	vld [tilespmem:s23+$0x1A00]  }
0xd7: {  	v9 =	vadd.f32 v42, v9;
	v12 =	vmul.f32 $5.000000000e-01, v7;
	v8 =	vadd.f32 v8, v8;
	v33 =	vld [tilespmem:s23+$0x3A00]  }
0xd8: {  	v14 =	vadd.f32 v14, v5;
	v5 =	vmovc v31;
	v47 =	vsub.f32 v47, v36;
	v42 =	vsub.s32 $0x5F3759DF, v26;
	v48 =	vld [tilespmem:s0+$0x2000];
	s0 =	sor.u32 $0x1A80, s26  }
0xd9: {  	v49 =	vadd.f32 v27, v9;
	v36 =	vshrl.u32 v10, $0x1;
	v31 =	vmul.f32 v42, v12;
	v26 =	vld [tilespmem:s0+$0x0]  }
0xda: {  	v28 =	vmul.f32 $5.000000000e-01, v10;
	v27 =	vsub.f32 v40, v20;
	v8 =	vsub.f32 v14, v8;
	v32 =	vld [tilespmem:s0+$0x2000]  }
0xdb: {  	v34 =	vmul.f32 v38, v38;
	v14 =	vmul.f32 v42, v31;
	v38 =	vsub.f32 v44, v46  }
0xdc: {  	v36 =	vsub.s32 $0x5F3759DF, v36;
	v31 =	vmul.f32 v47, v47;
	v20 =	vadd.f32 v8, v4;
	v4 =	vmovc v29;
	s0 =	sor.u32 $0x880, s26  }
0xdd: {  	v44 =	vmul.f32 v36, v28;
	v40 =	vsub.f32 $1.500000000e+00, v14;
	v9 =	vld [tilespmem:s0+$0x0];
	v29 =	vsub.f32 v39, v48  }
.Ltmp0:
0xde: {  	v15 =	vsel vm0, v41, v15;
	v14 =	vsel vm0, v24, v16;
	v16 =	vadd.f32 v20, v3;
	v3 =	vmovc v37;
	v8 =	vld [tilespmem:s23+$0x200];
	(pc) =	sbr.rel @p0 .LBB2_3-.Ltmp0, $4  }
0xdf: {  	v24 =	vmul.f32 v27, v27;
	v14 =	vsub.f32 v14, v15;
	v20 =	vmul.f32 v42, v40  }
0xe0: {  	v15 =	vsel vm0, v17, v22;
	v17 =	vmul.f32 v45, v45;
	v22 =	vsub.f32 v16, v35  }
0xe1: {  	v16 =	vsel vm0, v43, v23;
	v23 =	vmul.f32 v38, v38;
	v27 =	vmul.f32 v20, v12  }
0xe2: {  	s24 =	sadd.s32 $0x80, s24;
	s28 =	smov.u32 s25;
	v39 =	vmul.f32 v36, v44;
	v17 =	vadd.f32 v17, v49;
	v38 =	vmul.f32 $5.000000000e+00, v22;
	v37 =	vld [tilespmem:s0+$0x2000]  }
0xe3: {  	s0 =	sadd.s32 s8, s22  }
0xe4: {  	s0 =	sshrl.u32 s0, $0x3  }
0xe5: {  	s24 =	simm.s32 $0x0;
	s2 =	sadd.s32 s1, s0  }
0xe6: {  	v22 =	vld [tilespmem:s23+$0x2200];
	[tilespmem:s24], [sflag:$0x1] =	stream.strided.gather [hbm4b:s2+s11], $0x2000, s12, s11, $0x38  }
0xe7: {  	s0 =	sadd.s32 s3, s0  }
0xe8: {  	[tilespmem:s13], [sflag:$0x1] =	stream.strided.gather [hbm4b:s0+s11], $0x2000, s12, s11, $0x38;
	[tilespmem:$0x8080] =	vst v63  }
0xe9: {  	_ =	swait.ge [sflag:s17], $0x2000  }
0xea: {  	v27 =	vmul.f32 v27, v20;
	[sflag:s17] =	ssyncset.done $0x0  }
0xeb: {  	v35 =	vsub.f32 $1.500000000e+00, v39;
	[sflag:s17] =	ssyncadd.s32 $0xFFFFE000  }
0xec: {  	v27 =	vsub.f32 $1.500000000e+00, v27;
	_ =	swait.ge [sflag:s17], $0x2000  }
0xed: {  	v40 =	vsel vm0, v9, v8;
	s28 =	sand.u32 $0x70, s24;
	s29 =	sand.u32 $0x400, s24;
	v35 =	vmul.f32 v36, v35;
	[sflag:s17] =	ssyncset.done $0x0  }
0xee: {  	v15 =	vsub.f32 v15, v16;
	v30 =	vsub.f32 v30, v33;
	s30 =	sand.u32 $0xFFFFFC00, s24;
	s23 =	sor.u32 s28, s29;
	v49 =	vmul.f32 v27, v20;
	[sflag:s17] =	ssyncadd.s32 $0xFFFFE000  }
0xef: {  	v21 =	vmul.f32 v21, v21;
	v34 =	vadd.f32 v34, v17;
	s22 =	sadd.s32 $0x0, s30;
	v36 =	vmul.f32 v35, v28;
	v27 =	vld [tilespmem:s23+$0x6900]  }
0xf0: {  	v14 =	vmul.f32 v14, v14;
	v26 =	vsub.f32 v26, v32;
	s31 =	sor.u32 $0x980, s22;
	v50 =	vmul.f32 v49, v12;
	v12 =	vld [tilespmem:s23+$0x6000]  }
0xf1: {  	v29 =	vmul.f32 v29, v29;
	v31 =	vadd.f32 v31, v34;
	v20 =	vmul.f32 v36, v35;
	v41 =	vld [tilespmem:s31+$0x6000]  }
0xf2: {  	v13 =	vmul.f32 v19, v13;
	v25 =	vadd.f32 v38, v25;
	v18 =	vsub.f32 v40, v18;
	s26 =	sor.u32 $0x180, s22;
	v16 =	vld [tilespmem:s23+$0x4000]  }
0xf3: {  	v52 =	vmul.f32 v15, v15;
	v31 =	vadd.f32 v24, v31;
	v20 =	vsub.f32 $1.500000000e+00, v20;
	v17 =	vld [tilespmem:s26+$0x4000]  }
0xf4: {  	v30 =	vmul.f32 v30, v30;
	v25 =	vadd.f32 v25, v21;
	v18 =	vmul.f32 v18, v18;
	v15 =	vld [tilespmem:s23+$0x4300]  }
0xf5: {  	v53 =	vadd.f32 v52, v14;
	v31 =	vadd.f32 v23, v31;
	v35 =	vmul.f32 v20, v35;
	v20 =	vld [tilespmem:s23+$0x4800]  }
0xf6: {  	v24 =	vsub.f32 v9, v37;
	v25 =	vadd.f32 v2, v25;
	v51 =	vmul.f32 v50, v49;
	v14 =	vld [tilespmem:s23+$0x4100]  }
0xf7: {  	vm1 =	vgt.f32 v22, $0.0e+00;
	v9 =	vsel vm0, v8, v9;
	v29 =	vadd.f32 v29, v31;
	v21 =	vld [tilespmem:s26+$0x6000]  }
0xf8: {  	v8 =	vsub.f32 v8, v22;
	v11 =	vmul.f32 v25, v11;
	v33 =	vsub.f32 $1.500000000e+00, v51;
	v23 =	vld [tilespmem:s23+$0x6100]  }
0xf9: {  	v25 =	vmul.f32 v26, v26;
	v24 =	vmul.f32 v24, v24;
	v26 =	vadd.f32 v30, v29;
	v29 =	vld [tilespmem:s31+$0x4000]  }
0xfa: {  	v6 =	vadd.f32 v53, v6;
	v8 =	vmul.f32 v8, v8;
	v33 =	vmul.f32 v33, v49;
	v57 =	vld [tilespmem:s23+$0x4900]  }
0xfb: {  	v45 =	vld [tilespmem:s23+$0x4B00];
	v28 =	vmul.f32 v35, v28;
	v25 =	vadd.f32 v25, v26;
	v26 =	vsel vm1, $0x3F800000, v0  }
0xfc: {  	s24 =	sor.u32 s24, s24;
	s28 =	sor.u32 $0x80, s22;
	v8 =	vadd.f32 v24, v8;
	v49 =	vld [tilespmem:s23+$0x6B00];
	v33 =	vmul.f32 v33, v7;
	v31 =	vsub.f32 $1.000000000e+00, v26  }
0xfd: {  	s25 =	sor.u32 $0x380, s24;
	v18 =	vadd.f32 v18, v18;
	v32 =	vadd.f32 v6, v5;
	v5 =	vld [tilespmem:s28+$0x4000];
	v28 =	vmul.f32 v28, v35  }
0xfe: {  	v7 =	vld [tilespmem:s25+$0x4000];
	v19 =	vadd.f32 v33, v33;
	v8 =	vmul.f32 v8, v31;
	v54 =	vmul.f32 $5.000000000e-01, v14  }
0xff: {  	s29 =	sor.u32 $0xA80, s22;
	v2 =	vld [tilespmem:s28+$0x6000];
	v28 =	vsub.f32 $1.500000000e+00, v28;
	v55 =	vmul.f32 v17, v14;
	v59 =	vmul.f32 $5.000000000e-01, v23  }
0x100: {  	s26 =	sor.u32 $0x280, s22;
	v30 =	vld [tilespmem:s29+$0x4000];
	v43 =	vmul.f32 v21, v23;
	v29 =	vsub.f32 v29, v41;
	v27 =	vsub.f32 v57, v27  }
0x101: {  	s30 =	sor.u32 $0xB80, s24;
	v6 =	vld [tilespmem:s26+$0x4000];
	v46 =	vmul.f32 $5.000000000e-01, v21;
	v57 =	vsub.f32 v45, v49;
	v19 =	vsub.f32 v32, v19  }
0x102: {  	v42 =	vld [tilespmem:s30+$0x6000];
	v28 =	vmul.f32 v28, v35;
	v56 =	vsub.f32 v16, v54;
	v32 =	vadd.f32 v54, v16  }
0x103: {  	v51 =	vld [tilespmem:s23+$0x5000];
	v58 =	vmul.f32 $5.000000000e-01, v7;
	v47 =	vadd.f32 v59, v12;
	v40 =	vsub.f32 v12, v59  }
0x104: {  	v33 =	vld [tilespmem:s29+$0x6000];
	v50 =	vmul.f32 v20, v7;
	v36 =	vadd.f32 v55, v43;
	v52 =	vadd.f32 v46, v2  }
0x105: {  	v53 =	vld [tilespmem:s23+$0x7000];
	v46 =	vsub.f32 v2, v46;
	v29 =	vmul.f32 v29, v29;
	v27 =	vmul.f32 v27, v27  }
0x106: {  	v63 =	vld [tilespmem:s23+$0x5100];
	v4 =	vadd.f32 v19, v4;
	v10 =	vmul.f32 v28, v10;
	v48 =	vsub.f32 v6, v58  }
0x107: {  	v24 =	vld [tilespmem:s23+$0x5300];
	v32 =	vmin.f32 v32, v47;
	v39 =	vadd.f32 v58, v6;
	v43 =	vadd.f32 v50, v43  }
0x108: {  	v19 =	vld [tilespmem:s23+$0x4A00];
	v37 =	vmax.f32 v56, v40;
	v3 =	vadd.f32 v4, v3;
	v10 =	vadd.f32 v10, v10  }
0x109: {  	s31 =	sor.u32 $0x1080, s22;
	v28 =	vld [tilespmem:s23+$0x6A00];
	v30 =	vsub.f32 v30, v33;
	v27 =	vadd.f32 v29, v27;
	v4 =	vmul.f32 $5.000000000e-01, v20  }
0x10a: {  	v60 =	vld [tilespmem:s31+$0x4000];
	v32 =	vsub.f32 v32, v37;
	v3 =	vsub.f32 v3, v10;
	v10 =	vmul.f32 $5.000000000e-01, v17  }
0x10b: {  	v61 =	vld [tilespmem:s31+$0x6000];
	v48 =	vmax.f32 v48, v40;
	v34 =	vsub.f32 v15, v4;
	v4 =	vadd.f32 v4, v15  }
0x10c: {  	v31 =	vld [tilespmem:s23+$0x5800];
	v39 =	vmin.f32 v39, v47;
	v44 =	vsub.f32 v5, v10;
	v10 =	vadd.f32 v10, v5  }
0x10d: {  	s28 =	sor.u32 $0x1280, s22;
	v35 =	vld [tilespmem:s30+$0x4000];
	v39 =	vsub.f32 v39, v48;
	v4 =	vmin.f32 v4, v52;
	v34 =	vmax.f32 v34, v46  }
0x10e: {  	s29 =	sor.u32 $0x1380, s24;
	v55 =	vld [tilespmem:s28+$0x4000];
	v19 =	vsub.f32 v19, v28;
	v10 =	vmin.f32 v10, v52;
	v62 =	vmax.f32 v44, v46  }
0x10f: {  	v9 =	vmul.f32 v9, v9;
	v59 =	vld [tilespmem:s29+$0x4000];
	v4 =	vsub.f32 v4, v34;
	v10 =	vsub.f32 v10, v62  }
0x110: {  	v56 =	vld [tilespmem:s28+$0x6000];
	v32 =	vmax.f32 v32, $0.0e+00;
	v39 =	vmax.f32 v39, $0.0e+00;
	v19 =	vmul.f32 v19, v19  }
0x111: {  	s2 =	sor.u32 $0x1180, s22;
	v58 =	vld [tilespmem:s26+$0x6000];
	v3 =	vmul.f32 $5.000000000e+00, v3;
	v4 =	vmax.f32 v4, $0.0e+00;
	v10 =	vmax.f32 v10, $0.0e+00  }
0x112: {  	v47 =	vld [tilespmem:s2+$0x4000];
	v19 =	vadd.f32 v19, v27;
	v27 =	vmul.f32 v30, v30;
	v10 =	vmul.f32 v10, v32  }
0x113: {  	v48 =	vld [tilespmem:s2+$0x6000];
	v22 =	vsub.f32 v35, v42;
	s2 =	sor.u32 $0x1A80, s22;
	v3 =	vadd.f32 v3, v18;
	v4 =	vmul.f32 v4, v39  }
0x114: {  	s31 =	sor.u32 $0x1980, s22;
	s30 =	sor.u32 $0x1880, s22;
	s22 =	sor.u32 $0x880, s22;
	v45 =	vld [tilespmem:s2+$0x6000];
	v19 =	vadd.f32 v27, v19;
	v27 =	vmul.f32 v57, v57;
	v54 =	vsub.f32 v36, v10  }
0x115: {  	v13 =	vmul.f32 $5.000000000e-01, v13;
	v50 =	vld [tilespmem:s22+$0x6000];
	v3 =	vadd.f32 v3, v9;
	v29 =	vsub.f32 v43, v4  }
0x116: {  	v22 =	vmul.f32 v22, v22;
	v46 =	vld [tilespmem:s23+$0x7100];
	v19 =	vadd.f32 v27, v19;
	(erf) = vrcp.f32 v54  }
0x117: {  	v3 =	vadd.f32 v25, v3;
	v25 =	vsub.f32 v60, v61;
	v60 =	vld [tilespmem:s30+$0x4000];
	(erf) = vrcp.f32 v29  }
0x118: {  	v9 =	vsub.f32 v51, v53;
	v19 =	vadd.f32 v22, v19;
	v22 =	vld [tilespmem:s23+$0x7300]  }
0x119: {  	v11 =	vadd.f32 v11, v13;
	v3 =	vmul.f32 v3, v26;
	v26 =	vld [tilespmem:s23+$0x7800]  }
0x11a: {  	v8 =	vmul.f32 $5.000000000e-01, v8;
	v9 =	vmul.f32 v9, v9;
	v61 =	vld [tilespmem:s30+$0x6000]  }
0x11b: {  	v1 =	vadd.f32 v11, v1;
	v28 =	vld [tilespmem:s23+$0x7200];
	v13 =	vsub.f32 v63, v46  }
0x11c: {  	v52 =	vld [tilespmem:s23+$0x5200];
	v62 =	vadd.f32 v3, v8;
	v9 =	vadd.f32 v9, v19;
	v19 =	vmul.f32 v25, v25  }
0x11d: {  	v3 =	vsub.f32 v47, v48;
	v22 =	vsub.f32 v24, v22;
	v24 =	vld [tilespmem:s2+$0x4000]  }
0x11e: {  	v18 =	vld [tilespmem:s23+$0x6800];
	v11 =	vmul.f32 v13, v13;
	v9 =	vadd.f32 v19, v9;
	v26 =	vsub.f32 v31, v26  }
0x11f: {  	v29 =	vld [tilespmem:s25+$0x6000];
	v51 =	vsub.f32 v60, v61;
	v25 =	vpop (erf)  }
0x120: {  	v27 =	vld [tilespmem:s29+$0x6000];
	v3 =	vmul.f32 v3, v3;
	v8 =	vadd.f32 v11, v9;
	v26 =	vmul.f32 v26, v26;
	v13 =	vpop (erf)  }
0x121: {  	v30 =	vld [tilespmem:s23+$0x6300];
	v19 =	vmul.f32 v25, v10;
	v25 =	vmul.f32 v13, v4;
	v4 =	vsub.f32 v52, v28  }
0x122: {  	v63 =	vld [tilespmem:s23+$0x5900];
	v22 =	vmul.f32 v22, v22;
	v3 =	vadd.f32 v3, v8;
	v24 =	vsub.f32 v24, v45  }
0x123: {  	v28 =	vld [tilespmem:s23+$0x7900];
	vm0 =	vgt.f32 v25, v19;
	v4 =	vmul.f32 v4, v4;
	v53 =	vmax.f32 v19, v25  }
0x124: {  	v10 =	vsel vm0, v7, v14;
	v14 =	vsel vm0, v29, v23;
	v23 =	vld [tilespmem:s31+$0x4000];
	v7 =	vsub.f32 v55, v56  }
0x125: {  	v29 =	vld [tilespmem:s23+$0x5A00];
	v11 =	vsel vm0, v18, v21;
	v13 =	vsel vm0, v20, v17;
	v17 =	vsub.f32 v59, v27  }
0x126: {  	v20 =	vld [tilespmem:s23+$0x7A00];
	v9 =	vmul.f32 v14, v10;
	v3 =	vadd.f32 v4, v3;
	v7 =	vmul.f32 v7, v7  }
0x127: {  	v21 =	vld [tilespmem:s31+$0x6000];
	v6 =	vsel vm0, v6, v16;
	v12 =	vsel vm0, v58, v12;
	v8 =	vmul.f32 v11, v13  }
0x128: {  	s24 =	simm.s32 $0x10;
	s31 =	simm.s32 $0x80;
	v15 =	vsel vm0, v15, v5;
	v18 =	vshrl.u32 v9, $0x1;
	v46 =	vadd.f32 v7, v3;
	v3 =	vld [tilespmem:s22+$0x4000]  }
0x129: {  	s26 =	sand.u32 $0x70, s24;
	s28 =	sand.u32 $0x400, s31;
	v4 =	vmul.f32 $5.000000000e-01, v9;
	v27 =	vsub.s32 $0x5F3759DF, v18;
	v18 =	vshrl.u32 v8, $0x1;
	v7 =	vld [tilespmem:s23+$0x4200]  }
0x12a: {  	v2 =	vsel vm0, v30, v2;
	v47 =	vmul.f32 $5.000000000e-01, v8;
	s22 =	sor.u32 s26, s28;
	v48 =	vsub.s32 $0x5F3759DF, v18;
	v18 =	vld [tilespmem:s23+$0x6200]  }
0x12b: {  	s29 =	sand.u32 $0xFFFFFC00, s31;
	v6 =	vsub.f32 v6, v12;
	v17 =	vmul.f32 v17, v17;
	v31 =	vmul.f32 v27, v4;
	v5 =	vld [tilespmem:s22+$0x4100]  }
0x12c: {  	s23 =	sadd.s32 $0x10, s29;
	v12 =	vsub.f32 v29, v20;
	v29 =	vld [tilespmem:s22+$0x6100];
	v49 =	vmul.f32 v48, v47;
	v22 =	vadd.f32 v22, v46  }
0x12d: {  	v32 =	vsub.f32 v15, v2;
	v15 =	vmul.f32 v24, v24;
	v45 =	vld [tilespmem:s22+$0x4A00];
	s28 =	sor.u32 $0x180, s23;
	v31 =	vmul.f32 v27, v31  }
0x12e: {  	v23 =	vsub.f32 v23, v21;
	s30 =	sor.u32 $0x980, s23;
	v21 =	vld [tilespmem:s28+$0x4000];
	v52 =	vmul.f32 v48, v49;
	v22 =	vadd.f32 v17, v22  }
0x12f: {  	v25 =	vsub.f32 v63, v28;
	v32 =	vmul.f32 v32, v32;
	v41 =	vld [tilespmem:s30+$0x4000];
	v28 =	vsub.f32 $1.500000000e+00, v31  }
0x130: {  	s26 =	sor.u32 s24, s31;
	v17 =	vld [tilespmem:s22+$0x6000];
	v31 =	vmul.f32 v51, v51;
	v54 =	vsub.f32 $1.500000000e+00, v52;
	v22 =	vadd.f32 v26, v22  }
0x131: {  	v6 =	vmul.f32 v6, v6;
	v25 =	vmul.f32 v25, v25;
	s25 =	sor.u32 $0x380, s26;
	v26 =	vld [tilespmem:s30+$0x6000]  }
0x132: {  	v55 =	vmul.f32 v48, v54;
	v31 =	vadd.f32 v31, v22;
	v22 =	vmul.f32 v27, v28;
	v28 =	vld [tilespmem:s25+$0x4000]  }
0x133: {  	v1 =	vadd.f32 v62, v1;
	v23 =	vmul.f32 v23, v23;
	v60 =	vmul.f32 $5.000000000e-01, v29;
	v48 =	vld [tilespmem:s22+$0x6A00]  }
0x134: {  	v24 =	vsub.f32 v3, v50;
	v20 =	vmul.f32 v55, v47;
	v27 =	vadd.f32 v25, v31;
	v25 =	vld [tilespmem:s22+$0x4800]  }
0x135: {  	v16 =	vld [tilespmem:s22+$0x4300];
	v12 =	vmul.f32 v12, v12;
	v50 =	vadd.f32 v60, v17;
	v44 =	vsub.f32 v17, v60  }
0x136: {  	v31 =	vsel vm0, v3, v7;
	v20 =	vmul.f32 v20, v55;
	v23 =	vadd.f32 v23, v27;
	v27 =	vld [tilespmem:s28+$0x6000]  }
0x137: {  	v19 =	vld [tilespmem:s22+$0x4000];
	s31 =	sor.u32 $0x80, s23;
	v57 =	vmul.f32 $5.000000000e-01, v21;
	v31 =	vsub.f32 v31, v53;
	v26 =	vsub.f32 v41, v26  }
0x138: {  	v58 =	vmul.f32 v21, v5;
	v2 =	vsub.f32 $1.500000000e+00, v20;
	v12 =	vadd.f32 v12, v23;
	v20 =	vld [tilespmem:s31+$0x4000]  }
0x139: {  	v39 =	vld [tilespmem:s22+$0x6900];
	v45 =	vsub.f32 v45, v48;
	v56 =	vmul.f32 $5.000000000e-01, v25;
	v61 =	vmul.f32 v25, v28  }
0x13a: {  	s24 =	sor.u32 $0x280, s23;
	v23 =	vld [tilespmem:s31+$0x6000];
	v33 =	vmul.f32 v2, v55;
	v2 =	vadd.f32 v15, v12;
	v12 =	vmul.f32 $5.000000000e-01, v5  }
0x13b: {  	s29 =	sor.u32 $0xB80, s26;
	v15 =	vld [tilespmem:s24+$0x4000];
	v38 =	vsub.f32 v16, v56;
	v34 =	vadd.f32 v56, v16;
	v40 =	vmul.f32 $5.000000000e-01, v27  }
0x13c: {  	v54 =	vld [tilespmem:s29+$0x4000];
	v62 =	vmul.f32 v27, v29;
	v42 =	vsub.f32 v19, v12;
	v12 =	vadd.f32 v12, v19  }
0x13d: {  	v55 =	vld [tilespmem:s22+$0x4900];
	v36 =	vmul.f32 v33, v47;
	v47 =	vsub.f32 v20, v57;
	v35 =	vadd.f32 v57, v20  }
0x13e: {  	v60 =	vld [tilespmem:s29+$0x6000];
	v59 =	vmul.f32 $5.000000000e-01, v28;
	v37 =	vadd.f32 v58, v62;
	v46 =	vadd.f32 v61, v62  }
0x13f: {  	s28 =	sor.u32 $0xA80, s23;
	v26 =	vmul.f32 v26, v26;
	v58 =	vadd.f32 v40, v23;
	v40 =	vsub.f32 v23, v40  }
0x140: {  	v51 =	vld [tilespmem:s28+$0x4000];
	v36 =	vmul.f32 v36, v33;
	v12 =	vmin.f32 v12, v50;
	v63 =	vsub.f32 v15, v59  }
0x141: {  	v57 =	vld [tilespmem:s28+$0x6000];
	v43 =	vadd.f32 v59, v15;
	v59 =	vmax.f32 v42, v44;
	v35 =	vmin.f32 v35, v58  }
0x142: {  	v53 =	vld [tilespmem:s22+$0x5200];
	v34 =	vmin.f32 v34, v58;
	v62 =	vmax.f32 v47, v40;
	v39 =	vsub.f32 v55, v39  }
0x143: {  	v48 =	vld [tilespmem:s22+$0x5000];
	v38 =	vmax.f32 v38, v40;
	v42 =	vsub.f32 v54, v60;
	v12 =	vsub.f32 v12, v59  }
0x144: {  	v61 =	vld [tilespmem:s22+$0x4B00];
	v35 =	vsub.f32 v35, v62;
	v52 =	vmax.f32 v63, v44;
	v43 =	vmin.f32 v43, v50  }
0x145: {  	s30 =	sor.u32 $0x1080, s23;
	v34 =	vsub.f32 v34, v38;
	v63 =	vld [tilespmem:s22+$0x6B00];
	v43 =	vsub.f32 v43, v52;
	v12 =	vmax.f32 v12, $0.0e+00  }
0x146: {  	v56 =	vld [tilespmem:s30+$0x4000];
	v55 =	vsub.f32 v51, v57;
	v35 =	vmax.f32 v35, $0.0e+00;
	v57 =	vmul.f32 v39, v39  }
0x147: {  	v58 =	vld [tilespmem:s30+$0x6000];
	v60 =	vmul.f32 v45, v45;
	v36 =	vsub.f32 $1.500000000e+00, v36;
	v35 =	vmul.f32 v35, v12  }
0x148: {  	v44 =	vld [tilespmem:s22+$0x7000];
	v34 =	vmax.f32 v34, $0.0e+00;
	v52 =	vmax.f32 v43, $0.0e+00;
	v26 =	vadd.f32 v26, v57  }
0x149: {  	v59 =	vld [tilespmem:s22+$0x5100];
	v33 =	vmul.f32 v36, v33;
	v62 =	vsub.f32 v37, v35;
	v34 =	vmul.f32 v34, v52  }
0x14a: {  	s2 =	sor.u32 $0x1280, s23;
	v51 =	vmul.f32 v55, v55;
	v55 =	vld [tilespmem:s22+$0x7200];
	v12 =	vsub.f32 v61, v63;
	v26 =	vadd.f32 v60, v26  }
0x14b: {  	v30 =	vmul.f32 v22, v4;
	v33 =	vmul.f32 v33, v8;
	v57 =	vld [tilespmem:s2+$0x4000];
	v8 =	vsub.f32 v46, v34  }
0x14c: {  	s31 =	sor.u32 $0x1180, s23;
	v61 =	vld [tilespmem:s22+$0x7100];
	(erf) = vrcp.f32 v62;
	v26 =	vadd.f32 v51, v26;
	v12 =	vmul.f32 v12, v12  }
0x14d: {  	v32 =	vadd.f32 v32, v6;
	v52 =	vld [tilespmem:s31+$0x6000];
	v50 =	vsub.f32 v48, v44;
	(erf) = vrcp.f32 v8  }
0x14e: {  	s26 =	sor.u32 $0x1380, s26;
	v63 =	vld [tilespmem:s31+$0x4000];
	v8 =	vmul.f32 v30, v22;
	v12 =	vadd.f32 v12, v26;
	v26 =	vmul.f32 v42, v42  }
0x14f: {  	vm1 =	vgt.f32 v18, $0.0e+00;
	v18 =	vsub.f32 v7, v18;
	v54 =	vsub.f32 v56, v58;
	v60 =	vld [tilespmem:s26+$0x6000]  }
0x150: {  	v40 =	vmul.f32 v50, v50;
	v30 =	vld [tilespmem:s2+$0x6000];
	v58 =	vsub.f32 $1.500000000e+00, v8;
	v26 =	vadd.f32 v26, v12  }
0x151: {  	v24 =	vmul.f32 v24, v24;
	v31 =	vmul.f32 v31, v31;
	v56 =	vsub.f32 v59, v61;
	v59 =	vld [tilespmem:s26+$0x4000]  }
0x152: {  	v38 =	vsub.f32 v53, v55;
	v42 =	vmul.f32 v58, v22;
	v22 =	vadd.f32 v40, v26  }
0x153: {  	v50 =	vadd.f32 v33, v33;
	v37 =	vsub.f32 v63, v52;
	v8 =	vsel vm1, $0x3F800000, v0  }
0x154: {  	v62 =	vld [tilespmem:s22+$0x5300];
	v38 =	vmul.f32 v38, v38;
	v12 =	vsub.f32 $1.000000000e+00, v8;
	v26 =	vmul.f32 v54, v54  }
0x155: {  	v63 =	vld [tilespmem:s22+$0x7300];
	v39 =	vmul.f32 v56, v56;
	v30 =	vsub.f32 v57, v30;
	v4 =	vmul.f32 v42, v4  }
0x156: {  	v49 =	vld [tilespmem:s22+$0x7800];
	v37 =	vmul.f32 v37, v37;
	v26 =	vadd.f32 v26, v22;
	v36 =	vsub.f32 v59, v60;
	v22 =	vpop (erf)  }
0x157: {  	v61 =	vld [tilespmem:s25+$0x6000];
	v35 =	vmul.f32 v22, v35;
	v22 =	vsel vm0, v7, v3;
	v3 =	vmul.f32 v4, v42  }
0x158: {  	v30 =	vmul.f32 v30, v30;
	v39 =	vadd.f32 v39, v26;
	v4 =	vld [tilespmem:s22+$0x6800];
	v7 =	vmul.f32 v18, v18;
	v18 =	vpop (erf)  }
0x159: {  	v26 =	vadd.f32 v31, v31;
	v31 =	vld [tilespmem:s22+$0x5800];
	v34 =	vmul.f32 v18, v34;
	v3 =	vsub.f32 $1.500000000e+00, v3  }
0x15a: {  	v54 =	vsub.f32 v62, v63;
	v33 =	vmul.f32 v36, v36;
	v18 =	vadd.f32 v24, v7  }
0x15b: {  	v58 =	vld [tilespmem:s24+$0x6000];
	vm0 =	vgt.f32 v34, v35;
	v24 =	vmax.f32 v35, v34;
	v48 =	vmul.f32 v3, v42  }
0x15c: {  	s28 =	sor.u32 $0x1880, s23;
	v6 =	vsel vm0, v28, v5;
	v5 =	vsel vm0, v61, v29;
	v29 =	vadd.f32 v32, v10  }
0x15d: {  	v51 =	vld [tilespmem:s28+$0x4000];
	v3 =	vsel vm0, v4, v27;
	v4 =	vsel vm0, v25, v21;
	v21 =	vmul.f32 v48, v9  }
0x15e: {  	v52 =	vld [tilespmem:s22+$0x7900];
	v28 =	vadd.f32 v37, v39;
	v31 =	vsub.f32 v31, v49;
	v7 =	vmul.f32 v5, v6  }
0x15f: {  	v15 =	vsel vm0, v15, v19;
	v25 =	vld [tilespmem:s22+$0x5900];
	v14 =	vadd.f32 v29, v14;
	v21 =	vadd.f32 v21, v21  }
0x160: {  	s29 =	sor.u32 $0x1980, s23;
	v17 =	vsel vm0, v58, v17;
	v27 =	vld [tilespmem:s28+$0x6000];
	v53 =	vshrl.u32 v7, $0x1;
	v10 =	vmul.f32 $5.000000000e-01, v7  }
0x161: {  	v55 =	vld [tilespmem:s29+$0x4000];
	v9 =	vmul.f32 v3, v4;
	v56 =	vsub.s32 $0x5F3759DF, v53;
	v14 =	vsub.f32 v14, v21  }
0x162: {  	v57 =	vld [tilespmem:s29+$0x6000];
	v15 =	vsub.f32 v15, v17;
	v28 =	vadd.f32 v38, v28;
	v29 =	vmul.f32 v56, v10  }
0x163: {  	v61 =	vld [tilespmem:s22+$0x6300];
	v17 =	vsel vm0, v16, v20;
	v59 =	vshrl.u32 v9, $0x1;
	v13 =	vadd.f32 v14, v13  }
0x164: {  	v60 =	vadd.f32 v30, v28;
	v62 =	vsub.f32 v25, v52;
	v25 =	vld [tilespmem:s22+$0x5A00];
	v21 =	vmul.f32 v56, v29  }
0x165: {  	s31 =	sor.u32 $0x880, s23;
	v35 =	vmul.f32 $5.000000000e-01, v9;
	v28 =	vsub.f32 v51, v27;
	v29 =	vld [tilespmem:s22+$0x7A00];
	v13 =	vadd.f32 v13, v11  }
0x166: {  	v31 =	vmul.f32 v31, v31;
	v37 =	vsub.s32 $0x5F3759DF, v59;
	v14 =	vsub.f32 $1.500000000e+00, v21;
	v11 =	vld [tilespmem:s31+$0x4000]  }
0x167: {  	s30 =	sor.u32 $0x1A80, s23;
	v63 =	vmul.f32 v37, v35;
	v36 =	vmul.f32 v28, v28;
	v34 =	vsub.f32 v13, v50;
	v13 =	vld [tilespmem:s22+$0x4200]  }
0x168: {  	v32 =	vld [tilespmem:s30+$0x6000];
	v23 =	vsel vm0, v61, v23;
	v21 =	vmul.f32 v56, v14;
	v14 =	vmul.f32 v54, v54  }
0x169: {  	v30 =	vld [tilespmem:s30+$0x4000];
	v27 =	vsub.f32 v55, v57;
	v19 =	vmul.f32 v62, v62;
	v38 =	vmul.f32 v37, v63  }
0x16a: {  	s23 =	simm.s32 $0x100;
	s26 =	simm.s32 $0x20;
	v16 =	vld [tilespmem:s31+$0x6000];
	v28 =	vmul.f32 v21, v10;
	v20 =	vadd.f32 v14, v60;
	v14 =	vmul.f32 $5.000000000e+00, v34  }
.LBB2_5:
0x16b: {  	s0 =	sand.u32 $0xFFFFFC00, s23  }
0x16c: {  	s2 =	sand.u32 $0x70, s26;
	s28 =	sand.u32 $0x400, s23;
	v39 =	vsel vm0, v11, v13;
	v34 =	vsub.f32 v17, v23;
	v23 =	vsub.f32 v25, v29;
	s29 =	smov.u32 s26  }
0x16d: {  	s24 =	sadd.s32 $0x10, s26;
	s25 =	sadd.s32 s0, s29;
	v29 =	vld [tilespmem:s22+$0x6200];
	s22 =	sor.u32 s2, s28;
	v17 =	vadd.f32 v33, v20;
	v20 =	vmul.f32 v22, v22;
	v22 =	vadd.f32 v14, v26  }
0x16e: {  	p0 =	slt.u32 s26, $0xF0;
	v32 =	vsub.f32 v30, v32;
	v12 =	vmul.f32 v18, v12;
	v25 =	vsub.f32 $1.500000000e+00, v38;
	s0 =	sor.u32 $0x180, s25;
	v26 =	vld [tilespmem:s22+$0x6900];
	s30 =	sor.u32 $0x980, s25  }
0x16f: {  	v14 =	vld [tilespmem:s22+$0x6000];
	v17 =	vadd.f32 v31, v17;
	v20 =	vadd.f32 v22, v20  }
0x170: {  	s26 =	sor.u32 s29, s23;
	v18 =	vsub.f32 v39, v24;
	v37 =	vmul.f32 v37, v25;
	v38 =	vld [tilespmem:s30+$0x6000];
	v22 =	vsub.f32 v11, v16  }
0x171: {  	s28 =	sor.u32 $0x380, s26;
	v16 =	vld [tilespmem:s22+$0x4000];
	v24 =	vadd.f32 v36, v17;
	v2 =	vadd.f32 v2, v20  }
0x172: {  	s2 =	sor.u32 $0x80, s25;
	v31 =	vmul.f32 v27, v27;
	v20 =	vmul.f32 v37, v35;
	v25 =	vld [tilespmem:s0+$0x4000]  }
0x173: {  	s29 =	sor.u32 $0x280, s25;
	v17 =	vld [tilespmem:s22+$0x4300];
	v19 =	vadd.f32 v19, v24;
	v2 =	vmul.f32 v2, v8;
	v8 =	vmul.f32 $5.000000000e-01, v12  }
0x174: {  	v12 =	vmul.f32 v20, v37;
	v27 =	vld [tilespmem:s22+$0x4800]  }
0x175: {  	v20 =	vmul.f32 v23, v23;
	v30 =	vld [tilespmem:s22+$0x4100];
	v19 =	vadd.f32 v31, v19;
	v2 =	vadd.f32 v2, v8  }
0x176: {  	v8 =	vsub.f32 $1.500000000e+00, v12;
	v12 =	vmul.f32 v32, v32;
	v31 =	vld [tilespmem:s0+$0x6000]  }
0x177: {  	v32 =	vld [tilespmem:s28+$0x4000];
	v24 =	vmul.f32 $5.000000000e-01, v25;
	v20 =	vadd.f32 v20, v19;
	v1 =	vadd.f32 v2, v1  }
0x178: {  	v8 =	vmul.f32 v8, v37;
	v33 =	vld [tilespmem:s22+$0x6100]  }
0x179: {  	v19 =	vld [tilespmem:s2+$0x4000];
	v36 =	vmul.f32 $5.000000000e-01, v27;
	v2 =	vadd.f32 v12, v20  }
0x17a: {  	v23 =	vld [tilespmem:s29+$0x4000];
	v12 =	vmul.f32 $5.000000000e-01, v30;
	v37 =	vmul.f32 v25, v30  }
0x17b: {  	v35 =	vmul.f32 v8, v35;
	v20 =	vld [tilespmem:s2+$0x6000];
	v39 =	vsub.f32 v17, v36;
	v36 =	vadd.f32 v36, v17  }
0x17c: {  	v40 =	vmul.f32 $5.000000000e-01, v31;
	v41 =	vsub.f32 v16, v12;
	v42 =	vmul.f32 $5.000000000e-01, v32;
	v43 =	vld [tilespmem:s30+$0x4000]  }
0x17d: {  	v12 =	vadd.f32 v12, v16;
	v45 =	vmul.f32 v27, v32;
	v44 =	vmul.f32 $5.000000000e-01, v33;
	v46 =	vld [tilespmem:s22+$0x4A00]  }
0x17e: {  	s0 =	sor.u32 $0xA80, s25;
	v47 =	vmul.f32 v31, v33;
	v48 =	vsub.f32 v19, v24;
	v24 =	vadd.f32 v24, v19;
	v49 =	vld [tilespmem:s22+$0x6A00]  }
0x17f: {  	v35 =	vmul.f32 v35, v8;
	v50 =	vadd.f32 v44, v14;
	v51 =	vsub.f32 v23, v42;
	v52 =	vld [tilespmem:s0+$0x4000]  }
0x180: {  	v44 =	vsub.f32 v14, v44;
	v37 =	vadd.f32 v37, v47;
	v53 =	vld [tilespmem:s0+$0x6000];
	s0 =	sor.u32 $0xB80, s26  }
0x181: {  	v42 =	vadd.f32 v42, v23;
	v45 =	vadd.f32 v45, v47;
	v12 =	vmin.f32 v12, v50;
	v47 =	vld [tilespmem:s0+$0x4000]  }
0x182: {  	v54 =	vadd.f32 v40, v20;
	v51 =	vmax.f32 v51, v44;
	v38 =	vsub.f32 v43, v38;
	v55 =	vld [tilespmem:s22+$0x4900]  }
0x183: {  	v35 =	vsub.f32 $1.500000000e+00, v35;
	v40 =	vsub.f32 v20, v40;
	v41 =	vmax.f32 v41, v44;
	v43 =	vld [tilespmem:s0+$0x6000]  }
0x184: {  	v24 =	vmin.f32 v24, v54;
	v12 =	vsub.f32 v12, v41;
	v36 =	vmin.f32 v36, v54;
	v41 =	vld [tilespmem:s22+$0x4B00]  }
0x185: {  	v42 =	vmin.f32 v42, v50;
	v44 =	vmax.f32 v48, v40;
	v38 =	vmul.f32 v38, v38;
	v48 =	vld [tilespmem:s22+$0x6B00]  }
0x186: {  	v42 =	vsub.f32 v42, v51;
	v46 =	vsub.f32 v46, v49;
	v12 =	vmax.f32 v12, $0.0e+00;
	v49 =	vld [tilespmem:s22+$0x5000]  }
0x187: {  	v39 =	vmax.f32 v39, v40;
	v24 =	vsub.f32 v24, v44;
	s0 =	sor.u32 $0x1080, s25;
	v26 =	vsub.f32 v55, v26;
	v40 =	vld [tilespmem:s22+$0x7000]  }
0x188: {  	v42 =	vmax.f32 v42, $0.0e+00;
	v44 =	vsub.f32 v52, v53;
	v43 =	vsub.f32 v47, v43;
	v47 =	vld [tilespmem:s0+$0x4000]  }
0x189: {  	v36 =	vsub.f32 v36, v39;
	v24 =	vmax.f32 v24, $0.0e+00;
	v26 =	vmul.f32 v26, v26;
	v39 =	vld [tilespmem:s0+$0x6000]  }
0x18a: {  	v8 =	vmul.f32 v35, v8;
	v24 =	vmul.f32 v24, v12;
	v12 =	vsub.f32 v41, v48;
	v41 =	vld [tilespmem:s22+$0x5100]  }
0x18b: {  	v35 =	vmax.f32 v36, $0.0e+00;
	v36 =	vmul.f32 v46, v46;
	s0 =	sor.u32 $0x1180, s25;
	v26 =	vadd.f32 v38, v26;
	v38 =	vld [tilespmem:s22+$0x7100]  }
0x18c: {  	v35 =	vmul.f32 v35, v42;
	v37 =	vsub.f32 v37, v24;
	v40 =	vsub.f32 v49, v40;
	v42 =	vld [tilespmem:s0+$0x4000]  }
0x18d: {  	v9 =	vmul.f32 v8, v9;
	v26 =	vadd.f32 v36, v26;
	v36 =	vmul.f32 v44, v44;
	v44 =	vld [tilespmem:s0+$0x6000]  }
0x18e: {  	v8 =	vsub.f32 v45, v35;
	v39 =	vsub.f32 v47, v39;
	v45 =	vld [tilespmem:s22+$0x5200];
	(erf) = vrcp.f32 v37  }
0x18f: {  	v12 =	vmul.f32 v12, v12;
	s0 =	sor.u32 $0x1280, s25;
	v26 =	vadd.f32 v36, v26;
	v36 =	vld [tilespmem:s22+$0x7200]  }
0x190: {  	v37 =	vsub.f32 v41, v38;
	v38 =	vld [tilespmem:s0+$0x4000];
	(erf) = vrcp.f32 v8;
	v8 =	vmul.f32 v28, v21  }
0x191: {  	v34 =	vmul.f32 v34, v34;
	v12 =	vadd.f32 v12, v26;
	v26 =	vmul.f32 v43, v43;
	v28 =	vld [tilespmem:s0+$0x6000]  }
0x192: {  	vm1 =	vgt.f32 v29, $0.0e+00;
	v41 =	vld [tilespmem:s29+$0x6000];
	v42 =	vsub.f32 v42, v44;
	v43 =	vsub.f32 $1.500000000e+00, v8  }
0x193: {  	v40 =	vmul.f32 v40, v40;
	v8 =	vsel vm1, $0x3F800000, v0;
	v44 =	vld [tilespmem:s28+$0x6000];
	v26 =	vadd.f32 v26, v12  }
0x194: {  	v12 =	vsub.f32 $1.000000000e+00, v8;
	v46 =	vld [tilespmem:s22+$0x6800];
	v36 =	vsub.f32 v45, v36;
	v21 =	vmul.f32 v43, v21  }
0x195: {  	v39 =	vmul.f32 v39, v39;
	s0 =	sor.u32 $0x1380, s26;
	v43 =	vld [tilespmem:s22+$0x6300];
	v26 =	vadd.f32 v40, v26;
	v40 =	vmul.f32 v22, v22  }
0x196: {  	v29 =	vsub.f32 v13, v29;
	v28 =	vsub.f32 v38, v28;
	v38 =	vld [tilespmem:s0+$0x4000];
	v10 =	vmul.f32 v21, v10  }
0x197: {  	v37 =	vmul.f32 v37, v37;
	v45 =	vmul.f32 v18, v18;
	v26 =	vadd.f32 v39, v26;
	v39 =	vld [tilespmem:s0+$0x6000];
	v22 =	vpop (erf)  }
0x198: {  	v24 =	vmul.f32 v22, v24;
	v47 =	vld [tilespmem:s22+$0x5300];
	v22 =	vsel vm0, v13, v11;
	v10 =	vmul.f32 v10, v21  }
0x199: {  	v15 =	vmul.f32 v15, v15;
	v11 =	vadd.f32 v37, v26;
	v13 =	vld [tilespmem:s22+$0x7300];
	v18 =	vpop (erf);
	v26 =	vmul.f32 v29, v29  }
0x19a: {  	v36 =	vmul.f32 v36, v36;
	v29 =	vmul.f32 v42, v42;
	v37 =	vld [tilespmem:s22+$0x5800];
	v10 =	vsub.f32 $1.500000000e+00, v10  }
0x19b: {  	s0 =	sor.u32 $0x1880, s25;
	v35 =	vmul.f32 v18, v35;
	v42 =	vld [tilespmem:s22+$0x7800];
	v18 =	vadd.f32 v40, v26;
	v26 =	vadd.f32 v45, v45  }
0x19c: {  	v15 =	vadd.f32 v34, v15;
	v38 =	vsub.f32 v38, v39;
	v39 =	vld [tilespmem:s0+$0x4000];
	v10 =	vmul.f32 v10, v21  }
0x19d: {  	v34 =	vadd.f32 v9, v9;
	vm0 =	vgt.f32 v35, v24;
	v24 =	vmax.f32 v24, v35;
	v21 =	vld [tilespmem:s0+$0x6000]  }
0x19e: {  	v30 =	vsel vm0, v32, v30;
	v32 =	vsel vm0, v44, v33;
	v40 =	vsel vm0, v46, v31;
	v31 =	vld [tilespmem:s22+$0x5900]  }
0x19f: {  	v27 =	vsel vm0, v27, v25;
	s0 =	sor.u32 $0x1980, s25;
	v33 =	vmul.f32 v10, v7;
	v7 =	vmul.f32 v32, v30;
	v44 =	vld [tilespmem:s22+$0x7900]  }
0x1a0: {  	v15 =	vadd.f32 v15, v6;
	v11 =	vadd.f32 v29, v11;
	v9 =	vmul.f32 v40, v27;
	v6 =	vmovc v30;
	v45 =	vld [tilespmem:s0+$0x4000]  }
0x1a1: {  	v28 =	vmul.f32 v28, v28;
	v46 =	vsub.f32 v47, v13;
	v30 =	vshrl.u32 v7, $0x1;
	v25 =	vld [tilespmem:s22+$0x5A00]  }
0x1a2: {  	v11 =	vadd.f32 v36, v11;
	v10 =	vmul.f32 $5.000000000e-01, v7;
	v13 =	vadd.f32 v33, v33;
	v29 =	vld [tilespmem:s22+$0x7A00]  }
0x1a3: {  	v15 =	vadd.f32 v15, v5;
	v5 =	vmovc v32;
	v42 =	vsub.f32 v37, v42;
	v36 =	vsub.s32 $0x5F3759DF, v30;
	v47 =	vld [tilespmem:s0+$0x6000];
	s0 =	sor.u32 $0x1A80, s25  }
0x1a4: {  	v48 =	vadd.f32 v28, v11;
	v37 =	vshrl.u32 v9, $0x1;
	v33 =	vmul.f32 v36, v10;
	v30 =	vld [tilespmem:s0+$0x4000]  }
0x1a5: {  	v35 =	vmul.f32 $5.000000000e-01, v9;
	v28 =	vsub.f32 v39, v21;
	v11 =	vsub.f32 v15, v13;
	v32 =	vld [tilespmem:s0+$0x6000]  }
0x1a6: {  	v13 =	vmul.f32 v36, v33;
	v33 =	vmul.f32 v38, v38;
	v38 =	vsub.f32 v31, v44  }
0x1a7: {  	v37 =	vsub.s32 $0x5F3759DF, v37;
	v31 =	vmul.f32 v42, v42;
	v15 =	vadd.f32 v11, v4;
	v4 =	vmovc v27;
	s0 =	sor.u32 $0x880, s25  }
0x1a8: {  	v39 =	vmul.f32 v37, v35;
	v21 =	vsub.f32 $1.500000000e+00, v13;
	v11 =	vld [tilespmem:s0+$0x4000];
	v27 =	vsub.f32 v45, v47  }
.Ltmp1:
0x1a9: {  	v16 =	vsel vm0, v23, v16;
	v14 =	vsel vm0, v41, v14;
	v23 =	vadd.f32 v15, v3;
	v3 =	vmovc v40;
	v13 =	vld [tilespmem:s22+$0x4200];
	(pc) =	sbr.rel @p0 .LBB2_5-.Ltmp1, $4  }
0x1aa: {  	v15 =	vsub.f32 v16, v14;
	v21 =	vmul.f32 v36, v21;
	v36 =	vmul.f32 v28, v28  }
0x1ab: {  	v17 =	vsel vm0, v17, v19;
	v14 =	vmul.f32 v46, v46;
	v34 =	vsub.f32 v23, v34  }
0x1ac: {  	v19 =	vmul.f32 v38, v38;
	v23 =	vsel vm0, v43, v20;
	v28 =	vmul.f32 v21, v10  }
0x1ad: {  	s23 =	sadd.s32 $0x80, s23;
	s26 =	smov.u32 s24;
	v38 =	vmul.f32 v37, v39;
	v20 =	vadd.f32 v14, v48;
	v14 =	vmul.f32 $5.000000000e+00, v34;
	v16 =	vld [tilespmem:s0+$0x6000]  }
0x1ae: {  	_ = 	snop  }
0x1af: {  	v28 =	vmul.f32 v28, v21;
	v34 =	vsub.f32 $1.500000000e+00, v38;
	_ =	sdelay $0x1  }
0x1b0: {  	v28 =	vsub.f32 $1.500000000e+00, v28;
	v34 =	vmul.f32 v37, v34;
	_ =	sdelay $0x1  }
0x1b1: {  	v42 =	vmul.f32 v28, v21;
	v37 =	vmul.f32 v34, v35;
	_ =	sdelay $0x1  }
0x1b2: {  	v10 =	vmul.f32 v42, v10;
	v43 =	vmul.f32 v37, v34  }
0x1b3: {  	v17 =	vsub.f32 v17, v23  }
0x1b4: {  	v10 =	vmul.f32 v10, v42;
	v28 =	vsub.f32 $1.500000000e+00, v43  }
0x1b5: {  	v15 =	vmul.f32 v15, v15;
	v17 =	vmul.f32 v17, v17  }
0x1b6: {  	v10 =	vsub.f32 $1.500000000e+00, v10;
	v44 =	vmul.f32 v28, v34  }
0x1b7: {  	v15 =	vadd.f32 v17, v15  }
0x1b8: {  	v10 =	vmul.f32 v10, v42;
	v28 =	vmul.f32 v44, v35  }
0x1b9: {  	v6 =	vadd.f32 v15, v6  }
0x1ba: {  	v7 =	vmul.f32 v10, v7;
	v45 =	vmul.f32 v28, v44  }
0x1bb: {  	v5 =	vadd.f32 v6, v5  }
0x1bc: {  	v7 =	vadd.f32 v7, v7;
	v47 =	vsub.f32 $1.500000000e+00, v45  }
0x1bd: {  	v48 =	vsub.f32 v25, v29;
	v49 =	vmul.f32 v22, v22;
	v46 =	vadd.f32 v33, v20  }
0x1be: {  	v51 =	vsub.f32 v30, v32;
	v5 =	vsub.f32 v5, v7;
	v15 =	vmul.f32 v47, v44  }
0x1bf: {  	v50 =	vsel vm0, v11, v13;
	v14 =	vadd.f32 v14, v26;
	v10 =	vadd.f32 v31, v46  }
0x1c0: {  	v52 =	vld [tilespmem:s22+$0x6200];
	v53 =	vsub.f32 v50, v24;
	v4 =	vadd.f32 v5, v4;
	v9 =	vmul.f32 v15, v9  }
0x1c1: {  	v54 =	vmul.f32 v27, v27;
	v14 =	vadd.f32 v14, v49;
	v10 =	vadd.f32 v36, v10  }
0x1c2: {  	v59 =	vsel vm0, v13, v11;
	v3 =	vadd.f32 v4, v3;
	v9 =	vadd.f32 v9, v9  }
0x1c3: {  	v56 =	vmul.f32 v51, v51;
	v55 =	vsub.f32 v11, v16;
	v10 =	vadd.f32 v19, v10  }
0x1c4: {  	v11 =	vmul.f32 v59, v59;
	v5 =	vmul.f32 v53, v53;
	v3 =	vsub.f32 v3, v9  }
0x1c5: {  	vm1 =	vgt.f32 v52, $0.0e+00;
	v6 =	vmul.f32 v48, v48;
	v7 =	vadd.f32 v54, v10  }
0x1c6: {  	v57 =	vsub.f32 v13, v52;
	v5 =	vadd.f32 v5, v5;
	v3 =	vmul.f32 $5.000000000e+00, v3  }
0x1c7: {  	v2 =	vadd.f32 v2, v14;
	v58 =	vsel vm1, $0x3F800000, v0;
	v6 =	vadd.f32 v6, v7  }
0x1c8: {  	v4 =	vmul.f32 v55, v55;
	v7 =	vmul.f32 v57, v57;
	v3 =	vadd.f32 v3, v5  }
0x1c9: {  	v62 =	vmul.f32 v18, v12;
	v61 =	vsub.f32 $1.000000000e+00, v58;
	v60 =	vadd.f32 v56, v6  }
0x1ca: {  	v4 =	vadd.f32 v4, v7;
	v3 =	vadd.f32 v3, v11  }
0x1cb: {  	v63 =	vmul.f32 $5.000000000e-01, v62  }
0x1cc: {  	s21 =	sadd.s32 $0x1, s21;
	v2 =	vmul.f32 v2, v8;
	v4 =	vmul.f32 v4, v61;
	v3 =	vadd.f32 v60, v3  }
0x1cd: {  	p0 =	sne.s32 s21, $0x18  }
.Ltmp2:
0x1ce: {  	v2 =	vadd.f32 v2, v63;
	v4 =	vmul.f32 $5.000000000e-01, v4;
	v3 =	vmul.f32 v3, v58;
	(pc) =	sbr.rel @p0 .LBB2_2-.Ltmp2, $3  }
0x1cf: {  	_ = 	snop  }
0x1d0: {  	v1 =	vadd.f32 v2, v1;
	v2 =	vadd.f32 v3, v4;
	_ =	sdelay $0x1  }
0x1d1: {  	v1 =	vadd.f32 v2, v1  }
0x1d2: {  	_ =	swait.ge [sflag:s16], $0x2000  }
0x1d3: {  	[sflag:s16] =	ssyncset.done $0x0  }
0x1d4: {  	[sflag:s16] =	ssyncadd.s32 $0xFFFFE000  }
0x1d5: {  	s0 =	simm.s32 $0x0;
	_ =	swait.ge [sflag:s16], $0x2000  }
0x1d6: {  	s2 =	sand.u32 $0x70, s0;
	s21 =	sand.u32 $0x400, s0;
	[sflag:s16] =	ssyncset.done $0x0  }
0x1d7: {  	s23 =	sand.u32 $0xFFFFFC00, s0;
	s22 =	sor.u32 s2, s21;
	[sflag:s16] =	ssyncadd.s32 $0xFFFFE000  }
0x1d8: {  	s21 =	sadd.s32 $0x0, s23;
	v14 =	vld [tilespmem:s22+$0x2900]  }
0x1d9: {  	s26 =	sor.u32 $0x980, s21;
	v3 =	vld [tilespmem:s22+$0x2000]  }
0x1da: {  	v15 =	vld [tilespmem:s26+$0x2000]  }
0x1db: {  	s25 =	sor.u32 $0x180, s21;
	v6 =	vld [tilespmem:s22+$0x0]  }
0x1dc: {  	v7 =	vld [tilespmem:s25+$0x0]  }
0x1dd: {  	v2 =	vld [tilespmem:s22+$0x300]  }
0x1de: {  	v12 =	vld [tilespmem:s22+$0x800]  }
0x1df: {  	s23 =	sor.u32 s0, s0;
	v9 =	vld [tilespmem:s22+$0x100]  }
0x1e0: {  	s24 =	sor.u32 $0x380, s23;
	v11 =	vld [tilespmem:s25+$0x2000]  }
0x1e1: {  	v10 =	vld [tilespmem:s24+$0x0]  }
0x1e2: {  	v13 =	vld [tilespmem:s22+$0x2100]  }
0x1e3: {  	v16 =	vld [tilespmem:s26+$0x0]  }
0x1e4: {  	v17 =	vld [tilespmem:s22+$0xA00]  }
0x1e5: {  	s30 =	sor.u32 $0xA80, s21;
	v18 =	vld [tilespmem:s22+$0x2A00]  }
0x1e6: {  	v20 =	vld [tilespmem:s30+$0x0]  }
0x1e7: {  	v22 =	vld [tilespmem:s30+$0x2000]  }
0x1e8: {  	v28 =	vld [tilespmem:s22+$0x900]  }
0x1e9: {  	v40 =	vld [tilespmem:s22+$0x1000]  }
0x1ea: {  	s28 =	sor.u32 $0x80, s21;
	v42 =	vld [tilespmem:s22+$0x3000]  }
0x1eb: {  	s29 =	sor.u32 $0x280, s21;
	v4 =	vld [tilespmem:s28+$0x0]  }
0x1ec: {  	v8 =	vld [tilespmem:s29+$0x0];
	v19 =	vmul.f32 $5.000000000e-01, v12  }
0x1ed: {  	s31 =	sor.u32 $0xB80, s23;
	v5 =	vld [tilespmem:s28+$0x2000];
	v21 =	vmul.f32 $5.000000000e-01, v9;
	v15 =	vsub.f32 v16, v15;
	v14 =	vsub.f32 v28, v14  }
0x1ee: {  	v25 =	vld [tilespmem:s31+$0x0];
	v23 =	vmul.f32 $5.000000000e-01, v7;
	v17 =	vsub.f32 v17, v18;
	v20 =	vsub.f32 v20, v22  }
0x1ef: {  	v31 =	vld [tilespmem:s31+$0x2000];
	v26 =	vmul.f32 v7, v9;
	v40 =	vsub.f32 v40, v42;
	v24 =	vsub.f32 v2, v19  }
0x1f0: {  	v34 =	vld [tilespmem:s22+$0xB00];
	v30 =	vmul.f32 $5.000000000e-01, v13;
	v19 =	vadd.f32 v19, v2;
	v27 =	vsub.f32 v6, v21  }
0x1f1: {  	s2 =	sor.u32 $0x1080, s21;
	v38 =	vld [tilespmem:s22+$0x2B00];
	v29 =	vmul.f32 $5.000000000e-01, v10;
	v21 =	vadd.f32 v21, v6;
	v33 =	vsub.f32 v4, v23  }
0x1f2: {  	v61 =	vld [tilespmem:s2+$0x0];
	v32 =	vmul.f32 v11, v13;
	v23 =	vadd.f32 v23, v4;
	v36 =	vadd.f32 v30, v3  }
0x1f3: {  	v63 =	vld [tilespmem:s29+$0x2000];
	v35 =	vmul.f32 $5.000000000e-01, v11;
	v37 =	vsub.f32 v8, v29;
	v30 =	vsub.f32 v3, v30  }
0x1f4: {  	v43 =	vld [tilespmem:s22+$0x3800];
	s30 =	sor.u32 $0x1880, s21;
	v26 =	vadd.f32 v26, v32;
	v29 =	vadd.f32 v29, v8  }
0x1f5: {  	s26 =	sor.u32 $0x1180, s21;
	v45 =	vld [tilespmem:s30+$0x0];
	v41 =	vadd.f32 v35, v5;
	v35 =	vsub.f32 v5, v35;
	v15 =	vmul.f32 v15, v15  }
0x1f6: {  	v28 =	vld [tilespmem:s26+$0x2000];
	v14 =	vmul.f32 v14, v14;
	v21 =	vmin.f32 v21, v36;
	v37 =	vmax.f32 v37, v30  }
0x1f7: {  	v42 =	vld [tilespmem:s22+$0x3300];
	v16 =	vmax.f32 v27, v30;
	v23 =	vmin.f32 v23, v41;
	v19 =	vmin.f32 v19, v41  }
0x1f8: {  	v27 =	vld [tilespmem:s2+$0x2000];
	v29 =	vmin.f32 v29, v36;
	v16 =	vsub.f32 v21, v16;
	v21 =	vmax.f32 v33, v35  }
0x1f9: {  	v30 =	vld [tilespmem:s22+$0x1100];
	v14 =	vadd.f32 v15, v14;
	v21 =	vsub.f32 v23, v21;
	v23 =	vmax.f32 v24, v35  }
0x1fa: {  	v39 =	vmul.f32 v12, v10;
	v41 =	vld [tilespmem:s22+$0x1300];
	s2 =	sor.u32 $0x1A80, s21;
	v29 =	vsub.f32 v29, v37;
	v19 =	vsub.f32 v19, v23  }
0x1fb: {  	s28 =	sor.u32 $0x1280, s21;
	s31 =	sor.u32 $0x1980, s21;
	v15 =	vmul.f32 v17, v17;
	s21 =	sor.u32 $0x880, s21;
	v47 =	vld [tilespmem:s2+$0x2000];
	v16 =	vmax.f32 v16, $0.0e+00;
	v21 =	vmax.f32 v21, $0.0e+00  }
0x1fc: {  	v53 =	vld [tilespmem:s21+$0x2000];
	v29 =	vmax.f32 v29, $0.0e+00;
	v16 =	vmul.f32 v21, v16;
	v19 =	vmax.f32 v19, $0.0e+00  }
0x1fd: {  	v32 =	vadd.f32 v39, v32;
	v24 =	vld [tilespmem:s22+$0x3100];
	v18 =	vmul.f32 v19, v29  }
0x1fe: {  	v14 =	vadd.f32 v15, v14;
	v15 =	vmul.f32 v20, v20;
	v20 =	vld [tilespmem:s22+$0x2800];
	v22 =	vsub.f32 v26, v16  }
0x1ff: {  	v62 =	vsub.f32 v34, v38;
	v21 =	vld [tilespmem:s22+$0x1200];
	v17 =	vsub.f32 v32, v18  }
0x200: {  	v14 =	vadd.f32 v15, v14;
	v19 =	vld [tilespmem:s22+$0x3200];
	(erf) = vrcp.f32 v22  }
0x201: {  	s29 =	sor.u32 $0x1380, s23;
	v15 =	vmul.f32 v62, v62;
	v29 =	vld [tilespmem:s28+$0x2000];
	v22 =	vsub.f32 v25, v31;
	(erf) = vrcp.f32 v17  }
0x202: {  	v25 =	vld [tilespmem:s29+$0x0]  }
0x203: {  	v14 =	vadd.f32 v15, v14;
	v15 =	vmul.f32 v22, v22;
	v22 =	vld [tilespmem:s29+$0x2000]  }
0x204: {  	v26 =	vld [tilespmem:s28+$0x0]  }
0x205: {  	v23 =	vld [tilespmem:s26+$0x0];
	v27 =	vsub.f32 v61, v27  }
0x206: {  	v24 =	vsub.f32 v30, v24;
	v30 =	vld [tilespmem:s22+$0x1800];
	v14 =	vadd.f32 v15, v14;
	v15 =	vmul.f32 v40, v40  }
0x207: {  	v31 =	vld [tilespmem:s22+$0x2300]  }
0x208: {  	v17 =	vld [tilespmem:s24+$0x2000];
	v14 =	vadd.f32 v15, v14;
	v15 =	vmul.f32 v27, v27;
	v22 =	vsub.f32 v25, v22  }
0x209: {  	v24 =	vmul.f32 v24, v24;
	v19 =	vsub.f32 v21, v19;
	v26 =	vsub.f32 v26, v29;
	v25 =	vld [tilespmem:s31+$0x2000];
	v27 =	vpop (erf)  }
0x20a: {  	v29 =	vsub.f32 v41, v42;
	v14 =	vadd.f32 v15, v14;
	v51 =	vmul.f32 v22, v22;
	v22 =	vld [tilespmem:s22+$0x2200];
	v44 =	vpop (erf)  }
0x20b: {  	v15 =	vmul.f32 v27, v16;
	v27 =	vld [tilespmem:s30+$0x2000];
	v16 =	vmul.f32 v44, v18;
	v18 =	vsub.f32 v23, v28  }
0x20c: {  	v30 =	vsub.f32 v30, v43;
	v21 =	vadd.f32 v24, v14;
	v24 =	vld [tilespmem:s22+$0x3900]  }
0x20d: {  	v19 =	vmul.f32 v19, v19;
	v23 =	vld [tilespmem:s22+$0x1900];
	vm0 =	vgt.f32 v16, v15;
	v18 =	vmul.f32 v18, v18  }
0x20e: {  	s23 =	simm.s32 $0x10;
	s25 =	simm.s32 $0x80;
	v26 =	vmul.f32 v26, v26;
	v28 =	vld [tilespmem:s22+$0x1A00];
	v10 =	vsel vm0, v10, v9;
	v14 =	vsel vm0, v17, v13  }
0x20f: {  	s29 =	sand.u32 $0x400, s25;
	s30 =	sand.u32 $0xFFFFFC00, s25;
	s25 =	sor.u32 s23, s25;
	v17 =	vld [tilespmem:s31+$0x0];
	v11 =	vsel vm0, v20, v11;
	v13 =	vsel vm0, v12, v7;
	v7 =	vadd.f32 v18, v21  }
0x210: {  	s24 =	sor.u32 $0x380, s25;
	v20 =	vld [tilespmem:s22+$0x3A00];
	v2 =	vsel vm0, v2, v4;
	v5 =	vsel vm0, v31, v5;
	v9 =	vmul.f32 v14, v10  }
0x211: {  	v12 =	vmul.f32 v11, v13;
	v31 =	vsub.f32 v2, v5;
	v5 =	vld [tilespmem:s24+$0x0];
	v7 =	vadd.f32 v19, v7  }
0x212: {  	v29 =	vmul.f32 v29, v29;
	v21 =	vshrl.u32 v9, $0x1;
	v19 =	vld [tilespmem:s2+$0x0];
	v18 =	vmul.f32 $5.000000000e-01, v9  }
0x213: {  	s28 =	sand.u32 $0x70, s23;
	v46 =	vsub.s32 $0x5F3759DF, v21;
	v21 =	vshrl.u32 v12, $0x1;
	v26 =	vadd.f32 v26, v7;
	v7 =	vld [tilespmem:s21+$0x0]  }
0x214: {  	v30 =	vmul.f32 v30, v30;
	v48 =	vmul.f32 $5.000000000e-01, v12;
	v50 =	vsub.s32 $0x5F3759DF, v21;
	v21 =	vld [tilespmem:s22+$0x200];
	s21 =	sor.u32 s28, s29  }
0x215: {  	v6 =	vsel vm0, v8, v6;
	v3 =	vsel vm0, v63, v3;
	v49 =	vmul.f32 v46, v18;
	s22 =	sadd.s32 $0x10, s30;
	v37 =	vld [tilespmem:s21+$0x2900]  }
0x216: {  	v6 =	vsub.f32 v6, v3;
	v52 =	vmul.f32 v50, v48;
	s26 =	sor.u32 $0x180, s22;
	v3 =	vld [tilespmem:s21+$0x100];
	v26 =	vadd.f32 v29, v26  }
0x217: {  	v55 =	vmax.f32 v15, v16;
	v27 =	vsub.f32 v45, v27;
	s31 =	sor.u32 $0x980, s22;
	v29 =	vmul.f32 v46, v49;
	v4 =	vld [tilespmem:s26+$0x2000]  }
0x218: {  	v16 =	vsub.f32 v23, v24;
	v61 =	vld [tilespmem:s31+$0x0];
	v54 =	vmul.f32 v50, v52;
	v26 =	vadd.f32 v51, v26  }
0x219: {  	v24 =	vmul.f32 v27, v27;
	v31 =	vmul.f32 v31, v31;
	s28 =	sor.u32 $0xA80, s22;
	v23 =	vsub.f32 $1.500000000e+00, v29;
	v29 =	vld [tilespmem:s31+$0x2000]  }
0x21a: {  	v6 =	vmul.f32 v6, v6;
	v51 =	vld [tilespmem:s28+$0x0];
	v27 =	vsub.f32 $1.500000000e+00, v54;
	v26 =	vadd.f32 v30, v26  }
0x21b: {  	v8 =	vmul.f32 v16, v16;
	v32 =	vsub.f32 v7, v53;
	v53 =	vld [tilespmem:s28+$0x2000];
	v30 =	vsub.f32 v17, v25  }
0x21c: {  	v20 =	vsub.f32 v28, v20;
	v25 =	vld [tilespmem:s26+$0x0];
	v56 =	vmul.f32 v50, v27;
	v26 =	vadd.f32 v24, v26  }
0x21d: {  	v27 =	vld [tilespmem:s21+$0x800];
	v24 =	vmul.f32 v46, v23;
	v28 =	vmul.f32 v30, v30;
	v30 =	vsel vm0, v7, v21  }
0x21e: {  	v23 =	vmul.f32 v56, v48;
	v30 =	vsub.f32 v30, v55;
	v55 =	vld [tilespmem:s21+$0x900];
	v8 =	vadd.f32 v8, v26  }
0x21f: {  	v31 =	vadd.f32 v31, v6;
	v16 =	vld [tilespmem:s21+$0x300];
	v20 =	vmul.f32 v20, v20;
	v19 =	vsub.f32 v19, v47  }
0x220: {  	v17 =	vld [tilespmem:s21+$0x0];
	v60 =	vmul.f32 $5.000000000e-01, v4;
	v23 =	vmul.f32 v23, v56;
	v8 =	vadd.f32 v28, v8  }
0x221: {  	s26 =	sor.u32 $0x80, s22;
	v29 =	vsub.f32 v61, v29;
	v53 =	vsub.f32 v51, v53;
	v58 =	vmul.f32 $5.000000000e-01, v25;
	v28 =	vld [tilespmem:s21+$0x2100]  }
0x222: {  	v2 =	vsub.f32 $1.500000000e+00, v23;
	v23 =	vmul.f32 v19, v19;
	v19 =	vld [tilespmem:s26+$0x0];
	v8 =	vadd.f32 v20, v8  }
0x223: {  	v59 =	vmul.f32 v25, v3;
	v57 =	vmul.f32 $5.000000000e-01, v27;
	v37 =	vsub.f32 v55, v37  }
0x224: {  	v15 =	vld [tilespmem:s21+$0x2000];
	v33 =	vmul.f32 v2, v56;
	v2 =	vadd.f32 v23, v8;
	v8 =	vmul.f32 $5.000000000e-01, v3  }
0x225: {  	v29 =	vmul.f32 v29, v29;
	v46 =	vmul.f32 v27, v5;
	v39 =	vsub.f32 v16, v57  }
0x226: {  	s23 =	sor.u32 $0x280, s22;
	v20 =	vld [tilespmem:s26+$0x2000];
	v34 =	vadd.f32 v57, v16;
	v37 =	vmul.f32 v37, v37;
	v62 =	vsub.f32 v17, v8  }
0x227: {  	v23 =	vld [tilespmem:s23+$0x0];
	v44 =	vmul.f32 $5.000000000e-01, v28;
	v8 =	vadd.f32 v8, v17;
	v47 =	vsub.f32 v19, v58  }
0x228: {  	s29 =	sor.u32 $0xB80, s25;
	v45 =	vld [tilespmem:s21+$0xA00];
	v49 =	vmul.f32 v4, v28;
	v35 =	vadd.f32 v58, v19;
	v29 =	vadd.f32 v29, v37  }
0x229: {  	v54 =	vld [tilespmem:s29+$0x0];
	v36 =	vmul.f32 v33, v48;
	v50 =	vadd.f32 v44, v15;
	v44 =	vsub.f32 v15, v44  }
0x22a: {  	v43 =	vmul.f32 $5.000000000e-01, v5;
	v48 =	vld [tilespmem:s21+$0x2A00];
	v38 =	vadd.f32 v59, v49;
	v46 =	vadd.f32 v46, v49  }
0x22b: {  	v61 =	vld [tilespmem:s21+$0x2B00];
	v36 =	vmul.f32 v36, v33;
	v63 =	vadd.f32 v60, v20;
	v40 =	vsub.f32 v20, v60  }
0x22c: {  	v58 =	vld [tilespmem:s29+$0x2000];
	v52 =	vsub.f32 v23, v43;
	v8 =	vmin.f32 v8, v50;
	v43 =	vadd.f32 v43, v23  }
0x22d: {  	v59 =	vld [tilespmem:s21+$0xB00];
	v57 =	vmax.f32 v62, v44;
	v36 =	vsub.f32 $1.500000000e+00, v36;
	v35 =	vmin.f32 v35, v63  }
0x22e: {  	v34 =	vmin.f32 v34, v63;
	v60 =	vmax.f32 v47, v40;
	v62 =	vld [tilespmem:s21+$0x1000];
	v8 =	vsub.f32 v8, v57  }
0x22f: {  	v63 =	vld [tilespmem:s21+$0x3000];
	v39 =	vmax.f32 v39, v40;
	v45 =	vsub.f32 v45, v48;
	v35 =	vsub.f32 v35, v60  }
0x230: {  	v34 =	vsub.f32 v34, v39;
	v52 =	vmax.f32 v52, v44;
	v43 =	vmin.f32 v43, v50  }
0x231: {  	v42 =	vsub.f32 v54, v58;
	v33 =	vmul.f32 v36, v33;
	v43 =	vsub.f32 v43, v52  }
0x232: {  	s30 =	sor.u32 $0x1080, s22;
	v8 =	vmax.f32 v8, $0.0e+00;
	v35 =	vmax.f32 v35, $0.0e+00;
	v34 =	vmax.f32 v34, $0.0e+00  }
0x233: {  	v55 =	vld [tilespmem:s30+$0x0];
	v58 =	vmul.f32 v45, v45;
	v35 =	vmul.f32 v35, v8;
	v52 =	vmax.f32 v43, $0.0e+00  }
0x234: {  	v56 =	vld [tilespmem:s30+$0x2000];
	v8 =	vsub.f32 v59, v61;
	v62 =	vsub.f32 v62, v63;
	v34 =	vmul.f32 v34, v52  }
0x235: {  	s31 =	sor.u32 $0x1180, s22;
	v57 =	vld [tilespmem:s21+$0x1100];
	v29 =	vadd.f32 v58, v29;
	v63 =	vmul.f32 v53, v53;
	v60 =	vsub.f32 v38, v35  }
0x236: {  	v26 =	vmul.f32 v24, v18;
	v48 =	vld [tilespmem:s31+$0x2000];
	v33 =	vmul.f32 v33, v12;
	v12 =	vsub.f32 v46, v34  }
0x237: {  	v50 =	vld [tilespmem:s21+$0x1200];
	v8 =	vmul.f32 v8, v8;
	v29 =	vadd.f32 v63, v29;
	(erf) = vrcp.f32 v60  }
0x238: {  	v31 =	vadd.f32 v31, v10;
	v59 =	vld [tilespmem:s21+$0x3100];
	(erf) = vrcp.f32 v12  }
0x239: {  	v61 =	vld [tilespmem:s31+$0x0];
	v8 =	vadd.f32 v8, v29;
	v12 =	vmul.f32 v26, v24;
	v26 =	vmul.f32 v42, v42  }
0x23a: {  	vm1 =	vgt.f32 v22, $0.0e+00;
	s2 =	sor.u32 $0x1280, s22;
	v14 =	vadd.f32 v31, v14;
	v52 =	vld [tilespmem:s21+$0x3200]  }
0x23b: {  	v51 =	vsub.f32 v55, v56;
	v54 =	vld [tilespmem:s2+$0x0];
	v40 =	vmul.f32 v62, v62;
	v26 =	vadd.f32 v26, v8  }
0x23c: {  	v32 =	vmul.f32 v32, v32;
	v30 =	vmul.f32 v30, v30;
	s26 =	sor.u32 $0x1380, s25;
	v29 =	vld [tilespmem:s2+$0x2000];
	v55 =	vsub.f32 $1.500000000e+00, v12  }
0x23d: {  	v56 =	vld [tilespmem:s26+$0x0];
	v36 =	vmul.f32 v51, v51;
	v53 =	vsub.f32 v57, v59;
	v26 =	vadd.f32 v40, v26  }
0x23e: {  	v38 =	vsub.f32 v61, v48;
	v57 =	vsub.f32 v21, v22;
	v59 =	vld [tilespmem:s26+$0x2000];
	v24 =	vmul.f32 v55, v24  }
0x23f: {  	v62 =	vld [tilespmem:s21+$0x3300];
	v37 =	vsub.f32 v50, v52;
	v58 =	vmul.f32 v53, v53;
	v26 =	vadd.f32 v36, v26  }
0x240: {  	v61 =	vld [tilespmem:s21+$0x1300];
	v50 =	vadd.f32 v33, v33;
	v8 =	vsel vm1, $0x3F800000, v0;
	v18 =	vmul.f32 v24, v18  }
0x241: {  	v38 =	vmul.f32 v38, v38;
	v12 =	vsub.f32 $1.000000000e+00, v8;
	v29 =	vsub.f32 v54, v29;
	v22 =	vpop (erf)  }
0x242: {  	v60 =	vld [tilespmem:s24+$0x2000];
	v35 =	vmul.f32 v22, v35;
	v22 =	vsel vm0, v21, v7;
	v7 =	vmul.f32 v18, v24  }
0x243: {  	v37 =	vmul.f32 v37, v37;
	v63 =	vsub.f32 v56, v59;
	v21 =	vld [tilespmem:s21+$0x2800];
	v36 =	vadd.f32 v58, v26;
	v26 =	vpop (erf)  }
0x244: {  	v18 =	vmul.f32 v57, v57;
	v7 =	vsub.f32 $1.500000000e+00, v7;
	v34 =	vmul.f32 v26, v34  }
0x245: {  	v54 =	vsub.f32 v61, v62;
	v29 =	vmul.f32 v29, v29;
	v33 =	vmul.f32 v63, v63;
	v58 =	vld [tilespmem:s23+$0x2000]  }
0x246: {  	v61 =	vld [tilespmem:s21+$0x2300];
	v18 =	vadd.f32 v32, v18;
	v48 =	vmul.f32 v7, v24;
	vm0 =	vgt.f32 v34, v35  }
0x247: {  	s28 =	sor.u32 $0x1880, s22;
	v49 =	vld [tilespmem:s21+$0x3800];
	v26 =	vadd.f32 v30, v30;
	v6 =	vsel vm0, v5, v3;
	v5 =	vsel vm0, v60, v28  }
0x248: {  	v51 =	vld [tilespmem:s28+$0x0];
	v3 =	vsel vm0, v21, v4;
	v4 =	vsel vm0, v27, v25;
	v25 =	vmul.f32 v48, v9  }
0x249: {  	v52 =	vld [tilespmem:s21+$0x3900];
	v24 =	vmax.f32 v35, v34;
	v28 =	vadd.f32 v38, v36;
	v7 =	vmul.f32 v5, v6  }
0x24a: {  	v21 =	vld [tilespmem:s28+$0x2000];
	v17 =	vsel vm0, v23, v17;
	v15 =	vsel vm0, v58, v15;
	v25 =	vadd.f32 v25, v25  }
0x24b: {  	v30 =	vld [tilespmem:s21+$0x1800];
	v34 =	vsel vm0, v61, v20;
	v53 =	vshrl.u32 v7, $0x1;
	v10 =	vmul.f32 $5.000000000e-01, v7  }
0x24c: {  	s29 =	sor.u32 $0x1980, s22;
	v27 =	vld [tilespmem:s21+$0x1900];
	v9 =	vmul.f32 v3, v4;
	v56 =	vsub.s32 $0x5F3759DF, v53;
	v14 =	vsub.f32 v14, v25  }
0x24d: {  	v55 =	vld [tilespmem:s29+$0x0];
	v15 =	vsub.f32 v17, v15;
	v28 =	vadd.f32 v37, v28;
	v31 =	vmul.f32 v56, v10  }
0x24e: {  	v57 =	vld [tilespmem:s29+$0x2000];
	v59 =	vshrl.u32 v9, $0x1;
	v35 =	vmul.f32 $5.000000000e-01, v9;
	v13 =	vadd.f32 v14, v13  }
0x24f: {  	v60 =	vadd.f32 v29, v28;
	v25 =	vld [tilespmem:s21+$0x1A00];
	v28 =	vsub.f32 v51, v21;
	v21 =	vmul.f32 v56, v31  }
0x250: {  	s31 =	sor.u32 $0x880, s22;
	v30 =	vsub.f32 v30, v49;
	v36 =	vsub.s32 $0x5F3759DF, v59;
	v29 =	vld [tilespmem:s21+$0x3A00];
	v13 =	vadd.f32 v13, v11  }
0x251: {  	v62 =	vsub.f32 v27, v52;
	v42 =	vmul.f32 v36, v35;
	v11 =	vld [tilespmem:s31+$0x0];
	v14 =	vsub.f32 $1.500000000e+00, v21  }
0x252: {  	s30 =	sor.u32 $0x1A80, s22;
	v31 =	vmul.f32 v30, v30;
	v23 =	vmul.f32 v28, v28;
	v63 =	vsub.f32 v13, v50;
	v13 =	vld [tilespmem:s21+$0x200]  }
0x253: {  	v32 =	vld [tilespmem:s30+$0x2000];
	v17 =	vsel vm0, v16, v19;
	v21 =	vmul.f32 v56, v14;
	v14 =	vmul.f32 v54, v54  }
0x254: {  	v27 =	vsub.f32 v55, v57;
	v30 =	vld [tilespmem:s30+$0x0];
	v19 =	vmul.f32 v62, v62;
	v37 =	vmul.f32 v36, v42  }
0x255: {  	s25 =	simm.s32 $0x20;
	s22 =	simm.s32 $0x100;
	v16 =	vld [tilespmem:s31+$0x2000];
	v28 =	vmul.f32 v21, v10;
	v20 =	vadd.f32 v14, v60;
	v14 =	vmul.f32 $5.000000000e+00, v63  }
.LBB2_8:
0x256: {  	s0 =	sand.u32 $0xFFFFFC00, s22  }
0x257: {  	s2 =	sand.u32 $0x70, s25;
	s26 =	sand.u32 $0x400, s22;
	v38 =	vsel vm0, v11, v13;
	v34 =	vsub.f32 v17, v34;
	v39 =	vsub.f32 v25, v29;
	s28 =	smov.u32 s25  }
0x258: {  	s23 =	sadd.s32 $0x10, s25;
	s24 =	sadd.s32 s0, s28;
	v29 =	vld [tilespmem:s21+$0x2200];
	s21 =	sor.u32 s2, s26;
	v17 =	vadd.f32 v33, v20;
	v20 =	vmul.f32 v22, v22;
	v22 =	vadd.f32 v14, v26  }
0x259: {  	p0 =	slt.u32 s25, $0xF0;
	v32 =	vsub.f32 v30, v32;
	v12 =	vmul.f32 v18, v12;
	v25 =	vsub.f32 $1.500000000e+00, v37;
	s0 =	sor.u32 $0x180, s24;
	v26 =	vld [tilespmem:s21+$0x2900];
	s29 =	sor.u32 $0x980, s24  }
0x25a: {  	v14 =	vld [tilespmem:s21+$0x2000];
	v17 =	vadd.f32 v31, v17;
	v20 =	vadd.f32 v22, v20  }
0x25b: {  	s25 =	sor.u32 s28, s22;
	v18 =	vsub.f32 v38, v24;
	v36 =	vmul.f32 v36, v25;
	v37 =	vld [tilespmem:s29+$0x2000];
	v22 =	vsub.f32 v11, v16  }
0x25c: {  	s26 =	sor.u32 $0x380, s25;
	v16 =	vld [tilespmem:s21+$0x0];
	v23 =	vadd.f32 v23, v17;
	v2 =	vadd.f32 v2, v20  }
0x25d: {  	v24 =	vmul.f32 v27, v27;
	s2 =	sor.u32 $0x80, s24;
	v20 =	vmul.f32 v36, v35;
	v25 =	vld [tilespmem:s0+$0x0]  }
0x25e: {  	s28 =	sor.u32 $0x280, s24;
	v17 =	vld [tilespmem:s21+$0x300];
	v19 =	vadd.f32 v19, v23;
	v2 =	vmul.f32 v2, v8;
	v8 =	vmul.f32 $5.000000000e-01, v12  }
0x25f: {  	v12 =	vmul.f32 v20, v36;
	v27 =	vld [tilespmem:s21+$0x800]  }
0x260: {  	v20 =	vmul.f32 v39, v39;
	v30 =	vld [tilespmem:s21+$0x100];
	v19 =	vadd.f32 v24, v19;
	v2 =	vadd.f32 v2, v8  }
0x261: {  	v8 =	vsub.f32 $1.500000000e+00, v12;
	v12 =	vmul.f32 v32, v32;
	v31 =	vld [tilespmem:s0+$0x2000]  }
0x262: {  	v32 =	vld [tilespmem:s26+$0x0];
	v24 =	vmul.f32 $5.000000000e-01, v25;
	v20 =	vadd.f32 v20, v19;
	v1 =	vadd.f32 v2, v1  }
0x263: {  	v8 =	vmul.f32 v8, v36;
	v33 =	vld [tilespmem:s21+$0x2100]  }
0x264: {  	v19 =	vld [tilespmem:s2+$0x0];
	v36 =	vmul.f32 $5.000000000e-01, v27;
	v2 =	vadd.f32 v12, v20  }
0x265: {  	v23 =	vld [tilespmem:s28+$0x0];
	v12 =	vmul.f32 $5.000000000e-01, v30;
	v38 =	vmul.f32 v25, v30  }
0x266: {  	v35 =	vmul.f32 v8, v35;
	v20 =	vld [tilespmem:s2+$0x2000];
	v39 =	vsub.f32 v17, v36;
	v36 =	vadd.f32 v36, v17  }
0x267: {  	v40 =	vmul.f32 $5.000000000e-01, v31;
	v41 =	vsub.f32 v16, v12;
	v42 =	vmul.f32 $5.000000000e-01, v32;
	v43 =	vld [tilespmem:s29+$0x0]  }
0x268: {  	v12 =	vadd.f32 v12, v16;
	v45 =	vmul.f32 v27, v32;
	v44 =	vmul.f32 $5.000000000e-01, v33;
	v46 =	vld [tilespmem:s21+$0xA00]  }
0x269: {  	s0 =	sor.u32 $0xA80, s24;
	v47 =	vmul.f32 v31, v33;
	v48 =	vsub.f32 v19, v24;
	v24 =	vadd.f32 v24, v19;
	v49 =	vld [tilespmem:s21+$0x2A00]  }
0x26a: {  	v35 =	vmul.f32 v35, v8;
	v50 =	vadd.f32 v44, v14;
	v51 =	vsub.f32 v23, v42;
	v52 =	vld [tilespmem:s0+$0x0]  }
0x26b: {  	v44 =	vsub.f32 v14, v44;
	v38 =	vadd.f32 v38, v47;
	v53 =	vld [tilespmem:s0+$0x2000];
	s0 =	sor.u32 $0xB80, s25  }
0x26c: {  	v42 =	vadd.f32 v42, v23;
	v45 =	vadd.f32 v45, v47;
	v12 =	vmin.f32 v12, v50;
	v47 =	vld [tilespmem:s0+$0x0]  }
0x26d: {  	v54 =	vadd.f32 v40, v20;
	v51 =	vmax.f32 v51, v44;
	v37 =	vsub.f32 v43, v37;
	v55 =	vld [tilespmem:s21+$0x900]  }
0x26e: {  	v35 =	vsub.f32 $1.500000000e+00, v35;
	v40 =	vsub.f32 v20, v40;
	v41 =	vmax.f32 v41, v44;
	v43 =	vld [tilespmem:s0+$0x2000]  }
0x26f: {  	v24 =	vmin.f32 v24, v54;
	v12 =	vsub.f32 v12, v41;
	v36 =	vmin.f32 v36, v54;
	v41 =	vld [tilespmem:s21+$0xB00]  }
0x270: {  	v42 =	vmin.f32 v42, v50;
	v44 =	vmax.f32 v48, v40;
	v37 =	vmul.f32 v37, v37;
	v48 =	vld [tilespmem:s21+$0x2B00]  }
0x271: {  	v42 =	vsub.f32 v42, v51;
	v46 =	vsub.f32 v46, v49;
	v12 =	vmax.f32 v12, $0.0e+00;
	v49 =	vld [tilespmem:s21+$0x1000]  }
0x272: {  	v39 =	vmax.f32 v39, v40;
	v24 =	vsub.f32 v24, v44;
	s0 =	sor.u32 $0x1080, s24;
	v26 =	vsub.f32 v55, v26;
	v40 =	vld [tilespmem:s21+$0x3000]  }
0x273: {  	v42 =	vmax.f32 v42, $0.0e+00;
	v44 =	vsub.f32 v52, v53;
	v43 =	vsub.f32 v47, v43;
	v47 =	vld [tilespmem:s0+$0x0]  }
0x274: {  	v36 =	vsub.f32 v36, v39;
	v24 =	vmax.f32 v24, $0.0e+00;
	v26 =	vmul.f32 v26, v26;
	v39 =	vld [tilespmem:s0+$0x2000]  }
0x275: {  	v8 =	vmul.f32 v35, v8;
	v24 =	vmul.f32 v24, v12;
	v12 =	vsub.f32 v41, v48;
	v41 =	vld [tilespmem:s21+$0x1100]  }
0x276: {  	v35 =	vmax.f32 v36, $0.0e+00;
	v36 =	vmul.f32 v46, v46;
	s0 =	sor.u32 $0x1180, s24;
	v26 =	vadd.f32 v37, v26;
	v37 =	vld [tilespmem:s21+$0x3100]  }
0x277: {  	v35 =	vmul.f32 v35, v42;
	v38 =	vsub.f32 v38, v24;
	v40 =	vsub.f32 v49, v40;
	v42 =	vld [tilespmem:s0+$0x0]  }
0x278: {  	v9 =	vmul.f32 v8, v9;
	v26 =	vadd.f32 v36, v26;
	v36 =	vmul.f32 v44, v44;
	v44 =	vld [tilespmem:s0+$0x2000]  }
0x279: {  	v8 =	vsub.f32 v45, v35;
	v39 =	vsub.f32 v47, v39;
	v45 =	vld [tilespmem:s21+$0x1200];
	(erf) = vrcp.f32 v38  }
0x27a: {  	v12 =	vmul.f32 v12, v12;
	s0 =	sor.u32 $0x1280, s24;
	v26 =	vadd.f32 v36, v26;
	v36 =	vld [tilespmem:s21+$0x3200]  }
0x27b: {  	v37 =	vsub.f32 v41, v37;
	v38 =	vld [tilespmem:s0+$0x0];
	(erf) = vrcp.f32 v8;
	v8 =	vmul.f32 v28, v21  }
0x27c: {  	v34 =	vmul.f32 v34, v34;
	v12 =	vadd.f32 v12, v26;
	v26 =	vmul.f32 v43, v43;
	v28 =	vld [tilespmem:s0+$0x2000]  }
0x27d: {  	vm1 =	vgt.f32 v29, $0.0e+00;
	v41 =	vld [tilespmem:s28+$0x2000];
	v42 =	vsub.f32 v42, v44;
	v43 =	vsub.f32 $1.500000000e+00, v8  }
0x27e: {  	v40 =	vmul.f32 v40, v40;
	v8 =	vsel vm1, $0x3F800000, v0;
	v44 =	vld [tilespmem:s26+$0x2000];
	v26 =	vadd.f32 v26, v12  }
0x27f: {  	v12 =	vsub.f32 $1.000000000e+00, v8;
	v46 =	vld [tilespmem:s21+$0x2800];
	v36 =	vsub.f32 v45, v36;
	v21 =	vmul.f32 v43, v21  }
0x280: {  	v39 =	vmul.f32 v39, v39;
	s0 =	sor.u32 $0x1380, s25;
	v43 =	vld [tilespmem:s21+$0x2300];
	v26 =	vadd.f32 v40, v26;
	v40 =	vmul.f32 v22, v22  }
0x281: {  	v29 =	vsub.f32 v13, v29;
	v28 =	vsub.f32 v38, v28;
	v38 =	vld [tilespmem:s0+$0x0];
	v10 =	vmul.f32 v21, v10  }
0x282: {  	v37 =	vmul.f32 v37, v37;
	v45 =	vmul.f32 v18, v18;
	v26 =	vadd.f32 v39, v26;
	v39 =	vld [tilespmem:s0+$0x2000];
	v22 =	vpop (erf)  }
0x283: {  	v24 =	vmul.f32 v22, v24;
	v47 =	vld [tilespmem:s21+$0x1300];
	v22 =	vsel vm0, v13, v11;
	v10 =	vmul.f32 v10, v21  }
0x284: {  	v15 =	vmul.f32 v15, v15;
	v11 =	vadd.f32 v37, v26;
	v13 =	vld [tilespmem:s21+$0x3300];
	v18 =	vpop (erf);
	v26 =	vmul.f32 v29, v29  }
0x285: {  	v36 =	vmul.f32 v36, v36;
	v29 =	vmul.f32 v42, v42;
	v37 =	vld [tilespmem:s21+$0x1800];
	v10 =	vsub.f32 $1.500000000e+00, v10  }
0x286: {  	s0 =	sor.u32 $0x1880, s24;
	v35 =	vmul.f32 v18, v35;
	v42 =	vld [tilespmem:s21+$0x3800];
	v18 =	vadd.f32 v40, v26;
	v26 =	vadd.f32 v45, v45  }
0x287: {  	v15 =	vadd.f32 v34, v15;
	v38 =	vsub.f32 v38, v39;
	v39 =	vld [tilespmem:s0+$0x0];
	v10 =	vmul.f32 v10, v21  }
0x288: {  	v34 =	vadd.f32 v9, v9;
	vm0 =	vgt.f32 v35, v24;
	v24 =	vmax.f32 v24, v35;
	v21 =	vld [tilespmem:s0+$0x2000]  }
0x289: {  	v30 =	vsel vm0, v32, v30;
	v32 =	vsel vm0, v44, v33;
	v40 =	vsel vm0, v46, v31;
	v31 =	vld [tilespmem:s21+$0x1900]  }
0x28a: {  	v27 =	vsel vm0, v27, v25;
	s0 =	sor.u32 $0x1980, s24;
	v33 =	vmul.f32 v10, v7;
	v7 =	vmul.f32 v32, v30;
	v44 =	vld [tilespmem:s21+$0x3900]  }
0x28b: {  	v15 =	vadd.f32 v15, v6;
	v11 =	vadd.f32 v29, v11;
	v9 =	vmul.f32 v40, v27;
	v6 =	vmovc v30;
	v45 =	vld [tilespmem:s0+$0x0]  }
0x28c: {  	v28 =	vmul.f32 v28, v28;
	v46 =	vsub.f32 v47, v13;
	v30 =	vshrl.u32 v7, $0x1;
	v25 =	vld [tilespmem:s21+$0x1A00]  }
0x28d: {  	v11 =	vadd.f32 v36, v11;
	v10 =	vmul.f32 $5.000000000e-01, v7;
	v13 =	vadd.f32 v33, v33;
	v29 =	vld [tilespmem:s21+$0x3A00]  }
0x28e: {  	v15 =	vadd.f32 v15, v5;
	v5 =	vmovc v32;
	v37 =	vsub.f32 v37, v42;
	v47 =	vsub.s32 $0x5F3759DF, v30;
	v42 =	vld [tilespmem:s0+$0x2000];
	s0 =	sor.u32 $0x1A80, s24  }
0x28f: {  	v48 =	vadd.f32 v28, v11;
	v36 =	vshrl.u32 v9, $0x1;
	v33 =	vmul.f32 v47, v10;
	v30 =	vld [tilespmem:s0+$0x0]  }
0x290: {  	v35 =	vmul.f32 $5.000000000e-01, v9;
	v28 =	vsub.f32 v39, v21;
	v11 =	vsub.f32 v15, v13;
	v32 =	vld [tilespmem:s0+$0x2000]  }
0x291: {  	v13 =	vmul.f32 v47, v33;
	v33 =	vmul.f32 v38, v38;
	v38 =	vsub.f32 v31, v44  }
0x292: {  	v36 =	vsub.s32 $0x5F3759DF, v36;
	v31 =	vmul.f32 v37, v37;
	v15 =	vadd.f32 v11, v4;
	v4 =	vmovc v27;
	s0 =	sor.u32 $0x880, s24  }
0x293: {  	v37 =	vmul.f32 v36, v35;
	v21 =	vsub.f32 $1.500000000e+00, v13;
	v11 =	vld [tilespmem:s0+$0x0];
	v27 =	vsub.f32 v45, v42  }
.Ltmp3:
0x294: {  	v16 =	vsel vm0, v23, v16;
	v14 =	vsel vm0, v41, v14;
	v39 =	vadd.f32 v15, v3;
	v3 =	vmovc v40;
	v13 =	vld [tilespmem:s21+$0x200];
	(pc) =	sbr.rel @p0 .LBB2_8-.Ltmp3, $4  }
0x295: {  	v23 =	vmul.f32 v28, v28;
	v15 =	vsub.f32 v16, v14;
	v21 =	vmul.f32 v47, v21  }
0x296: {  	v17 =	vsel vm0, v17, v19;
	v14 =	vmul.f32 v46, v46;
	v39 =	vsub.f32 v39, v34  }
0x297: {  	v19 =	vmul.f32 v38, v38;
	v34 =	vsel vm0, v43, v20;
	v28 =	vmul.f32 v21, v10  }
0x298: {  	s22 =	sadd.s32 $0x80, s22;
	s25 =	smov.u32 s23;
	v37 =	vmul.f32 v36, v37;
	v20 =	vadd.f32 v14, v48;
	v14 =	vmul.f32 $5.000000000e+00, v39;
	v16 =	vld [tilespmem:s0+$0x2000]  }
0x299: {  	_ = 	snop  }
0x29a: {  	v28 =	vmul.f32 v28, v21;
	v37 =	vsub.f32 $1.500000000e+00, v37;
	_ =	sdelay $0x1  }
0x29b: {  	v28 =	vsub.f32 $1.500000000e+00, v28;
	v36 =	vmul.f32 v36, v37;
	_ =	sdelay $0x1  }
0x29c: {  	v42 =	vmul.f32 v28, v21;
	v37 =	vmul.f32 v36, v35;
	_ =	sdelay $0x1  }
0x29d: {  	v10 =	vmul.f32 v42, v10;
	v43 =	vmul.f32 v37, v36  }
0x29e: {  	v17 =	vsub.f32 v17, v34  }
0x29f: {  	v10 =	vmul.f32 v10, v42;
	v28 =	vsub.f32 $1.500000000e+00, v43  }
0x2a0: {  	v15 =	vmul.f32 v15, v15;
	v17 =	vmul.f32 v17, v17  }
0x2a1: {  	v10 =	vsub.f32 $1.500000000e+00, v10;
	v28 =	vmul.f32 v28, v36  }
0x2a2: {  	v15 =	vadd.f32 v17, v15  }
0x2a3: {  	v10 =	vmul.f32 v10, v42;
	v44 =	vmul.f32 v28, v35  }
0x2a4: {  	v6 =	vadd.f32 v15, v6  }
0x2a5: {  	v7 =	vmul.f32 v10, v7;
	v45 =	vmul.f32 v44, v28  }
0x2a6: {  	v5 =	vadd.f32 v6, v5  }
0x2a7: {  	v7 =	vadd.f32 v7, v7;
	v47 =	vsub.f32 $1.500000000e+00, v45  }
0x2a8: {  	v48 =	vsub.f32 v25, v29;
	v49 =	vmul.f32 v22, v22;
	v46 =	vadd.f32 v33, v20  }
0x2a9: {  	v51 =	vsub.f32 v30, v32;
	v5 =	vsub.f32 v5, v7;
	v15 =	vmul.f32 v47, v28  }
0x2aa: {  	v50 =	vsel vm0, v11, v13;
	v14 =	vadd.f32 v14, v26;
	v10 =	vadd.f32 v31, v46  }
0x2ab: {  	v52 =	vld [tilespmem:s21+$0x2200];
	v53 =	vsub.f32 v50, v24;
	v4 =	vadd.f32 v5, v4;
	v9 =	vmul.f32 v15, v9  }
0x2ac: {  	v54 =	vmul.f32 v27, v27;
	v14 =	vadd.f32 v14, v49;
	v10 =	vadd.f32 v23, v10  }
0x2ad: {  	v59 =	vsel vm0, v13, v11;
	v3 =	vadd.f32 v4, v3;
	v9 =	vadd.f32 v9, v9  }
0x2ae: {  	v56 =	vmul.f32 v51, v51;
	v55 =	vsub.f32 v11, v16;
	v10 =	vadd.f32 v19, v10  }
0x2af: {  	v11 =	vmul.f32 v59, v59;
	v5 =	vmul.f32 v53, v53;
	v3 =	vsub.f32 v3, v9  }
0x2b0: {  	vm1 =	vgt.f32 v52, $0.0e+00;
	v6 =	vmul.f32 v48, v48;
	v7 =	vadd.f32 v54, v10  }
0x2b1: {  	v57 =	vsub.f32 v13, v52;
	v5 =	vadd.f32 v5, v5;
	v3 =	vmul.f32 $5.000000000e+00, v3  }
0x2b2: {  	v2 =	vadd.f32 v2, v14;
	v58 =	vsel vm1, $0x3F800000, v0;
	v6 =	vadd.f32 v6, v7  }
0x2b3: {  	v4 =	vmul.f32 v55, v55;
	v7 =	vmul.f32 v57, v57;
	v3 =	vadd.f32 v3, v5  }
0x2b4: {  	v62 =	vmul.f32 v18, v12;
	v61 =	vsub.f32 $1.000000000e+00, v58;
	v60 =	vadd.f32 v56, v6  }
0x2b5: {  	v4 =	vadd.f32 v4, v7;
	v3 =	vadd.f32 v3, v11  }
0x2b6: {  	v63 =	vmul.f32 $5.000000000e-01, v62  }
0x2b7: {  	v2 =	vmul.f32 v2, v8;
	v4 =	vmul.f32 v4, v61;
	v3 =	vadd.f32 v60, v3;
	_ =	sdelay $0x1  }
0x2b8: {  	v2 =	vadd.f32 v2, v63;
	v4 =	vmul.f32 $5.000000000e-01, v4;
	v3 =	vmul.f32 v3, v58;
	_ =	sdelay $0x1  }
0x2b9: {  	v1 =	vadd.f32 v2, v1;
	v2 =	vadd.f32 v3, v4;
	_ =	sdelay $0x1  }
0x2ba: {  	s20 =	sadd.s32 $0x1, s20;
	v1 =	vadd.f32 v2, v1  }
0x2bb: {  	p0 =	sne.s32 s20, s10  }
.Ltmp4:
0x2bc: {  	[tilespmem:$0x8000] =	vst v1;
	(pc) =	sbr.rel @p0 .LBB2_1-.Ltmp4, $4  }
0x2bd: {  	[hbm4b:s9+s4] =	stream.linear.scatter [tilespmem:s18], [sflag:$0x3], $0x80, $0x38;
	[tilespmem:$0x8080] =	vst v63  }
0x2be: {  	_ =	swait.ge [sflag:s19], $0x80  }
0x2bf: {  	[sflag:s19] =	ssyncset.done $0x0  }
0x2c0: {  	[sflag:s19] =	ssyncadd.s32 $0xFFFFFF80  }
0x2c1: {  	_ =	sfence.sel $0x180000  }
0x2c2: {  	[bflag:$0x0] =	sbarrier.arrive $0xFFFF  }
0x2c3: {  	_ =	strace $0x90000047  }
0x2c4: {  	s0 =	stileid.u32;
	[bflag:$0x2] =	sbarrier.arrive $0xFFFF  }
0x2c5: {  	p0 =	sne.s32 s0, $0x0;
	s0 =	rddreg [dreg:$0x3]  }
0x2c6: {  	s0 =	sadd.s32 @!p0 $0x100000, s0  }
0x2c7: {  	[sflag:s0] =	ssyncadd.tile.s32 @!p0 $0x1;
	_ =	shalt  }
.Lfunc_end2:
_tile_overlayer_lowered:
.L_overlay_start_2:
0x2c8: {  	(tag) =	ssettag $0x2  }
0x2c9: {  	s0 =	rddreg [dreg:$0x0];
	s2 =	stileid.u32  }
0x2ca: {  	s1 =	rddreg [dreg:$0x1];
	p0 =	sne.s32 s2, $0x0  }
0x2cb: {  	s3 =	rddreg [dreg:$0x2];
	[bflag:$0x3] =	sbarrier.arrive $0xFFFF;
	s2 =	simm.s32 @!p0 $0x1C03  }
0x2cc: {  	[timem:s3], [sflag:s2] =	dma.local @!p0 [hbm:s0], s1  }
0x2cd: {  	s0 =	simm.s32 @!p0 $0x3  }
0x2ce: {  	_ =	swait.ge @!p0 [sflag:s0], s1  }
0x2cf: {  	s1 =	ssub.s32 @!p0 $0x0, s1;
	[sflag:s0] =	ssyncset.done @!p0 $0x0  }
0x2d0: {  	[sflag:s0] =	ssyncadd.s32 @!p0 s1  }
0x2d1: {  	[bflag:$0x3] =	sbarrier.arrive $0xFFFF  }
0x2d2: {  	_ =	shalt  }

</sc_bundles>
